<compile_context>
chip_gen: v7x
topology: tpu7x:2x2x1
jax: 0.10.2.dev20260603
libtpu: 0.0.44.dev20260713+nightly
codegen_flags: <defaults>
</compile_context>

<pallas_src>
import jax
import jax.numpy as jnp
from jax import lax
from jax.experimental import pallas as pl
from jax.experimental.pallas import tpu as pltpu
from jax.experimental.pallas import tpu_sc as plsc

N = 10000
E = 320000
D_IN = 128
HIDDEN = 32
LATENT = 16
S = 1000

NC = 2
NS = 16
NW = NC * NS
L = 16

NP = 10240
ROWS_PT = NP // NS
K = 256
R2D = E // K
NCHUNK = 39
NTAIL = R2D - NW * NCHUNK
NB = 3
NT = NCHUNK // NB
MC = 1
NM = NCHUNK // MC
NBM = 3
GM = 2
NTM = NM // NBM
SP = 1024
SPT = SP // NW
AB = 8


def _sc_mesh():
    return plsc.VectorSubcoreMesh(
        core_axis_name="c", subcore_axis_name="s", num_cores=NC, num_subcores=NS
    )


_SC_PARAMS = pltpu.CompilerParams(use_tc_tiling_on_sc=False)


def _sc_degrees(src2d, dst2d):
    def body(src_hbm, dst_hbm, do_hbm, di_hbm, sidx_v, didx_v, tsx_v, tdx_v,
             ones_v, zrow_v, do_sh, di_sh, *sems):
        sa = sems[:NB]
        sb = sems[NB:]
        c = lax.axis_index("c")
        s = lax.axis_index("s")
        wid = c * NS + s
        zeros16 = jnp.zeros((L,), jnp.float32)
        ones16 = jnp.ones((L,), jnp.float32)
        for i in range(K // L):
            ones_v[pl.ds(i * L, L)] = ones16

        def zfill(i, carry):
            zrow_v[pl.ds(i * L, L)] = zeros16
            return carry

        lax.fori_loop(0, ROWS_PT // L, zfill, 0)
        r0 = s * ROWS_PT
        pltpu.sync_copy(zrow_v, do_sh.at[pl.ds(r0, ROWS_PT)])
        pltpu.sync_copy(zrow_v, di_sh.at[pl.ds(r0, ROWS_PT)])
        crow = wid * NCHUNK
        pltpu.sync_copy(src_hbm.at[pl.ds(crow, NCHUNK)], sidx_v)
        pltpu.sync_copy(dst_hbm.at[pl.ds(crow, NCHUNK)], didx_v)

        @pl.when(wid < NTAIL)
        def _():
            trow = NW * NCHUNK + wid
            pltpu.sync_copy(src_hbm.at[trow], tsx_v)
            pltpu.sync_copy(dst_hbm.at[trow], tdx_v)

        plsc.subcore_barrier()

        def outer(t, carry):
            for i in range(NB):
                j = t * NB + i

                @pl.when(t > 0)
                def _():
                    pltpu.make_async_copy(ones_v, do_sh.at[sidx_v.at[j]], sa[i]).wait()
                    pltpu.make_async_copy(ones_v, di_sh.at[didx_v.at[j]], sb[i]).wait()

                pltpu.async_copy(ones_v, do_sh.at[sidx_v.at[j]], sa[i], add=True)
                pltpu.async_copy(ones_v, di_sh.at[didx_v.at[j]], sb[i], add=True)
            return carry

        lax.fori_loop(0, NT, outer, 0)
        for i in range(NB):
            pltpu.make_async_copy(ones_v, do_sh.at[sidx_v.at[i]], sa[i]).wait()
            pltpu.make_async_copy(ones_v, di_sh.at[didx_v.at[i]], sb[i]).wait()

        @pl.when(wid < NTAIL)
        def _():
            pltpu.sync_copy(ones_v, do_sh.at[tsx_v], add=True)
            pltpu.sync_copy(ones_v, di_sh.at[tdx_v], add=True)

        plsc.subcore_barrier()
        pltpu.sync_copy(do_sh.at[pl.ds(r0, ROWS_PT)], do_hbm.at[c, pl.ds(r0, ROWS_PT)])
        pltpu.sync_copy(di_sh.at[pl.ds(r0, ROWS_PT)], di_hbm.at[c, pl.ds(r0, ROWS_PT)])

    return pl.kernel(
        body,
        out_type=[
            jax.ShapeDtypeStruct((NC, NP), jnp.float32),
            jax.ShapeDtypeStruct((NC, NP), jnp.float32),
        ],
        mesh=_sc_mesh(),
        compiler_params=_SC_PARAMS,
        scratch_types=[
            pltpu.VMEM((NCHUNK, K), jnp.int32),
            pltpu.VMEM((NCHUNK, K), jnp.int32),
            pltpu.VMEM((K,), jnp.int32),
            pltpu.VMEM((K,), jnp.int32),
            pltpu.VMEM((K,), jnp.float32),
            pltpu.VMEM((ROWS_PT,), jnp.float32),
            pltpu.VMEM_SHARED((NP,), jnp.float32),
            pltpu.VMEM_SHARED((NP,), jnp.float32),
        ] + [pltpu.SemaphoreType.DMA] * (2 * NB),
    )(src2d, dst2d)


def _segsum_core(tab_hbm, sidx_v, didx_v, tsx_v, tdx_v, rows_v, acc_sh, sg, ss,
                 wid, s, W):
    zeros16 = jnp.zeros((L,), jnp.float32)

    def zfill(i, carry):
        for j in range(W // L):
            rows_v[0, i, pl.ds(j * L, L)] = zeros16
        return carry

    lax.fori_loop(0, K, zfill, 0)
    r0 = s * ROWS_PT
    for j in range(ROWS_PT // K):
        pltpu.sync_copy(rows_v.at[0], acc_sh.at[pl.ds(r0 + j * K, K)])
    rem = ROWS_PT % K
    if rem:
        pltpu.sync_copy(rows_v.at[0].at[pl.ds(0, rem)],
                        acc_sh.at[pl.ds(r0 + ROWS_PT - rem, rem)])
    plsc.subcore_barrier()

    def sidx_at(j):
        return sidx_v.at[j]

    def didx_at(j):
        return didx_v.at[j]

    for j in range(GM):
        pltpu.async_copy(tab_hbm.at[sidx_at(j)], rows_v.at[j], sg[j])

    def outer(t, carry):
        for i in range(NBM):
            j = t * NBM + i
            pltpu.make_async_copy(
                tab_hbm.at[sidx_at(j)], rows_v.at[i], sg[i]).wait()
            pltpu.async_copy(rows_v.at[i], acc_sh.at[didx_at(j)], ss[i], add=True)
            jj = j + GM
            bg = (i + GM) % NBM

            def start_gather():
                pltpu.make_async_copy(
                    rows_v.at[bg], acc_sh.at[didx_at(j)], ss[bg]).wait()
                pltpu.async_copy(tab_hbm.at[sidx_at(jj)], rows_v.at[bg], sg[bg])

            if i < NBM - GM:
                @pl.when(t > 0)
                def _():
                    start_gather()

                @pl.when(jnp.logical_and(t == 0, jj < NM))
                def _():
                    pltpu.async_copy(tab_hbm.at[sidx_at(jj)], rows_v.at[bg], sg[bg])
            else:
                @pl.when(jj < NM)
                def _():
                    start_gather()
        return carry

    lax.fori_loop(0, NTM, outer, 0)
    for i in range(NBM):
        pltpu.make_async_copy(rows_v.at[i], acc_sh.at[didx_at(i)], ss[i]).wait()

    @pl.when(wid < NTAIL)
    def _():
        pltpu.async_copy(tab_hbm.at[tsx_v], rows_v.at[0], sg[0]).wait()
        pltpu.sync_copy(rows_v.at[0], acc_sh.at[tdx_v], add=True)

    plsc.subcore_barrier()


def _stage_indices(src_hbm, dst_hbm, sidx_v, didx_v, tsx_v, tdx_v, wid, sg):
    crow = wid * NCHUNK
    pltpu.async_copy(src_hbm.at[pl.ds(crow, NCHUNK)], sidx_v, sg[0])
    pltpu.async_copy(dst_hbm.at[pl.ds(crow, NCHUNK)], didx_v, sg[1])

    @pl.when(wid < NTAIL)
    def _():
        trow = NW * NCHUNK + wid
        pltpu.sync_copy(src_hbm.at[trow], tsx_v)
        pltpu.sync_copy(dst_hbm.at[trow], tdx_v)

    pltpu.make_async_copy(src_hbm.at[pl.ds(crow, NCHUNK)], sidx_v, sg[0]).wait()
    pltpu.make_async_copy(dst_hbm.at[pl.ds(crow, NCHUNK)], didx_v, sg[1]).wait()


def _sc_segsum(table, src2d, dst2d, W):
    def body(tab_hbm, src_hbm, dst_hbm, out_hbm, sidx_v, didx_v, tsx_v, tdx_v,
             rows_v, acc_sh, *sems):
        sg = sems[:NBM]
        ss = sems[NBM:]
        c = lax.axis_index("c")
        s = lax.axis_index("s")
        wid = c * NS + s
        _stage_indices(src_hbm, dst_hbm, sidx_v, didx_v, tsx_v, tdx_v, wid, sg)
        _segsum_core(tab_hbm, sidx_v, didx_v, tsx_v, tdx_v, rows_v, acc_sh,
                     sg, ss, wid, s, W)
        r0 = s * ROWS_PT
        pltpu.sync_copy(acc_sh.at[pl.ds(r0, ROWS_PT)], out_hbm.at[c, pl.ds(r0, ROWS_PT)])

    return pl.kernel(
        body,
        out_type=jax.ShapeDtypeStruct((NC, NP, W), jnp.float32),
        mesh=_sc_mesh(),
        compiler_params=_SC_PARAMS,
        scratch_types=[
            pltpu.VMEM((NCHUNK, K), jnp.int32),
            pltpu.VMEM((NCHUNK, K), jnp.int32),
            pltpu.VMEM((K,), jnp.int32),
            pltpu.VMEM((K,), jnp.int32),
            pltpu.VMEM((NBM, K, W), jnp.float32),
            pltpu.VMEM_SHARED((NP, W), jnp.float32),
        ] + [pltpu.SemaphoreType.DMA] * (2 * NBM),
    )(table, src2d, dst2d)


def _sc_segsum_sample(table, src2d, dst2d, ab, samp):
    W = LATENT
    SGT = SP // NS

    def body(tab_hbm, src_hbm, dst_hbm, ab_hbm, samp_hbm, g_hbm, gab_hbm,
             sidx_v, didx_v, tsx_v, tdx_v, rows_v, smp_v, gr_v, gab_v, acc_sh,
             *sems):
        sg = sems[:NBM]
        ss = sems[NBM:]
        c = lax.axis_index("c")
        s = lax.axis_index("s")
        wid = c * NS + s
        pltpu.sync_copy(samp_hbm, smp_v)
        _stage_indices(src_hbm, dst_hbm, sidx_v, didx_v, tsx_v, tdx_v, wid, sg)
        _segsum_core(tab_hbm, sidx_v, didx_v, tsx_v, tdx_v, rows_v, acc_sh,
                     sg, ss, wid, s, W)
        srow = s * SGT
        pltpu.async_copy(acc_sh.at[smp_v.at[pl.ds(srow, SGT)]], gr_v, sg[0])
        abase = wid * SPT
        pltpu.async_copy(ab_hbm.at[smp_v.at[pl.ds(abase, SPT)]], gab_v, sg[1])
        pltpu.make_async_copy(acc_sh.at[smp_v.at[pl.ds(srow, SGT)]], gr_v, sg[0]).wait()
        pltpu.make_async_copy(ab_hbm.at[smp_v.at[pl.ds(abase, SPT)]], gab_v, sg[1]).wait()
        pltpu.sync_copy(gr_v, g_hbm.at[c, pl.ds(srow, SGT)])
        pltpu.sync_copy(gab_v, gab_hbm.at[pl.ds(abase, SPT)])

    return pl.kernel(
        body,
        out_type=[
            jax.ShapeDtypeStruct((NC, SP, LATENT), jnp.float32),
            jax.ShapeDtypeStruct((SP, AB), jnp.float32),
        ],
        mesh=_sc_mesh(),
        compiler_params=_SC_PARAMS,
        scratch_types=[
            pltpu.VMEM((NCHUNK, K), jnp.int32),
            pltpu.VMEM((NCHUNK, K), jnp.int32),
            pltpu.VMEM((K,), jnp.int32),
            pltpu.VMEM((K,), jnp.int32),
            pltpu.VMEM((NBM, K, W), jnp.float32),
            pltpu.VMEM((SP,), jnp.int32),
            pltpu.VMEM((SP // NS, LATENT), jnp.float32),
            pltpu.VMEM((SPT, AB), jnp.float32),
            pltpu.VMEM_SHARED((NP, W), jnp.float32),
        ] + [pltpu.SemaphoreType.DMA] * (2 * NBM),
    )(table, src2d, dst2d, ab, samp)


def _tc_xw(x, W1):
    BM = 5000

    def body(x_ref, w_ref, o_ref):
        o_ref[...] = jnp.dot(x_ref[...], w_ref[...],
                             preferred_element_type=jnp.float32)

    return pl.pallas_call(
        body,
        grid=(N // BM,),
        in_specs=[
            pl.BlockSpec((BM, D_IN), lambda i: (i, 0)),
            pl.BlockSpec((D_IN, HIDDEN), lambda i: (0, 0)),
        ],
        out_specs=pl.BlockSpec((BM, HIDDEN), lambda i: (i, 0)),
        out_shape=jax.ShapeDtypeStruct((N, HIDDEN), jnp.float32),
    )(x, W1)


def _tc_scale(xw, degt):
    BM = 5000

    def body(xw_ref, d_ref, h_ref, ab_ref):
        dout = d_ref[:, 0:1] + d_ref[:, 1:2]
        din = d_ref[:, 2:3] + d_ref[:, 3:4]
        a = lax.rsqrt(jnp.maximum(dout, 1.0))
        b = lax.rsqrt(jnp.maximum(din, 1.0))
        h_ref[...] = xw_ref[...] * a
        ab_ref[...] = jnp.concatenate(
            [a, b, jnp.zeros((BM, AB - 2), jnp.float32)], axis=1)

    return pl.pallas_call(
        body,
        grid=(N // BM,),
        in_specs=[
            pl.BlockSpec((BM, HIDDEN), lambda i: (i, 0)),
            pl.BlockSpec((BM, 4), lambda i: (i, 0)),
        ],
        out_specs=[
            pl.BlockSpec((BM, HIDDEN), lambda i: (i, 0)),
            pl.BlockSpec((BM, AB), lambda i: (i, 0)),
        ],
        out_shape=[
            jax.ShapeDtypeStruct((N, HIDDEN), jnp.float32),
            jax.ShapeDtypeStruct((N, AB), jnp.float32),
        ],
    )(xw, degt)


def _tc_mid(s1p, ab, W2):
    BM = 5000

    def body(p0_ref, p1_ref, ab_ref, w_ref, o_ref):
        b = ab_ref[:, 1:2]
        a = ab_ref[:, 0:1]
        hidden = jnp.maximum((p0_ref[0] + p1_ref[0]) * b, 0.0)
        o_ref[...] = jnp.dot(hidden, w_ref[...], preferred_element_type=jnp.float32) * a

    return pl.pallas_call(
        body,
        grid=(N // BM,),
        in_specs=[
            pl.BlockSpec((1, BM, HIDDEN), lambda i: (0, i, 0)),
            pl.BlockSpec((1, BM, HIDDEN), lambda i: (1, i, 0)),
            pl.BlockSpec((BM, AB), lambda i: (i, 0)),
            pl.BlockSpec((HIDDEN, LATENT), lambda i: (0, 0)),
        ],
        out_specs=pl.BlockSpec((BM, LATENT), lambda i: (i, 0)),
        out_shape=jax.ShapeDtypeStruct((N, LATENT), jnp.float32),
    )(s1p, s1p, ab, W2)


def _tc_decoder(g, gab):
    R = 200

    def body(g_ref, gab_ref, o_ref):
        i = pl.program_id(0)
        gb = gab_ref[:, 1:2]
        z = (g_ref[0] + g_ref[1]) * gb
        zr = (g_ref[0, pl.ds(i * R, R), :] + g_ref[1, pl.ds(i * R, R), :]) \
            * gab_ref[pl.ds(i * R, R), 1:2]
        gram = lax.dot_general(zr, z, (((1,), (1,)), ((), ())),
                               preferred_element_type=jnp.float32)
        zz = z * z
        sqc = lax.dot_general(jnp.ones((1, LATENT), jnp.float32), zz,
                              (((1,), (1,)), ((), ())),
                              preferred_element_type=jnp.float32)
        sqr = jnp.sum(zr * zr, axis=1, keepdims=True)
        d2 = jnp.maximum(sqr + sqc - 2.0 * gram, 0.0)
        o_ref[0] = gram
        o_ref[1] = jnp.sqrt(d2 + 1e-12)

    return pl.pallas_call(
        body,
        grid=(S // R,),
        in_specs=[
            pl.BlockSpec((NC, S, LATENT), lambda i: (0, 0, 0)),
            pl.BlockSpec((S, AB), lambda i: (0, 0)),
        ],
        out_specs=pl.BlockSpec((2, R, S), lambda i: (0, i, 0)),
        out_shape=jax.ShapeDtypeStruct((2, S, S), jnp.float32),
    )(g, gab)


@jax.jit
def kernel(x, edge_index, sampled_nodes, W1, W2):
    src2d = edge_index[0].reshape(R2D, K)
    dst2d = edge_index[1].reshape(R2D, K)
    xw = _tc_xw(x, W1)
    deg_out, deg_in = _sc_degrees(src2d, dst2d)
    degt = jnp.concatenate([deg_out[:, :N], deg_in[:, :N]], axis=0).T
    h1p, ab = _tc_scale(xw, degt)
    s1p = _sc_segsum(h1p, src2d, dst2d, HIDDEN)
    h2p = _tc_mid(s1p, ab, W2)
    samp = jnp.concatenate([sampled_nodes, jnp.zeros((SP - S,), jnp.int32)])
    g, gab = _sc_segsum_sample(h2p, src2d, dst2d, ab, samp)
    out = _tc_decoder(g[:, :S], gab[:S])
    return out.reshape(2, S * S)

# --- scband reference (transcript-rebuilt; emitter-appended) ---
"""Pipeline reference for scband-gcnmodel-ae-11828339933384 (READ-ONLY COPY).

The authoritative reference and input builder live on the scoring server;
editing this copy changes nothing except your own understanding.
"""

import jax, jax.numpy as jnp
import numpy as np

N = 10000
E = 320000
D_IN = 128
HIDDEN = 32
LATENT = 16
S = 1000


def setup_inputs(seed: int = 0) -> dict:
    key = jax.random.key(seed)
    k1, k2, k3, k4, k5 = jax.random.split(key, 5)
    x = jax.random.normal(k1, (N, D_IN), dtype=jnp.float32)
    edge_index = jax.random.randint(k2, (2, E), 0, N, dtype=jnp.int32)
    sampled_nodes = jax.random.randint(k3, (S,), 0, N, dtype=jnp.int32)
    lim1 = float(np.sqrt(6.0 / (D_IN + HIDDEN)))
    W1 = jax.random.uniform(k4, (D_IN, HIDDEN), minval=-lim1, maxval=lim1, dtype=jnp.float32)
    lim2 = float(np.sqrt(6.0 / (HIDDEN + LATENT)))
    W2 = jax.random.uniform(k5, (HIDDEN, LATENT), minval=-lim2, maxval=lim2, dtype=jnp.float32)
    return {"x": x, "edge_index": edge_index, "sampled_nodes": sampled_nodes, "W1": W1, "W2": W2}


def _propagate(h, src, dst, norm):
    # sparse adj @ h  via gather + scatter-add with symmetric degree normalization
    msg = h[src] * norm[:, None]
    return jax.ops.segment_sum(msg, dst, num_segments=N)


def reference(x, edge_index, sampled_nodes, W1, W2):
    src = edge_index[0]
    dst = edge_index[1]
    ones = jnp.ones((E,), jnp.float32)
    deg_in = jax.ops.segment_sum(ones, dst, num_segments=N)
    deg_out = jax.ops.segment_sum(ones, src, num_segments=N)
    norm = jax.lax.rsqrt(jnp.maximum(deg_out[src], 1.0) * jnp.maximum(deg_in[dst], 1.0))
    # Layer 1: GraphConvolutionSparse with ReLU
    hidden = jax.nn.relu(_propagate(x @ W1, src, dst, norm))
    # Layer 2: GraphConvolution, identity activation -> z_mean
    z = _propagate(hidden @ W2, src, dst, norm)
    # FastGAE: decode only on sampled subgraph
    z_s = z[sampled_nodes]
    # InnerProductDecoder: flatten(z_s z_s^T), identity act
    gram = z_s @ z_s.T
    reconstructions = gram.reshape(-1)
    # DistanceDecoder: pairwise euclidean distances, identity act
    sq = jnp.sum(z_s * z_s, axis=1)
    d2 = jnp.maximum(sq[:, None] + sq[None, :] - 2.0 * gram, 0.0)
    clusters = jnp.sqrt(d2 + 1e-12).reshape(-1)
    return jnp.stack([reconstructions, clusters])

if __name__ == "__main__":
    import jax
    _d = setup_inputs()
    print(jax.jit(kernel)(*tuple(_d.values())))

</pallas_src>

<mosaic_0001>
#map = affine_map<(d0, d1) -> (0, 0)>
module attributes {stable_mosaic.version = 14 : i64} {
  func.func @body(%arg0: i32, %arg1: i32, %arg2: memref<1250x256xi32, #tpu.memory_space<hbm>>, %arg3: memref<1250x256xi32, #tpu.memory_space<hbm>>, %arg4: memref<2x10240xf32, #tpu.memory_space<hbm>>, %arg5: memref<2x10240xf32, #tpu.memory_space<hbm>>, %arg6: memref<39x256xi32, #tpu.memory_space<vmem>>, %arg7: memref<39x256xi32, #tpu.memory_space<vmem>>, %arg8: memref<256xi32, #tpu.memory_space<vmem>>, %arg9: memref<256xi32, #tpu.memory_space<vmem>>, %arg10: memref<256xf32, #tpu.memory_space<vmem>>, %arg11: memref<640xf32, #tpu.memory_space<vmem>>, %arg12: memref<10240xf32, #tpu.memory_space<vmem_shared>>, %arg13: memref<10240xf32, #tpu.memory_space<vmem_shared>>, %arg14: memref<!tpu.dma_semaphore, #tpu.memory_space<semaphore_mem>>, %arg15: memref<!tpu.dma_semaphore, #tpu.memory_space<semaphore_mem>>, %arg16: memref<!tpu.dma_semaphore, #tpu.memory_space<semaphore_mem>>, %arg17: memref<!tpu.dma_semaphore, #tpu.memory_space<semaphore_mem>>, %arg18: memref<!tpu.dma_semaphore, #tpu.memory_space<semaphore_mem>>, %arg19: memref<!tpu.dma_semaphore, #tpu.memory_space<semaphore_mem>>) attributes {dimension_semantics = [#tpu.dimension_semantics<core_parallel>, #tpu.dimension_semantics<subcore_parallel>], iteration_bounds = array<i64: 2, 16>, scalar_prefetch = 0 : i64, scratch_operands = 14 : i64, tpu.core_type = #tpu.core_type<sc_vector_subcore>, window_params = [{transform_indices = #map}, {transform_indices = #map}, {transform_indices = #map}, {transform_indices = #map}]} {
    %mul3A = arith.constant 16 : i32
    %mul3A_0 = arith.muli %arg0, %mul3A : i32
    %add3A = arith.addi %mul3A_0, %arg1 : i32
    %broadcast_in_dim3A = arith.constant 0.000000e+00 : f32
    %broadcast_in_dim3A_1 = vector.broadcast %broadcast_in_dim3A : f32 to vector<16xf32>
    %broadcast_in_dim3A_2 = arith.constant 1.000000e+00 : f32
    %broadcast_in_dim3A_3 = vector.broadcast %broadcast_in_dim3A_2 : f32 to vector<16xf32>
    %swap3A = arith.constant 0 : index
    %swap3A_4 = tpu.vector_load %arg10[%swap3A] {strides = array<i32>} : memref<256xf32, #tpu.memory_space<vmem>>, vector<16xf32>,
    %swap3A_5 = vector.shape_cast %swap3A_4 : vector<16xf32> to vector<16xf32>
    %swap3A_6 = vector.shape_cast %broadcast_in_dim3A_3 : vector<16xf32> to vector<16xf32>
    tpu.vector_store %arg10[%swap3A], %swap3A_6 {strides = array<i32>} : memref<256xf32, #tpu.memory_space<vmem>>, vector<16xf32>,
    %swap3A_7 = arith.constant 16 : index
    %swap3A_8 = tpu.vector_load %arg10[%swap3A_7] {strides = array<i32>} : memref<256xf32, #tpu.memory_space<vmem>>, vector<16xf32>,
    %swap3A_9 = vector.shape_cast %swap3A_8 : vector<16xf32> to vector<16xf32>
    %swap3A_10 = vector.shape_cast %broadcast_in_dim3A_3 : vector<16xf32> to vector<16xf32>
    tpu.vector_store %arg10[%swap3A_7], %swap3A_10 {strides = array<i32>} : memref<256xf32, #tpu.memory_space<vmem>>, vector<16xf32>,
    %swap3A_11 = arith.constant 32 : index
    %swap3A_12 = tpu.vector_load %arg10[%swap3A_11] {strides = array<i32>} : memref<256xf32, #tpu.memory_space<vmem>>, vector<16xf32>,
    %swap3A_13 = vector.shape_cast %swap3A_12 : vector<16xf32> to vector<16xf32>
    %swap3A_14 = vector.shape_cast %broadcast_in_dim3A_3 : vector<16xf32> to vector<16xf32>
    tpu.vector_store %arg10[%swap3A_11], %swap3A_14 {strides = array<i32>} : memref<256xf32, #tpu.memory_space<vmem>>, vector<16xf32>,
    %swap3A_15 = arith.constant 48 : index
    %swap3A_16 = tpu.vector_load %arg10[%swap3A_15] {strides = array<i32>} : memref<256xf32, #tpu.memory_space<vmem>>, vector<16xf32>,
    %swap3A_17 = vector.shape_cast %swap3A_16 : vector<16xf32> to vector<16xf32>
    %swap3A_18 = vector.shape_cast %broadcast_in_dim3A_3 : vector<16xf32> to vector<16xf32>
    tpu.vector_store %arg10[%swap3A_15], %swap3A_18 {strides = array<i32>} : memref<256xf32, #tpu.memory_space<vmem>>, vector<16xf32>,
    %swap3A_19 = arith.constant 64 : index
    %swap3A_20 = tpu.vector_load %arg10[%swap3A_19] {strides = array<i32>} : memref<256xf32, #tpu.memory_space<vmem>>, vector<16xf32>,
    %swap3A_21 = vector.shape_cast %swap3A_20 : vector<16xf32> to vector<16xf32>
    %swap3A_22 = vector.shape_cast %broadcast_in_dim3A_3 : vector<16xf32> to vector<16xf32>
    tpu.vector_store %arg10[%swap3A_19], %swap3A_22 {strides = array<i32>} : memref<256xf32, #tpu.memory_space<vmem>>, vector<16xf32>,
    %swap3A_23 = arith.constant 80 : index
    %swap3A_24 = tpu.vector_load %arg10[%swap3A_23] {strides = array<i32>} : memref<256xf32, #tpu.memory_space<vmem>>, vector<16xf32>,
    %swap3A_25 = vector.shape_cast %swap3A_24 : vector<16xf32> to vector<16xf32>
    %swap3A_26 = vector.shape_cast %broadcast_in_dim3A_3 : vector<16xf32> to vector<16xf32>
    tpu.vector_store %arg10[%swap3A_23], %swap3A_26 {strides = array<i32>} : memref<256xf32, #tpu.memory_space<vmem>>, vector<16xf32>,
    %swap3A_27 = arith.constant 96 : index
    %swap3A_28 = tpu.vector_load %arg10[%swap3A_27] {strides = array<i32>} : memref<256xf32, #tpu.memory_space<vmem>>, vector<16xf32>,
    %swap3A_29 = vector.shape_cast %swap3A_28 : vector<16xf32> to vector<16xf32>
    %swap3A_30 = vector.shape_cast %broadcast_in_dim3A_3 : vector<16xf32> to vector<16xf32>
    tpu.vector_store %arg10[%swap3A_27], %swap3A_30 {strides = array<i32>} : memref<256xf32, #tpu.memory_space<vmem>>, vector<16xf32>,
    %swap3A_31 = arith.constant 112 : index
    %swap3A_32 = tpu.vector_load %arg10[%swap3A_31] {strides = array<i32>} : memref<256xf32, #tpu.memory_space<vmem>>, vector<16xf32>,
    %swap3A_33 = vector.shape_cast %swap3A_32 : vector<16xf32> to vector<16xf32>
    %swap3A_34 = vector.shape_cast %broadcast_in_dim3A_3 : vector<16xf32> to vector<16xf32>
    tpu.vector_store %arg10[%swap3A_31], %swap3A_34 {strides = array<i32>} : memref<256xf32, #tpu.memory_space<vmem>>, vector<16xf32>,
    %swap3A_35 = arith.constant 128 : index
    %swap3A_36 = tpu.vector_load %arg10[%swap3A_35] {strides = array<i32>} : memref<256xf32, #tpu.memory_space<vmem>>, vector<16xf32>,
    %swap3A_37 = vector.shape_cast %swap3A_36 : vector<16xf32> to vector<16xf32>
    %swap3A_38 = vector.shape_cast %broadcast_in_dim3A_3 : vector<16xf32> to vector<16xf32>
    tpu.vector_store %arg10[%swap3A_35], %swap3A_38 {strides = array<i32>} : memref<256xf32, #tpu.memory_space<vmem>>, vector<16xf32>,
    %swap3A_39 = arith.constant 144 : index
    %swap3A_40 = tpu.vector_load %arg10[%swap3A_39] {strides = array<i32>} : memref<256xf32, #tpu.memory_space<vmem>>, vector<16xf32>,
    %swap3A_41 = vector.shape_cast %swap3A_40 : vector<16xf32> to vector<16xf32>
    %swap3A_42 = vector.shape_cast %broadcast_in_dim3A_3 : vector<16xf32> to vector<16xf32>
    tpu.vector_store %arg10[%swap3A_39], %swap3A_42 {strides = array<i32>} : memref<256xf32, #tpu.memory_space<vmem>>, vector<16xf32>,
    %swap3A_43 = arith.constant 160 : index
    %swap3A_44 = tpu.vector_load %arg10[%swap3A_43] {strides = array<i32>} : memref<256xf32, #tpu.memory_space<vmem>>, vector<16xf32>,
    %swap3A_45 = vector.shape_cast %swap3A_44 : vector<16xf32> to vector<16xf32>
    %swap3A_46 = vector.shape_cast %broadcast_in_dim3A_3 : vector<16xf32> to vector<16xf32>
    tpu.vector_store %arg10[%swap3A_43], %swap3A_46 {strides = array<i32>} : memref<256xf32, #tpu.memory_space<vmem>>, vector<16xf32>,
    %swap3A_47 = arith.constant 176 : index
    %swap3A_48 = tpu.vector_load %arg10[%swap3A_47] {strides = array<i32>} : memref<256xf32, #tpu.memory_space<vmem>>, vector<16xf32>,
    %swap3A_49 = vector.shape_cast %swap3A_48 : vector<16xf32> to vector<16xf32>
    %swap3A_50 = vector.shape_cast %broadcast_in_dim3A_3 : vector<16xf32> to vector<16xf32>
    tpu.vector_store %arg10[%swap3A_47], %swap3A_50 {strides = array<i32>} : memref<256xf32, #tpu.memory_space<vmem>>, vector<16xf32>,
    %swap3A_51 = arith.constant 192 : index
    %swap3A_52 = tpu.vector_load %arg10[%swap3A_51] {strides = array<i32>} : memref<256xf32, #tpu.memory_space<vmem>>, vector<16xf32>,
    %swap3A_53 = vector.shape_cast %swap3A_52 : vector<16xf32> to vector<16xf32>
    %swap3A_54 = vector.shape_cast %broadcast_in_dim3A_3 : vector<16xf32> to vector<16xf32>
    tpu.vector_store %arg10[%swap3A_51], %swap3A_54 {strides = array<i32>} : memref<256xf32, #tpu.memory_space<vmem>>, vector<16xf32>,
    %swap3A_55 = arith.constant 208 : index
    %swap3A_56 = tpu.vector_load %arg10[%swap3A_55] {strides = array<i32>} : memref<256xf32, #tpu.memory_space<vmem>>, vector<16xf32>,
    %swap3A_57 = vector.shape_cast %swap3A_56 : vector<16xf32> to vector<16xf32>
    %swap3A_58 = vector.shape_cast %broadcast_in_dim3A_3 : vector<16xf32> to vector<16xf32>
    tpu.vector_store %arg10[%swap3A_55], %swap3A_58 {strides = array<i32>} : memref<256xf32, #tpu.memory_space<vmem>>, vector<16xf32>,
    %swap3A_59 = arith.constant 224 : index
    %swap3A_60 = tpu.vector_load %arg10[%swap3A_59] {strides = array<i32>} : memref<256xf32, #tpu.memory_space<vmem>>, vector<16xf32>,
    %swap3A_61 = vector.shape_cast %swap3A_60 : vector<16xf32> to vector<16xf32>
    %swap3A_62 = vector.shape_cast %broadcast_in_dim3A_3 : vector<16xf32> to vector<16xf32>
    tpu.vector_store %arg10[%swap3A_59], %swap3A_62 {strides = array<i32>} : memref<256xf32, #tpu.memory_space<vmem>>, vector<16xf32>,
    %swap3A_63 = arith.constant 240 : index
    %swap3A_64 = tpu.vector_load %arg10[%swap3A_63] {strides = array<i32>} : memref<256xf32, #tpu.memory_space<vmem>>, vector<16xf32>,
    %swap3A_65 = vector.shape_cast %swap3A_64 : vector<16xf32> to vector<16xf32>
    %swap3A_66 = vector.shape_cast %broadcast_in_dim3A_3 : vector<16xf32> to vector<16xf32>
    tpu.vector_store %arg10[%swap3A_63], %swap3A_66 {strides = array<i32>} : memref<256xf32, #tpu.memory_space<vmem>>, vector<16xf32>,
    %scan3A = arith.constant 0 : i32
    %scan3A_67 = arith.constant 0 : i32
    %scan3A_68 = arith.constant 40 : i32
    %scan3A_69 = arith.addi %scan3A_67, %scan3A_68 : i32
    %scan3A_70 = arith.constant 1 : i32
    scf.for %scan3A_125 = %scan3A_67 to %scan3A_69 step %scan3A_70  : i32 {
      %mul3A_126 = arith.constant 16 : i32
      %mul3A_127 = arith.muli %scan3A_125, %mul3A_126 : i32
      %swap3A_128 = arith.index_cast %mul3A_127 : i32 to index
      %swap3A_129 = tpu.vector_load %arg11[%swap3A_128] {strides = array<i32>} : memref<640xf32, #tpu.memory_space<vmem>>, vector<16xf32>,
      %swap3A_130 = vector.shape_cast %swap3A_129 : vector<16xf32> to vector<16xf32>
      %swap3A_131 = vector.shape_cast %broadcast_in_dim3A_1 : vector<16xf32> to vector<16xf32>
      tpu.vector_store %arg11[%swap3A_128], %swap3A_131 {strides = array<i32>} : memref<640xf32, #tpu.memory_space<vmem>>, vector<16xf32>,
    }
    %scan3A_71 = arith.constant 40 : i32
    %mul3A_72 = arith.constant 640 : i32
    %mul3A_73 = arith.muli %arg1, %mul3A_72 : i32
    "tpu.region"() ({
      %run_scoped3A = tpu.sem_alloc : memref<!tpu.dma_semaphore, #tpu.memory_space<semaphore_mem>>
      %dma_start3A = tpu.memref_slice %arg12[%mul3A_73] : memref<10240xf32, #tpu.memory_space<vmem_shared>> -> memref<640xf32, #tpu.memory_space<vmem_shared>>
      %dma_start3A_125 = tpu.memref_slice %arg12[%mul3A_73] : memref<10240xf32, #tpu.memory_space<vmem_shared>> -> memref<640xf32, #tpu.memory_space<vmem_shared>>
      tpu.enqueue_dma source(%arg11 : memref<640xf32, #tpu.memory_space<vmem>>) target(%dma_start3A_125 : memref<640xf32, #tpu.memory_space<vmem_shared>>) target_semaphore(%run_scoped3A : memref<!tpu.dma_semaphore, #tpu.memory_space<semaphore_mem>>)
      %dma_wait3A_126 = tpu.memref_slice %arg12[%mul3A_73] : memref<10240xf32, #tpu.memory_space<vmem_shared>> -> memref<640xf32, #tpu.memory_space<vmem_shared>>
      %dma_wait3A_127 = tpu.memref_slice %arg12[%mul3A_73] : memref<10240xf32, #tpu.memory_space<vmem_shared>> -> memref<640xf32, #tpu.memory_space<vmem_shared>>
      tpu.wait_dma2 semaphore(%run_scoped3A : memref<!tpu.dma_semaphore, #tpu.memory_space<semaphore_mem>>) src(%arg11 : memref<640xf32, #tpu.memory_space<vmem>>) dst(%dma_wait3A_127 : memref<640xf32, #tpu.memory_space<vmem_shared>>)
      tpu.yield
    }) : () -> ()
    "tpu.region"() ({
      %run_scoped3A = tpu.sem_alloc : memref<!tpu.dma_semaphore, #tpu.memory_space<semaphore_mem>>
      %dma_start3A = tpu.memref_slice %arg13[%mul3A_73] : memref<10240xf32, #tpu.memory_space<vmem_shared>> -> memref<640xf32, #tpu.memory_space<vmem_shared>>
      %dma_start3A_125 = tpu.memref_slice %arg13[%mul3A_73] : memref<10240xf32, #tpu.memory_space<vmem_shared>> -> memref<640xf32, #tpu.memory_space<vmem_shared>>
      tpu.enqueue_dma source(%arg11 : memref<640xf32, #tpu.memory_space<vmem>>) target(%dma_start3A_125 : memref<640xf32, #tpu.memory_space<vmem_shared>>) target_semaphore(%run_scoped3A : memref<!tpu.dma_semaphore, #tpu.memory_space<semaphore_mem>>)
      %dma_wait3A_126 = tpu.memref_slice %arg13[%mul3A_73] : memref<10240xf32, #tpu.memory_space<vmem_shared>> -> memref<640xf32, #tpu.memory_space<vmem_shared>>
      %dma_wait3A_127 = tpu.memref_slice %arg13[%mul3A_73] : memref<10240xf32, #tpu.memory_space<vmem_shared>> -> memref<640xf32, #tpu.memory_space<vmem_shared>>
      tpu.wait_dma2 semaphore(%run_scoped3A : memref<!tpu.dma_semaphore, #tpu.memory_space<semaphore_mem>>) src(%arg11 : memref<640xf32, #tpu.memory_space<vmem>>) dst(%dma_wait3A_127 : memref<640xf32, #tpu.memory_space<vmem_shared>>)
      tpu.yield
    }) : () -> ()
    %mul3A_74 = arith.constant 39 : i32
    %mul3A_75 = arith.muli %add3A, %mul3A_74 : i32
    "tpu.region"() ({
      %run_scoped3A = tpu.sem_alloc : memref<!tpu.dma_semaphore, #tpu.memory_space<semaphore_mem>>
      %dma_start3A = arith.constant 0 : i32
      %dma_start3A_125 = tpu.memref_slice %arg2[%mul3A_75, %dma_start3A] : memref<1250x256xi32, #tpu.memory_space<hbm>> -> memref<39x256xi32, #tpu.memory_space<hbm>>
      %dma_start3A_126 = arith.constant 0 : i32
      %dma_start3A_127 = tpu.memref_slice %arg2[%mul3A_75, %dma_start3A_126] : memref<1250x256xi32, #tpu.memory_space<hbm>> -> memref<39x256xi32, #tpu.memory_space<hbm>>
      tpu.enqueue_dma source(%dma_start3A_127 : memref<39x256xi32, #tpu.memory_space<hbm>>) target(%arg6 : memref<39x256xi32, #tpu.memory_space<vmem>>) target_semaphore(%run_scoped3A : memref<!tpu.dma_semaphore, #tpu.memory_space<semaphore_mem>>)
      %dma_wait3A_128 = arith.constant 0 : i32
      %dma_wait3A_129 = tpu.memref_slice %arg2[%mul3A_75, %dma_wait3A_128] : memref<1250x256xi32, #tpu.memory_space<hbm>> -> memref<39x256xi32, #tpu.memory_space<hbm>>
      %dma_wait3A_130 = arith.constant 0 : i32
      %dma_wait3A_131 = tpu.memref_slice %arg2[%mul3A_75, %dma_wait3A_130] : memref<1250x256xi32, #tpu.memory_space<hbm>> -> memref<39x256xi32, #tpu.memory_space<hbm>>
      tpu.wait_dma2 semaphore(%run_scoped3A : memref<!tpu.dma_semaphore, #tpu.memory_space<semaphore_mem>>) src(%dma_wait3A_131 : memref<39x256xi32, #tpu.memory_space<hbm>>) dst(%arg6 : memref<39x256xi32, #tpu.memory_space<vmem>>)
      tpu.yield
    }) : () -> ()
    "tpu.region"() ({
      %run_scoped3A = tpu.sem_alloc : memref<!tpu.dma_semaphore, #tpu.memory_space<semaphore_mem>>
      %dma_start3A = arith.constant 0 : i32
      %dma_start3A_125 = tpu.memref_slice %arg3[%mul3A_75, %dma_start3A] : memref<1250x256xi32, #tpu.memory_space<hbm>> -> memref<39x256xi32, #tpu.memory_space<hbm>>
      %dma_start3A_126 = arith.constant 0 : i32
      %dma_start3A_127 = tpu.memref_slice %arg3[%mul3A_75, %dma_start3A_126] : memref<1250x256xi32, #tpu.memory_space<hbm>> -> memref<39x256xi32, #tpu.memory_space<hbm>>
      tpu.enqueue_dma source(%dma_start3A_127 : memref<39x256xi32, #tpu.memory_space<hbm>>) target(%arg7 : memref<39x256xi32, #tpu.memory_space<vmem>>) target_semaphore(%run_scoped3A : memref<!tpu.dma_semaphore, #tpu.memory_space<semaphore_mem>>)
      %dma_wait3A_128 = arith.constant 0 : i32
      %dma_wait3A_129 = tpu.memref_slice %arg3[%mul3A_75, %dma_wait3A_128] : memref<1250x256xi32, #tpu.memory_space<hbm>> -> memref<39x256xi32, #tpu.memory_space<hbm>>
      %dma_wait3A_130 = arith.constant 0 : i32
      %dma_wait3A_131 = tpu.memref_slice %arg3[%mul3A_75, %dma_wait3A_130] : memref<1250x256xi32, #tpu.memory_space<hbm>> -> memref<39x256xi32, #tpu.memory_space<hbm>>
      tpu.wait_dma2 semaphore(%run_scoped3A : memref<!tpu.dma_semaphore, #tpu.memory_space<semaphore_mem>>) src(%dma_wait3A_131 : memref<39x256xi32, #tpu.memory_space<hbm>>) dst(%arg7 : memref<39x256xi32, #tpu.memory_space<vmem>>)
      tpu.yield
    }) : () -> ()
    %lt3A = arith.constant 2 : i32
    %lt3A_76 = arith.cmpi slt, %add3A, %lt3A : i32
    %convert_element_type3A = arith.extui %lt3A_76 : i1 to i32
    %cond3A = arith.constant 0 : i32
    %cond3A_77 = arith.cmpi ne, %convert_element_type3A, %cond3A : i32
    scf.if %cond3A_77 {
      %add3A_125 = arith.constant 1248 : i32
      %add3A_126 = arith.addi %add3A_125, %add3A : i32
      "tpu.region"() ({
        %run_scoped3A = tpu.sem_alloc : memref<!tpu.dma_semaphore, #tpu.memory_space<semaphore_mem>>
        %dma_start3A = arith.constant 0 : i32
        %dma_start3A_127 = tpu.memref_slice %arg2[%add3A_126, %dma_start3A] : memref<1250x256xi32, #tpu.memory_space<hbm>> -> memref<1x256xi32, #tpu.memory_space<hbm>>
        %dma_start3A_128 = tpu.memref_squeeze %dma_start3A_127 : memref<1x256xi32, #tpu.memory_space<hbm>> -> memref<256xi32, #tpu.memory_space<hbm>>
        %dma_start3A_129 = arith.constant 0 : i32
        %dma_start3A_130 = tpu.memref_slice %arg2[%add3A_126, %dma_start3A_129] : memref<1250x256xi32, #tpu.memory_space<hbm>> -> memref<1x256xi32, #tpu.memory_space<hbm>>
        %dma_start3A_131 = tpu.memref_squeeze %dma_start3A_130 : memref<1x256xi32, #tpu.memory_space<hbm>> -> memref<256xi32, #tpu.memory_space<hbm>>
        tpu.enqueue_dma source(%dma_start3A_131 : memref<256xi32, #tpu.memory_space<hbm>>) target(%arg8 : memref<256xi32, #tpu.memory_space<vmem>>) target_semaphore(%run_scoped3A : memref<!tpu.dma_semaphore, #tpu.memory_space<semaphore_mem>>)
        %dma_wait3A_132 = arith.constant 0 : i32
        %dma_wait3A_133 = tpu.memref_slice %arg2[%add3A_126, %dma_wait3A_132] : memref<1250x256xi32, #tpu.memory_space<hbm>> -> memref<1x256xi32, #tpu.memory_space<hbm>>
        %dma_wait3A_134 = tpu.memref_squeeze %dma_wait3A_133 : memref<1x256xi32, #tpu.memory_space<hbm>> -> memref<256xi32, #tpu.memory_space<hbm>>
        %dma_wait3A_135 = arith.constant 0 : i32
        %dma_wait3A_136 = tpu.memref_slice %arg2[%add3A_126, %dma_wait3A_135] : memref<1250x256xi32, #tpu.memory_space<hbm>> -> memref<1x256xi32, #tpu.memory_space<hbm>>
        %dma_wait3A_137 = tpu.memref_squeeze %dma_wait3A_136 : memref<1x256xi32, #tpu.memory_space<hbm>> -> memref<256xi32, #tpu.memory_space<hbm>>
        tpu.wait_dma2 semaphore(%run_scoped3A : memref<!tpu.dma_semaphore, #tpu.memory_space<semaphore_mem>>) src(%dma_wait3A_137 : memref<256xi32, #tpu.memory_space<hbm>>) dst(%arg8 : memref<256xi32, #tpu.memory_space<vmem>>)
        tpu.yield
      }) : () -> ()
      "tpu.region"() ({
        %run_scoped3A = tpu.sem_alloc : memref<!tpu.dma_semaphore, #tpu.memory_space<semaphore_mem>>
        %dma_start3A = arith.constant 0 : i32
        %dma_start3A_127 = tpu.memref_slice %arg3[%add3A_126, %dma_start3A] : memref<1250x256xi32, #tpu.memory_space<hbm>> -> memref<1x256xi32, #tpu.memory_space<hbm>>
        %dma_start3A_128 = tpu.memref_squeeze %dma_start3A_127 : memref<1x256xi32, #tpu.memory_space<hbm>> -> memref<256xi32, #tpu.memory_space<hbm>>
        %dma_start3A_129 = arith.constant 0 : i32
        %dma_start3A_130 = tpu.memref_slice %arg3[%add3A_126, %dma_start3A_129] : memref<1250x256xi32, #tpu.memory_space<hbm>> -> memref<1x256xi32, #tpu.memory_space<hbm>>
        %dma_start3A_131 = tpu.memref_squeeze %dma_start3A_130 : memref<1x256xi32, #tpu.memory_space<hbm>> -> memref<256xi32, #tpu.memory_space<hbm>>
        tpu.enqueue_dma source(%dma_start3A_131 : memref<256xi32, #tpu.memory_space<hbm>>) target(%arg9 : memref<256xi32, #tpu.memory_space<vmem>>) target_semaphore(%run_scoped3A : memref<!tpu.dma_semaphore, #tpu.memory_space<semaphore_mem>>)
        %dma_wait3A_132 = arith.constant 0 : i32
        %dma_wait3A_133 = tpu.memref_slice %arg3[%add3A_126, %dma_wait3A_132] : memref<1250x256xi32, #tpu.memory_space<hbm>> -> memref<1x256xi32, #tpu.memory_space<hbm>>
        %dma_wait3A_134 = tpu.memref_squeeze %dma_wait3A_133 : memref<1x256xi32, #tpu.memory_space<hbm>> -> memref<256xi32, #tpu.memory_space<hbm>>
        %dma_wait3A_135 = arith.constant 0 : i32
        %dma_wait3A_136 = tpu.memref_slice %arg3[%add3A_126, %dma_wait3A_135] : memref<1250x256xi32, #tpu.memory_space<hbm>> -> memref<1x256xi32, #tpu.memory_space<hbm>>
        %dma_wait3A_137 = tpu.memref_squeeze %dma_wait3A_136 : memref<1x256xi32, #tpu.memory_space<hbm>> -> memref<256xi32, #tpu.memory_space<hbm>>
        tpu.wait_dma2 semaphore(%run_scoped3A : memref<!tpu.dma_semaphore, #tpu.memory_space<semaphore_mem>>) src(%dma_wait3A_137 : memref<256xi32, #tpu.memory_space<hbm>>) dst(%arg9 : memref<256xi32, #tpu.memory_space<vmem>>)
        tpu.yield
      }) : () -> ()
    } else {
    }
    %barrier3A = arith.constant 0 : index
    tpu.barrier barrier_id(%barrier3A)
    %scan3A_78 = arith.constant 0 : i32
    %scan3A_79 = arith.constant 0 : i32
    %scan3A_80 = arith.constant 13 : i32
    %scan3A_81 = arith.addi %scan3A_79, %scan3A_80 : i32
    %scan3A_82 = arith.constant 1 : i32
    scf.for %scan3A_125 = %scan3A_79 to %scan3A_81 step %scan3A_82  : i32 {
      %mul3A_126 = arith.constant 3 : i32
      %mul3A_127 = arith.muli %scan3A_125, %mul3A_126 : i32
      %add3A_128 = arith.constant 0 : i32
      %add3A_129 = arith.addi %mul3A_127, %add3A_128 : i32
      %gt3A = arith.constant 0 : i32
      %gt3A_130 = arith.cmpi sgt, %scan3A_125, %gt3A : i32
      %convert_element_type3A_131 = arith.extui %gt3A_130 : i1 to i32
      %cond3A_132 = arith.constant 0 : i32
      %cond3A_133 = arith.cmpi ne, %convert_element_type3A_131, %cond3A_132 : i32
      scf.if %cond3A_133 {
        %dma_wait3A_181 = arith.constant 0 : i32
        %dma_wait3A_182 = tpu.memref_slice %arg6[%add3A_129, %dma_wait3A_181] : memref<39x256xi32, #tpu.memory_space<vmem>> -> memref<1x256xi32, #tpu.memory_space<vmem>>
        %dma_wait3A_183 = tpu.memref_squeeze %dma_wait3A_182 : memref<1x256xi32, #tpu.memory_space<vmem>> -> memref<256xi32, #tpu.memory_space<vmem>>
        %dma_wait3A_184 = arith.constant 0 : i32
        %dma_wait3A_185 = tpu.memref_slice %arg12[%dma_wait3A_184] : memref<10240xf32, #tpu.memory_space<vmem_shared>> -> memref<10240xf32, #tpu.memory_space<vmem_shared>>
        tpu.wait_indirect_dma semaphore(%arg14 : memref<!tpu.dma_semaphore, #tpu.memory_space<semaphore_mem>>) src(%arg10 : memref<256xf32, #tpu.memory_space<vmem>>) dst(%dma_wait3A_185 : memref<10240xf32, #tpu.memory_space<vmem_shared>>)
        %dma_wait3A_186 = arith.constant 0 : i32
        %dma_wait3A_187 = tpu.memref_slice %arg7[%add3A_129, %dma_wait3A_186] : memref<39x256xi32, #tpu.memory_space<vmem>> -> memref<1x256xi32, #tpu.memory_space<vmem>>
        %dma_wait3A_188 = tpu.memref_squeeze %dma_wait3A_187 : memref<1x256xi32, #tpu.memory_space<vmem>> -> memref<256xi32, #tpu.memory_space<vmem>>
        %dma_wait3A_189 = arith.constant 0 : i32
        %dma_wait3A_190 = tpu.memref_slice %arg13[%dma_wait3A_189] : memref<10240xf32, #tpu.memory_space<vmem_shared>> -> memref<10240xf32, #tpu.memory_space<vmem_shared>>
        tpu.wait_indirect_dma semaphore(%arg17 : memref<!tpu.dma_semaphore, #tpu.memory_space<semaphore_mem>>) src(%arg10 : memref<256xf32, #tpu.memory_space<vmem>>) dst(%dma_wait3A_190 : memref<10240xf32, #tpu.memory_space<vmem_shared>>)
      } else {
      }
      %dma_start3A = arith.constant 0 : i32
      %dma_start3A_134 = tpu.memref_slice %arg6[%add3A_129, %dma_start3A] : memref<39x256xi32, #tpu.memory_space<vmem>> -> memref<1x256xi32, #tpu.memory_space<vmem>>
      %dma_start3A_135 = tpu.memref_squeeze %dma_start3A_134 : memref<1x256xi32, #tpu.memory_space<vmem>> -> memref<256xi32, #tpu.memory_space<vmem>>
      %dma_start3A_136 = arith.constant 0 : i32
      %dma_start3A_137 = tpu.memref_slice %arg12[%dma_start3A_136] : memref<10240xf32, #tpu.memory_space<vmem_shared>> -> memref<10240xf32, #tpu.memory_space<vmem_shared>>
      tpu.enqueue_indirect_dma source(%arg10 : memref<256xf32, #tpu.memory_space<vmem>>) target(%dma_start3A_137 : memref<10240xf32, #tpu.memory_space<vmem_shared>>) offsets(%dma_start3A_135 : memref<256xi32, #tpu.memory_space<vmem>>) semaphore(%arg14 : memref<!tpu.dma_semaphore, #tpu.memory_space<semaphore_mem>>) {add = true}
      %dma_start3A_138 = arith.constant 0 : i32
      %dma_start3A_139 = tpu.memref_slice %arg7[%add3A_129, %dma_start3A_138] : memref<39x256xi32, #tpu.memory_space<vmem>> -> memref<1x256xi32, #tpu.memory_space<vmem>>
      %dma_start3A_140 = tpu.memref_squeeze %dma_start3A_139 : memref<1x256xi32, #tpu.memory_space<vmem>> -> memref<256xi32, #tpu.memory_space<vmem>>
      %dma_start3A_141 = arith.constant 0 : i32
      %dma_start3A_142 = tpu.memref_slice %arg13[%dma_start3A_141] : memref<10240xf32, #tpu.memory_space<vmem_shared>> -> memref<10240xf32, #tpu.memory_space<vmem_shared>>
      tpu.enqueue_indirect_dma source(%arg10 : memref<256xf32, #tpu.memory_space<vmem>>) target(%dma_start3A_142 : memref<10240xf32, #tpu.memory_space<vmem_shared>>) offsets(%dma_start3A_140 : memref<256xi32, #tpu.memory_space<vmem>>) semaphore(%arg17 : memref<!tpu.dma_semaphore, #tpu.memory_space<semaphore_mem>>) {add = true}
      %mul3A_143 = arith.constant 3 : i32
      %mul3A_144 = arith.muli %scan3A_125, %mul3A_143 : i32
      %add3A_145 = arith.constant 1 : i32
      %add3A_146 = arith.addi %mul3A_144, %add3A_145 : i32
      %gt3A_147 = arith.constant 0 : i32
      %gt3A_148 = arith.cmpi sgt, %scan3A_125, %gt3A_147 : i32
      %convert_element_type3A_149 = arith.extui %gt3A_148 : i1 to i32
      %cond3A_150 = arith.constant 0 : i32
      %cond3A_151 = arith.cmpi ne, %convert_element_type3A_149, %cond3A_150 : i32
      scf.if %cond3A_151 {
        %dma_wait3A_181 = arith.constant 0 : i32
        %dma_wait3A_182 = tpu.memref_slice %arg6[%add3A_146, %dma_wait3A_181] : memref<39x256xi32, #tpu.memory_space<vmem>> -> memref<1x256xi32, #tpu.memory_space<vmem>>
        %dma_wait3A_183 = tpu.memref_squeeze %dma_wait3A_182 : memref<1x256xi32, #tpu.memory_space<vmem>> -> memref<256xi32, #tpu.memory_space<vmem>>
        %dma_wait3A_184 = arith.constant 0 : i32
        %dma_wait3A_185 = tpu.memref_slice %arg12[%dma_wait3A_184] : memref<10240xf32, #tpu.memory_space<vmem_shared>> -> memref<10240xf32, #tpu.memory_space<vmem_shared>>
        tpu.wait_indirect_dma semaphore(%arg15 : memref<!tpu.dma_semaphore, #tpu.memory_space<semaphore_mem>>) src(%arg10 : memref<256xf32, #tpu.memory_space<vmem>>) dst(%dma_wait3A_185 : memref<10240xf32, #tpu.memory_space<vmem_shared>>)
        %dma_wait3A_186 = arith.constant 0 : i32
        %dma_wait3A_187 = tpu.memref_slice %arg7[%add3A_146, %dma_wait3A_186] : memref<39x256xi32, #tpu.memory_space<vmem>> -> memref<1x256xi32, #tpu.memory_space<vmem>>
        %dma_wait3A_188 = tpu.memref_squeeze %dma_wait3A_187 : memref<1x256xi32, #tpu.memory_space<vmem>> -> memref<256xi32, #tpu.memory_space<vmem>>
        %dma_wait3A_189 = arith.constant 0 : i32
        %dma_wait3A_190 = tpu.memref_slice %arg13[%dma_wait3A_189] : memref<10240xf32, #tpu.memory_space<vmem_shared>> -> memref<10240xf32, #tpu.memory_space<vmem_shared>>
        tpu.wait_indirect_dma semaphore(%arg18 : memref<!tpu.dma_semaphore, #tpu.memory_space<semaphore_mem>>) src(%arg10 : memref<256xf32, #tpu.memory_space<vmem>>) dst(%dma_wait3A_190 : memref<10240xf32, #tpu.memory_space<vmem_shared>>)
      } else {
      }
      %dma_start3A_152 = arith.constant 0 : i32
      %dma_start3A_153 = tpu.memref_slice %arg6[%add3A_146, %dma_start3A_152] : memref<39x256xi32, #tpu.memory_space<vmem>> -> memref<1x256xi32, #tpu.memory_space<vmem>>
      %dma_start3A_154 = tpu.memref_squeeze %dma_start3A_153 : memref<1x256xi32, #tpu.memory_space<vmem>> -> memref<256xi32, #tpu.memory_space<vmem>>
      %dma_start3A_155 = arith.constant 0 : i32
      %dma_start3A_156 = tpu.memref_slice %arg12[%dma_start3A_155] : memref<10240xf32, #tpu.memory_space<vmem_shared>> -> memref<10240xf32, #tpu.memory_space<vmem_shared>>
      tpu.enqueue_indirect_dma source(%arg10 : memref<256xf32, #tpu.memory_space<vmem>>) target(%dma_start3A_156 : memref<10240xf32, #tpu.memory_space<vmem_shared>>) offsets(%dma_start3A_154 : memref<256xi32, #tpu.memory_space<vmem>>) semaphore(%arg15 : memref<!tpu.dma_semaphore, #tpu.memory_space<semaphore_mem>>) {add = true}
      %dma_start3A_157 = arith.constant 0 : i32
      %dma_start3A_158 = tpu.memref_slice %arg7[%add3A_146, %dma_start3A_157] : memref<39x256xi32, #tpu.memory_space<vmem>> -> memref<1x256xi32, #tpu.memory_space<vmem>>
      %dma_start3A_159 = tpu.memref_squeeze %dma_start3A_158 : memref<1x256xi32, #tpu.memory_space<vmem>> -> memref<256xi32, #tpu.memory_space<vmem>>
      %dma_start3A_160 = arith.constant 0 : i32
      %dma_start3A_161 = tpu.memref_slice %arg13[%dma_start3A_160] : memref<10240xf32, #tpu.memory_space<vmem_shared>> -> memref<10240xf32, #tpu.memory_space<vmem_shared>>
      tpu.enqueue_indirect_dma source(%arg10 : memref<256xf32, #tpu.memory_space<vmem>>) target(%dma_start3A_161 : memref<10240xf32, #tpu.memory_space<vmem_shared>>) offsets(%dma_start3A_159 : memref<256xi32, #tpu.memory_space<vmem>>) semaphore(%arg18 : memref<!tpu.dma_semaphore, #tpu.memory_space<semaphore_mem>>) {add = true}
      %mul3A_162 = arith.constant 3 : i32
      %mul3A_163 = arith.muli %scan3A_125, %mul3A_162 : i32
      %add3A_164 = arith.constant 2 : i32
      %add3A_165 = arith.addi %mul3A_163, %add3A_164 : i32
      %gt3A_166 = arith.constant 0 : i32
      %gt3A_167 = arith.cmpi sgt, %scan3A_125, %gt3A_166 : i32
      %convert_element_type3A_168 = arith.extui %gt3A_167 : i1 to i32
      %cond3A_169 = arith.constant 0 : i32
      %cond3A_170 = arith.cmpi ne, %convert_element_type3A_168, %cond3A_169 : i32
      scf.if %cond3A_170 {
        %dma_wait3A_181 = arith.constant 0 : i32
        %dma_wait3A_182 = tpu.memref_slice %arg6[%add3A_165, %dma_wait3A_181] : memref<39x256xi32, #tpu.memory_space<vmem>> -> memref<1x256xi32, #tpu.memory_space<vmem>>
        %dma_wait3A_183 = tpu.memref_squeeze %dma_wait3A_182 : memref<1x256xi32, #tpu.memory_space<vmem>> -> memref<256xi32, #tpu.memory_space<vmem>>
        %dma_wait3A_184 = arith.constant 0 : i32
        %dma_wait3A_185 = tpu.memref_slice %arg12[%dma_wait3A_184] : memref<10240xf32, #tpu.memory_space<vmem_shared>> -> memref<10240xf32, #tpu.memory_space<vmem_shared>>
        tpu.wait_indirect_dma semaphore(%arg16 : memref<!tpu.dma_semaphore, #tpu.memory_space<semaphore_mem>>) src(%arg10 : memref<256xf32, #tpu.memory_space<vmem>>) dst(%dma_wait3A_185 : memref<10240xf32, #tpu.memory_space<vmem_shared>>)
        %dma_wait3A_186 = arith.constant 0 : i32
        %dma_wait3A_187 = tpu.memref_slice %arg7[%add3A_165, %dma_wait3A_186] : memref<39x256xi32, #tpu.memory_space<vmem>> -> memref<1x256xi32, #tpu.memory_space<vmem>>
        %dma_wait3A_188 = tpu.memref_squeeze %dma_wait3A_187 : memref<1x256xi32, #tpu.memory_space<vmem>> -> memref<256xi32, #tpu.memory_space<vmem>>
        %dma_wait3A_189 = arith.constant 0 : i32
        %dma_wait3A_190 = tpu.memref_slice %arg13[%dma_wait3A_189] : memref<10240xf32, #tpu.memory_space<vmem_shared>> -> memref<10240xf32, #tpu.memory_space<vmem_shared>>
        tpu.wait_indirect_dma semaphore(%arg19 : memref<!tpu.dma_semaphore, #tpu.memory_space<semaphore_mem>>) src(%arg10 : memref<256xf32, #tpu.memory_space<vmem>>) dst(%dma_wait3A_190 : memref<10240xf32, #tpu.memory_space<vmem_shared>>)
      } else {
      }
      %dma_start3A_171 = arith.constant 0 : i32
      %dma_start3A_172 = tpu.memref_slice %arg6[%add3A_165, %dma_start3A_171] : memref<39x256xi32, #tpu.memory_space<vmem>> -> memref<1x256xi32, #tpu.memory_space<vmem>>
      %dma_start3A_173 = tpu.memref_squeeze %dma_start3A_172 : memref<1x256xi32, #tpu.memory_space<vmem>> -> memref<256xi32, #tpu.memory_space<vmem>>
      %dma_start3A_174 = arith.constant 0 : i32
      %dma_start3A_175 = tpu.memref_slice %arg12[%dma_start3A_174] : memref<10240xf32, #tpu.memory_space<vmem_shared>> -> memref<10240xf32, #tpu.memory_space<vmem_shared>>
      tpu.enqueue_indirect_dma source(%arg10 : memref<256xf32, #tpu.memory_space<vmem>>) target(%dma_start3A_175 : memref<10240xf32, #tpu.memory_space<vmem_shared>>) offsets(%dma_start3A_173 : memref<256xi32, #tpu.memory_space<vmem>>) semaphore(%arg16 : memref<!tpu.dma_semaphore, #tpu.memory_space<semaphore_mem>>) {add = true}
      %dma_start3A_176 = arith.constant 0 : i32
      %dma_start3A_177 = tpu.memref_slice %arg7[%add3A_165, %dma_start3A_176] : memref<39x256xi32, #tpu.memory_space<vmem>> -> memref<1x256xi32, #tpu.memory_space<vmem>>
      %dma_start3A_178 = tpu.memref_squeeze %dma_start3A_177 : memref<1x256xi32, #tpu.memory_space<vmem>> -> memref<256xi32, #tpu.memory_space<vmem>>
      %dma_start3A_179 = arith.constant 0 : i32
      %dma_start3A_180 = tpu.memref_slice %arg13[%dma_start3A_179] : memref<10240xf32, #tpu.memory_space<vmem_shared>> -> memref<10240xf32, #tpu.memory_space<vmem_shared>>
      tpu.enqueue_indirect_dma source(%arg10 : memref<256xf32, #tpu.memory_space<vmem>>) target(%dma_start3A_180 : memref<10240xf32, #tpu.memory_space<vmem_shared>>) offsets(%dma_start3A_178 : memref<256xi32, #tpu.memory_space<vmem>>) semaphore(%arg19 : memref<!tpu.dma_semaphore, #tpu.memory_space<semaphore_mem>>) {add = true}
    }
    %scan3A_83 = arith.constant 13 : i32
    %dma_wait3A = arith.constant 0 : i32
    %dma_wait3A_84 = arith.constant 0 : i32
    %dma_wait3A_85 = tpu.memref_slice %arg6[%dma_wait3A, %dma_wait3A_84] : memref<39x256xi32, #tpu.memory_space<vmem>> -> memref<1x256xi32, #tpu.memory_space<vmem>>
    %dma_wait3A_86 = tpu.memref_squeeze %dma_wait3A_85 : memref<1x256xi32, #tpu.memory_space<vmem>> -> memref<256xi32, #tpu.memory_space<vmem>>
    %dma_wait3A_87 = arith.constant 0 : i32
    %dma_wait3A_88 = tpu.memref_slice %arg12[%dma_wait3A_87] : memref<10240xf32, #tpu.memory_space<vmem_shared>> -> memref<10240xf32, #tpu.memory_space<vmem_shared>>
    tpu.wait_indirect_dma semaphore(%arg14 : memref<!tpu.dma_semaphore, #tpu.memory_space<semaphore_mem>>) src(%arg10 : memref<256xf32, #tpu.memory_space<vmem>>) dst(%dma_wait3A_88 : memref<10240xf32, #tpu.memory_space<vmem_shared>>)
    %dma_wait3A_89 = arith.constant 0 : i32
    %dma_wait3A_90 = arith.constant 0 : i32
    %dma_wait3A_91 = tpu.memref_slice %arg7[%dma_wait3A_89, %dma_wait3A_90] : memref<39x256xi32, #tpu.memory_space<vmem>> -> memref<1x256xi32, #tpu.memory_space<vmem>>
    %dma_wait3A_92 = tpu.memref_squeeze %dma_wait3A_91 : memref<1x256xi32, #tpu.memory_space<vmem>> -> memref<256xi32, #tpu.memory_space<vmem>>
    %dma_wait3A_93 = arith.constant 0 : i32
    %dma_wait3A_94 = tpu.memref_slice %arg13[%dma_wait3A_93] : memref<10240xf32, #tpu.memory_space<vmem_shared>> -> memref<10240xf32, #tpu.memory_space<vmem_shared>>
    tpu.wait_indirect_dma semaphore(%arg17 : memref<!tpu.dma_semaphore, #tpu.memory_space<semaphore_mem>>) src(%arg10 : memref<256xf32, #tpu.memory_space<vmem>>) dst(%dma_wait3A_94 : memref<10240xf32, #tpu.memory_space<vmem_shared>>)
    %dma_wait3A_95 = arith.constant 1 : i32
    %dma_wait3A_96 = arith.constant 0 : i32
    %dma_wait3A_97 = tpu.memref_slice %arg6[%dma_wait3A_95, %dma_wait3A_96] : memref<39x256xi32, #tpu.memory_space<vmem>> -> memref<1x256xi32, #tpu.memory_space<vmem>>
    %dma_wait3A_98 = tpu.memref_squeeze %dma_wait3A_97 : memref<1x256xi32, #tpu.memory_space<vmem>> -> memref<256xi32, #tpu.memory_space<vmem>>
    %dma_wait3A_99 = arith.constant 0 : i32
    %dma_wait3A_100 = tpu.memref_slice %arg12[%dma_wait3A_99] : memref<10240xf32, #tpu.memory_space<vmem_shared>> -> memref<10240xf32, #tpu.memory_space<vmem_shared>>
    tpu.wait_indirect_dma semaphore(%arg15 : memref<!tpu.dma_semaphore, #tpu.memory_space<semaphore_mem>>) src(%arg10 : memref<256xf32, #tpu.memory_space<vmem>>) dst(%dma_wait3A_100 : memref<10240xf32, #tpu.memory_space<vmem_shared>>)
    %dma_wait3A_101 = arith.constant 1 : i32
    %dma_wait3A_102 = arith.constant 0 : i32
    %dma_wait3A_103 = tpu.memref_slice %arg7[%dma_wait3A_101, %dma_wait3A_102] : memref<39x256xi32, #tpu.memory_space<vmem>> -> memref<1x256xi32, #tpu.memory_space<vmem>>
    %dma_wait3A_104 = tpu.memref_squeeze %dma_wait3A_103 : memref<1x256xi32, #tpu.memory_space<vmem>> -> memref<256xi32, #tpu.memory_space<vmem>>
    %dma_wait3A_105 = arith.constant 0 : i32
    %dma_wait3A_106 = tpu.memref_slice %arg13[%dma_wait3A_105] : memref<10240xf32, #tpu.memory_space<vmem_shared>> -> memref<10240xf32, #tpu.memory_space<vmem_shared>>
    tpu.wait_indirect_dma semaphore(%arg18 : memref<!tpu.dma_semaphore, #tpu.memory_space<semaphore_mem>>) src(%arg10 : memref<256xf32, #tpu.memory_space<vmem>>) dst(%dma_wait3A_106 : memref<10240xf32, #tpu.memory_space<vmem_shared>>)
    %dma_wait3A_107 = arith.constant 2 : i32
    %dma_wait3A_108 = arith.constant 0 : i32
    %dma_wait3A_109 = tpu.memref_slice %arg6[%dma_wait3A_107, %dma_wait3A_108] : memref<39x256xi32, #tpu.memory_space<vmem>> -> memref<1x256xi32, #tpu.memory_space<vmem>>
    %dma_wait3A_110 = tpu.memref_squeeze %dma_wait3A_109 : memref<1x256xi32, #tpu.memory_space<vmem>> -> memref<256xi32, #tpu.memory_space<vmem>>
    %dma_wait3A_111 = arith.constant 0 : i32
    %dma_wait3A_112 = tpu.memref_slice %arg12[%dma_wait3A_111] : memref<10240xf32, #tpu.memory_space<vmem_shared>> -> memref<10240xf32, #tpu.memory_space<vmem_shared>>
    tpu.wait_indirect_dma semaphore(%arg16 : memref<!tpu.dma_semaphore, #tpu.memory_space<semaphore_mem>>) src(%arg10 : memref<256xf32, #tpu.memory_space<vmem>>) dst(%dma_wait3A_112 : memref<10240xf32, #tpu.memory_space<vmem_shared>>)
    %dma_wait3A_113 = arith.constant 2 : i32
    %dma_wait3A_114 = arith.constant 0 : i32
    %dma_wait3A_115 = tpu.memref_slice %arg7[%dma_wait3A_113, %dma_wait3A_114] : memref<39x256xi32, #tpu.memory_space<vmem>> -> memref<1x256xi32, #tpu.memory_space<vmem>>
    %dma_wait3A_116 = tpu.memref_squeeze %dma_wait3A_115 : memref<1x256xi32, #tpu.memory_space<vmem>> -> memref<256xi32, #tpu.memory_space<vmem>>
    %dma_wait3A_117 = arith.constant 0 : i32
    %dma_wait3A_118 = tpu.memref_slice %arg13[%dma_wait3A_117] : memref<10240xf32, #tpu.memory_space<vmem_shared>> -> memref<10240xf32, #tpu.memory_space<vmem_shared>>
    tpu.wait_indirect_dma semaphore(%arg19 : memref<!tpu.dma_semaphore, #tpu.memory_space<semaphore_mem>>) src(%arg10 : memref<256xf32, #tpu.memory_space<vmem>>) dst(%dma_wait3A_118 : memref<10240xf32, #tpu.memory_space<vmem_shared>>)
    %lt3A_119 = arith.constant 2 : i32
    %lt3A_120 = arith.cmpi slt, %add3A, %lt3A_119 : i32
    %convert_element_type3A_121 = arith.extui %lt3A_120 : i1 to i32
    %cond3A_122 = arith.constant 0 : i32
    %cond3A_123 = arith.cmpi ne, %convert_element_type3A_121, %cond3A_122 : i32
    scf.if %cond3A_123 {
      "tpu.region"() ({
        %run_scoped3A = tpu.sem_alloc : memref<!tpu.dma_semaphore, #tpu.memory_space<semaphore_mem>>
        %dma_start3A = arith.constant 0 : i32
        %dma_start3A_125 = tpu.memref_slice %arg12[%dma_start3A] : memref<10240xf32, #tpu.memory_space<vmem_shared>> -> memref<10240xf32, #tpu.memory_space<vmem_shared>>
        tpu.enqueue_indirect_dma source(%arg10 : memref<256xf32, #tpu.memory_space<vmem>>) target(%dma_start3A_125 : memref<10240xf32, #tpu.memory_space<vmem_shared>>) offsets(%arg8 : memref<256xi32, #tpu.memory_space<vmem>>) semaphore(%run_scoped3A : memref<!tpu.dma_semaphore, #tpu.memory_space<semaphore_mem>>) {add = true}
        %dma_wait3A_126 = arith.constant 0 : i32
        %dma_wait3A_127 = tpu.memref_slice %arg12[%dma_wait3A_126] : memref<10240xf32, #tpu.memory_space<vmem_shared>> -> memref<10240xf32, #tpu.memory_space<vmem_shared>>
        tpu.wait_indirect_dma semaphore(%run_scoped3A : memref<!tpu.dma_semaphore, #tpu.memory_space<semaphore_mem>>) src(%arg10 : memref<256xf32, #tpu.memory_space<vmem>>) dst(%dma_wait3A_127 : memref<10240xf32, #tpu.memory_space<vmem_shared>>)
        tpu.yield
      }) : () -> ()
      "tpu.region"() ({
        %run_scoped3A = tpu.sem_alloc : memref<!tpu.dma_semaphore, #tpu.memory_space<semaphore_mem>>
        %dma_start3A = arith.constant 0 : i32
        %dma_start3A_125 = tpu.memref_slice %arg13[%dma_start3A] : memref<10240xf32, #tpu.memory_space<vmem_shared>> -> memref<10240xf32, #tpu.memory_space<vmem_shared>>
        tpu.enqueue_indirect_dma source(%arg10 : memref<256xf32, #tpu.memory_space<vmem>>) target(%dma_start3A_125 : memref<10240xf32, #tpu.memory_space<vmem_shared>>) offsets(%arg9 : memref<256xi32, #tpu.memory_space<vmem>>) semaphore(%run_scoped3A : memref<!tpu.dma_semaphore, #tpu.memory_space<semaphore_mem>>) {add = true}
        %dma_wait3A_126 = arith.constant 0 : i32
        %dma_wait3A_127 = tpu.memref_slice %arg13[%dma_wait3A_126] : memref<10240xf32, #tpu.memory_space<vmem_shared>> -> memref<10240xf32, #tpu.memory_space<vmem_shared>>
        tpu.wait_indirect_dma semaphore(%run_scoped3A : memref<!tpu.dma_semaphore, #tpu.memory_space<semaphore_mem>>) src(%arg10 : memref<256xf32, #tpu.memory_space<vmem>>) dst(%dma_wait3A_127 : memref<10240xf32, #tpu.memory_space<vmem_shared>>)
        tpu.yield
      }) : () -> ()
    } else {
    }
    %barrier3A_124 = arith.constant 0 : index
    tpu.barrier barrier_id(%barrier3A_124)
    "tpu.region"() ({
      %run_scoped3A = tpu.sem_alloc : memref<!tpu.dma_semaphore, #tpu.memory_space<semaphore_mem>>
      %dma_start3A = tpu.memref_slice %arg4[%arg0, %mul3A_73] : memref<2x10240xf32, #tpu.memory_space<hbm>> -> memref<1x640xf32, #tpu.memory_space<hbm>>
      %dma_start3A_125 = tpu.memref_squeeze %dma_start3A : memref<1x640xf32, #tpu.memory_space<hbm>> -> memref<640xf32, #tpu.memory_space<hbm>>
      %dma_start3A_126 = tpu.memref_slice %arg12[%mul3A_73] : memref<10240xf32, #tpu.memory_space<vmem_shared>> -> memref<640xf32, #tpu.memory_space<vmem_shared>>
      tpu.enqueue_dma source(%dma_start3A_126 : memref<640xf32, #tpu.memory_space<vmem_shared>>) target(%dma_start3A_125 : memref<640xf32, #tpu.memory_space<hbm>>) target_semaphore(%run_scoped3A : memref<!tpu.dma_semaphore, #tpu.memory_space<semaphore_mem>>)
      %dma_wait3A_127 = tpu.memref_slice %arg4[%arg0, %mul3A_73] : memref<2x10240xf32, #tpu.memory_space<hbm>> -> memref<1x640xf32, #tpu.memory_space<hbm>>
      %dma_wait3A_128 = tpu.memref_squeeze %dma_wait3A_127 : memref<1x640xf32, #tpu.memory_space<hbm>> -> memref<640xf32, #tpu.memory_space<hbm>>
      %dma_wait3A_129 = tpu.memref_slice %arg12[%mul3A_73] : memref<10240xf32, #tpu.memory_space<vmem_shared>> -> memref<640xf32, #tpu.memory_space<vmem_shared>>
      tpu.wait_dma2 semaphore(%run_scoped3A : memref<!tpu.dma_semaphore, #tpu.memory_space<semaphore_mem>>) src(%dma_wait3A_129 : memref<640xf32, #tpu.memory_space<vmem_shared>>) dst(%dma_wait3A_128 : memref<640xf32, #tpu.memory_space<hbm>>)
      tpu.yield
    }) : () -> ()
    "tpu.region"() ({
      %run_scoped3A = tpu.sem_alloc : memref<!tpu.dma_semaphore, #tpu.memory_space<semaphore_mem>>
      %dma_start3A = tpu.memref_slice %arg5[%arg0, %mul3A_73] : memref<2x10240xf32, #tpu.memory_space<hbm>> -> memref<1x640xf32, #tpu.memory_space<hbm>>
      %dma_start3A_125 = tpu.memref_squeeze %dma_start3A : memref<1x640xf32, #tpu.memory_space<hbm>> -> memref<640xf32, #tpu.memory_space<hbm>>
      %dma_start3A_126 = tpu.memref_slice %arg13[%mul3A_73] : memref<10240xf32, #tpu.memory_space<vmem_shared>> -> memref<640xf32, #tpu.memory_space<vmem_shared>>
      tpu.enqueue_dma source(%dma_start3A_126 : memref<640xf32, #tpu.memory_space<vmem_shared>>) target(%dma_start3A_125 : memref<640xf32, #tpu.memory_space<hbm>>) target_semaphore(%run_scoped3A : memref<!tpu.dma_semaphore, #tpu.memory_space<semaphore_mem>>)
      %dma_wait3A_127 = tpu.memref_slice %arg5[%arg0, %mul3A_73] : memref<2x10240xf32, #tpu.memory_space<hbm>> -> memref<1x640xf32, #tpu.memory_space<hbm>>
      %dma_wait3A_128 = tpu.memref_squeeze %dma_wait3A_127 : memref<1x640xf32, #tpu.memory_space<hbm>> -> memref<640xf32, #tpu.memory_space<hbm>>
      %dma_wait3A_129 = tpu.memref_slice %arg13[%mul3A_73] : memref<10240xf32, #tpu.memory_space<vmem_shared>> -> memref<640xf32, #tpu.memory_space<vmem_shared>>
      tpu.wait_dma2 semaphore(%run_scoped3A : memref<!tpu.dma_semaphore, #tpu.memory_space<semaphore_mem>>) src(%dma_wait3A_129 : memref<640xf32, #tpu.memory_space<vmem_shared>>) dst(%dma_wait3A_128 : memref<640xf32, #tpu.memory_space<hbm>>)
      tpu.yield
    }) : () -> ()
    return
  }
}

#map = affine_map<(d0, d1) -> (0, 0)>
#map1 = affine_map<(d0, d1) -> (0)>
#map2 = affine_map<(d0, d1) -> (0, 0, 0)>
module attributes {stable_mosaic.version = 14 : i64} {
  func.func @body(%arg0: i32, %arg1: i32, %arg2: memref<10000x16xf32, #tpu.memory_space<hbm>>, %arg3: memref<1250x256xi32, #tpu.memory_space<hbm>>, %arg4: memref<1250x256xi32, #tpu.memory_space<hbm>>, %arg5: memref<10000x8xf32, #tpu.memory_space<hbm>>, %arg6: memref<1024xi32, #tpu.memory_space<hbm>>, %arg7: memref<2x1024x16xf32, #tpu.memory_space<hbm>>, %arg8: memref<1024x8xf32, #tpu.memory_space<hbm>>, %arg9: memref<39x256xi32, #tpu.memory_space<vmem>>, %arg10: memref<39x256xi32, #tpu.memory_space<vmem>>, %arg11: memref<256xi32, #tpu.memory_space<vmem>>, %arg12: memref<256xi32, #tpu.memory_space<vmem>>, %arg13: memref<3x256x16xf32, #tpu.memory_space<vmem>>, %arg14: memref<1024xi32, #tpu.memory_space<vmem>>, %arg15: memref<64x16xf32, #tpu.memory_space<vmem>>, %arg16: memref<32x8xf32, #tpu.memory_space<vmem>>, %arg17: memref<10240x16xf32, #tpu.memory_space<vmem_shared>>, %arg18: memref<!tpu.dma_semaphore, #tpu.memory_space<semaphore_mem>>, %arg19: memref<!tpu.dma_semaphore, #tpu.memory_space<semaphore_mem>>, %arg20: memref<!tpu.dma_semaphore, #tpu.memory_space<semaphore_mem>>, %arg21: memref<!tpu.dma_semaphore, #tpu.memory_space<semaphore_mem>>, %arg22: memref<!tpu.dma_semaphore, #tpu.memory_space<semaphore_mem>>, %arg23: memref<!tpu.dma_semaphore, #tpu.memory_space<semaphore_mem>>) attributes {dimension_semantics = [#tpu.dimension_semantics<core_parallel>, #tpu.dimension_semantics<subcore_parallel>], iteration_bounds = array<i64: 2, 16>, scalar_prefetch = 0 : i64, scratch_operands = 15 : i64, tpu.core_type = #tpu.core_type<sc_vector_subcore>, window_params = [{transform_indices = #map}, {transform_indices = #map}, {transform_indices = #map}, {transform_indices = #map}, {transform_indices = #map1}, {transform_indices = #map2}, {transform_indices = #map}]} {
    %mul3A = arith.constant 16 : i32
    %mul3A_0 = arith.muli %arg0, %mul3A : i32
    %add3A = arith.addi %mul3A_0, %arg1 : i32
    "tpu.region"() ({
      %run_scoped3A_128 = tpu.sem_alloc : memref<!tpu.dma_semaphore, #tpu.memory_space<semaphore_mem>>
      tpu.enqueue_dma source(%arg6 : memref<1024xi32, #tpu.memory_space<hbm>>) target(%arg14 : memref<1024xi32, #tpu.memory_space<vmem>>) target_semaphore(%run_scoped3A_128 : memref<!tpu.dma_semaphore, #tpu.memory_space<semaphore_mem>>)
      tpu.wait_dma2 semaphore(%run_scoped3A_128 : memref<!tpu.dma_semaphore, #tpu.memory_space<semaphore_mem>>) src(%arg6 : memref<1024xi32, #tpu.memory_space<hbm>>) dst(%arg14 : memref<1024xi32, #tpu.memory_space<vmem>>)
      tpu.yield
    }) : () -> ()
    %mul3A_1 = arith.constant 39 : i32
    %mul3A_2 = arith.muli %add3A, %mul3A_1 : i32
    %dma_start3A = arith.constant 0 : i32
    %dma_start3A_3 = tpu.memref_slice %arg3[%mul3A_2, %dma_start3A] : memref<1250x256xi32, #tpu.memory_space<hbm>> -> memref<39x256xi32, #tpu.memory_space<hbm>>
    %dma_start3A_4 = arith.constant 0 : i32
    %dma_start3A_5 = tpu.memref_slice %arg3[%mul3A_2, %dma_start3A_4] : memref<1250x256xi32, #tpu.memory_space<hbm>> -> memref<39x256xi32, #tpu.memory_space<hbm>>
    tpu.enqueue_dma source(%dma_start3A_5 : memref<39x256xi32, #tpu.memory_space<hbm>>) target(%arg9 : memref<39x256xi32, #tpu.memory_space<vmem>>) target_semaphore(%arg18 : memref<!tpu.dma_semaphore, #tpu.memory_space<semaphore_mem>>)
    %dma_start3A_6 = arith.constant 0 : i32
    %dma_start3A_7 = tpu.memref_slice %arg4[%mul3A_2, %dma_start3A_6] : memref<1250x256xi32, #tpu.memory_space<hbm>> -> memref<39x256xi32, #tpu.memory_space<hbm>>
    %dma_start3A_8 = arith.constant 0 : i32
    %dma_start3A_9 = tpu.memref_slice %arg4[%mul3A_2, %dma_start3A_8] : memref<1250x256xi32, #tpu.memory_space<hbm>> -> memref<39x256xi32, #tpu.memory_space<hbm>>
    tpu.enqueue_dma source(%dma_start3A_9 : memref<39x256xi32, #tpu.memory_space<hbm>>) target(%arg10 : memref<39x256xi32, #tpu.memory_space<vmem>>) target_semaphore(%arg19 : memref<!tpu.dma_semaphore, #tpu.memory_space<semaphore_mem>>)
    %lt3A = arith.constant 2 : i32
    %lt3A_10 = arith.cmpi slt, %add3A, %lt3A : i32
    %convert_element_type3A = arith.extui %lt3A_10 : i1 to i32
    %cond3A = arith.constant 0 : i32
    %cond3A_11 = arith.cmpi ne, %convert_element_type3A, %cond3A : i32
    scf.if %cond3A_11 {
      %add3A_128 = arith.constant 1248 : i32
      %add3A_129 = arith.addi %add3A_128, %add3A : i32
      "tpu.region"() ({
        %run_scoped3A_130 = tpu.sem_alloc : memref<!tpu.dma_semaphore, #tpu.memory_space<semaphore_mem>>
        %dma_start3A_131 = arith.constant 0 : i32
        %dma_start3A_132 = tpu.memref_slice %arg3[%add3A_129, %dma_start3A_131] : memref<1250x256xi32, #tpu.memory_space<hbm>> -> memref<1x256xi32, #tpu.memory_space<hbm>>
        %dma_start3A_133 = tpu.memref_squeeze %dma_start3A_132 : memref<1x256xi32, #tpu.memory_space<hbm>> -> memref<256xi32, #tpu.memory_space<hbm>>
        %dma_start3A_134 = arith.constant 0 : i32
        %dma_start3A_135 = tpu.memref_slice %arg3[%add3A_129, %dma_start3A_134] : memref<1250x256xi32, #tpu.memory_space<hbm>> -> memref<1x256xi32, #tpu.memory_space<hbm>>
        %dma_start3A_136 = tpu.memref_squeeze %dma_start3A_135 : memref<1x256xi32, #tpu.memory_space<hbm>> -> memref<256xi32, #tpu.memory_space<hbm>>
        tpu.enqueue_dma source(%dma_start3A_136 : memref<256xi32, #tpu.memory_space<hbm>>) target(%arg11 : memref<256xi32, #tpu.memory_space<vmem>>) target_semaphore(%run_scoped3A_130 : memref<!tpu.dma_semaphore, #tpu.memory_space<semaphore_mem>>)
        %dma_wait3A_137 = arith.constant 0 : i32
        %dma_wait3A_138 = tpu.memref_slice %arg3[%add3A_129, %dma_wait3A_137] : memref<1250x256xi32, #tpu.memory_space<hbm>> -> memref<1x256xi32, #tpu.memory_space<hbm>>
        %dma_wait3A_139 = tpu.memref_squeeze %dma_wait3A_138 : memref<1x256xi32, #tpu.memory_space<hbm>> -> memref<256xi32, #tpu.memory_space<hbm>>
        %dma_wait3A_140 = arith.constant 0 : i32
        %dma_wait3A_141 = tpu.memref_slice %arg3[%add3A_129, %dma_wait3A_140] : memref<1250x256xi32, #tpu.memory_space<hbm>> -> memref<1x256xi32, #tpu.memory_space<hbm>>
        %dma_wait3A_142 = tpu.memref_squeeze %dma_wait3A_141 : memref<1x256xi32, #tpu.memory_space<hbm>> -> memref<256xi32, #tpu.memory_space<hbm>>
        tpu.wait_dma2 semaphore(%run_scoped3A_130 : memref<!tpu.dma_semaphore, #tpu.memory_space<semaphore_mem>>) src(%dma_wait3A_142 : memref<256xi32, #tpu.memory_space<hbm>>) dst(%arg11 : memref<256xi32, #tpu.memory_space<vmem>>)
        tpu.yield
      }) : () -> ()
      "tpu.region"() ({
        %run_scoped3A_130 = tpu.sem_alloc : memref<!tpu.dma_semaphore, #tpu.memory_space<semaphore_mem>>
        %dma_start3A_131 = arith.constant 0 : i32
        %dma_start3A_132 = tpu.memref_slice %arg4[%add3A_129, %dma_start3A_131] : memref<1250x256xi32, #tpu.memory_space<hbm>> -> memref<1x256xi32, #tpu.memory_space<hbm>>
        %dma_start3A_133 = tpu.memref_squeeze %dma_start3A_132 : memref<1x256xi32, #tpu.memory_space<hbm>> -> memref<256xi32, #tpu.memory_space<hbm>>
        %dma_start3A_134 = arith.constant 0 : i32
        %dma_start3A_135 = tpu.memref_slice %arg4[%add3A_129, %dma_start3A_134] : memref<1250x256xi32, #tpu.memory_space<hbm>> -> memref<1x256xi32, #tpu.memory_space<hbm>>
        %dma_start3A_136 = tpu.memref_squeeze %dma_start3A_135 : memref<1x256xi32, #tpu.memory_space<hbm>> -> memref<256xi32, #tpu.memory_space<hbm>>
        tpu.enqueue_dma source(%dma_start3A_136 : memref<256xi32, #tpu.memory_space<hbm>>) target(%arg12 : memref<256xi32, #tpu.memory_space<vmem>>) target_semaphore(%run_scoped3A_130 : memref<!tpu.dma_semaphore, #tpu.memory_space<semaphore_mem>>)
        %dma_wait3A_137 = arith.constant 0 : i32
        %dma_wait3A_138 = tpu.memref_slice %arg4[%add3A_129, %dma_wait3A_137] : memref<1250x256xi32, #tpu.memory_space<hbm>> -> memref<1x256xi32, #tpu.memory_space<hbm>>
        %dma_wait3A_139 = tpu.memref_squeeze %dma_wait3A_138 : memref<1x256xi32, #tpu.memory_space<hbm>> -> memref<256xi32, #tpu.memory_space<hbm>>
        %dma_wait3A_140 = arith.constant 0 : i32
        %dma_wait3A_141 = tpu.memref_slice %arg4[%add3A_129, %dma_wait3A_140] : memref<1250x256xi32, #tpu.memory_space<hbm>> -> memref<1x256xi32, #tpu.memory_space<hbm>>
        %dma_wait3A_142 = tpu.memref_squeeze %dma_wait3A_141 : memref<1x256xi32, #tpu.memory_space<hbm>> -> memref<256xi32, #tpu.memory_space<hbm>>
        tpu.wait_dma2 semaphore(%run_scoped3A_130 : memref<!tpu.dma_semaphore, #tpu.memory_space<semaphore_mem>>) src(%dma_wait3A_142 : memref<256xi32, #tpu.memory_space<hbm>>) dst(%arg12 : memref<256xi32, #tpu.memory_space<vmem>>)
        tpu.yield
      }) : () -> ()
    } else {
    }
    %dma_wait3A = arith.constant 0 : i32
    %dma_wait3A_12 = tpu.memref_slice %arg3[%mul3A_2, %dma_wait3A] : memref<1250x256xi32, #tpu.memory_space<hbm>> -> memref<39x256xi32, #tpu.memory_space<hbm>>
    %dma_wait3A_13 = arith.constant 0 : i32
    %dma_wait3A_14 = tpu.memref_slice %arg3[%mul3A_2, %dma_wait3A_13] : memref<1250x256xi32, #tpu.memory_space<hbm>> -> memref<39x256xi32, #tpu.memory_space<hbm>>
    tpu.wait_dma2 semaphore(%arg18 : memref<!tpu.dma_semaphore, #tpu.memory_space<semaphore_mem>>) src(%dma_wait3A_14 : memref<39x256xi32, #tpu.memory_space<hbm>>) dst(%arg9 : memref<39x256xi32, #tpu.memory_space<vmem>>)
    %dma_wait3A_15 = arith.constant 0 : i32
    %dma_wait3A_16 = tpu.memref_slice %arg4[%mul3A_2, %dma_wait3A_15] : memref<1250x256xi32, #tpu.memory_space<hbm>> -> memref<39x256xi32, #tpu.memory_space<hbm>>
    %dma_wait3A_17 = arith.constant 0 : i32
    %dma_wait3A_18 = tpu.memref_slice %arg4[%mul3A_2, %dma_wait3A_17] : memref<1250x256xi32, #tpu.memory_space<hbm>> -> memref<39x256xi32, #tpu.memory_space<hbm>>
    tpu.wait_dma2 semaphore(%arg19 : memref<!tpu.dma_semaphore, #tpu.memory_space<semaphore_mem>>) src(%dma_wait3A_18 : memref<39x256xi32, #tpu.memory_space<hbm>>) dst(%arg10 : memref<39x256xi32, #tpu.memory_space<vmem>>)
    %broadcast_in_dim3A = arith.constant 0.000000e+00 : f32
    %broadcast_in_dim3A_19 = vector.broadcast %broadcast_in_dim3A : f32 to vector<16xf32>
    %scan3A = arith.constant 0 : i32
    %scan3A_20 = arith.constant 0 : i32
    %scan3A_21 = arith.constant 256 : i32
    %scan3A_22 = arith.addi %scan3A_20, %scan3A_21 : i32
    %scan3A_23 = arith.constant 1 : i32
    scf.for %scan3A_128 = %scan3A_20 to %scan3A_22 step %scan3A_23  : i32 {
      %swap3A = arith.constant 0 : i32
      %swap3A_129 = arith.index_cast %swap3A : i32 to index
      %swap3A_130 = arith.index_cast %scan3A_128 : i32 to index
      %swap3A_131 = arith.constant 0 : index
      %swap3A_132 = tpu.vector_load %arg13[%swap3A_129, %swap3A_130, %swap3A_131] {strides = array<i32>} : memref<3x256x16xf32, #tpu.memory_space<vmem>>, vector<1x1x16xf32>,
      %swap3A_133 = vector.shape_cast %swap3A_132 : vector<1x1x16xf32> to vector<16xf32>
      %swap3A_134 = vector.shape_cast %broadcast_in_dim3A_19 : vector<16xf32> to vector<1x1x16xf32>
      tpu.vector_store %arg13[%swap3A_129, %swap3A_130, %swap3A_131], %swap3A_134 {strides = array<i32>} : memref<3x256x16xf32, #tpu.memory_space<vmem>>, vector<1x1x16xf32>,
    }
    %scan3A_24 = arith.constant 256 : i32
    %mul3A_25 = arith.constant 640 : i32
    %mul3A_26 = arith.muli %arg1, %mul3A_25 : i32
    %add3A_27 = arith.constant 0 : i32
    %add3A_28 = arith.addi %mul3A_26, %add3A_27 : i32
    %run_scoped3A = arith.constant 0 : i32
    "tpu.region"() ({
      %run_scoped3A_128 = tpu.sem_alloc : memref<!tpu.dma_semaphore, #tpu.memory_space<semaphore_mem>>
      %dma_start3A_129 = arith.constant 0 : i32
      %dma_start3A_130 = arith.constant 0 : i32
      %dma_start3A_131 = tpu.memref_slice %arg13[%run_scoped3A, %dma_start3A_129, %dma_start3A_130] : memref<3x256x16xf32, #tpu.memory_space<vmem>> -> memref<1x256x16xf32, #tpu.memory_space<vmem>>
      %dma_start3A_132 = tpu.memref_squeeze %dma_start3A_131 : memref<1x256x16xf32, #tpu.memory_space<vmem>> -> memref<256x16xf32, #tpu.memory_space<vmem>>
      %dma_start3A_133 = arith.constant 0 : i32
      %dma_start3A_134 = tpu.memref_slice %arg17[%add3A_28, %dma_start3A_133] : memref<10240x16xf32, #tpu.memory_space<vmem_shared>> -> memref<256x16xf32, #tpu.memory_space<vmem_shared>>
      %dma_start3A_135 = arith.constant 0 : i32
      %dma_start3A_136 = tpu.memref_slice %arg17[%add3A_28, %dma_start3A_135] : memref<10240x16xf32, #tpu.memory_space<vmem_shared>> -> memref<256x16xf32, #tpu.memory_space<vmem_shared>>
      %dma_start3A_137 = arith.constant 0 : i32
      %dma_start3A_138 = arith.constant 0 : i32
      %dma_start3A_139 = tpu.memref_slice %arg13[%run_scoped3A, %dma_start3A_137, %dma_start3A_138] : memref<3x256x16xf32, #tpu.memory_space<vmem>> -> memref<1x256x16xf32, #tpu.memory_space<vmem>>
      %dma_start3A_140 = tpu.memref_squeeze %dma_start3A_139 : memref<1x256x16xf32, #tpu.memory_space<vmem>> -> memref<256x16xf32, #tpu.memory_space<vmem>>
      tpu.enqueue_dma source(%dma_start3A_140 : memref<256x16xf32, #tpu.memory_space<vmem>>) target(%dma_start3A_136 : memref<256x16xf32, #tpu.memory_space<vmem_shared>>) target_semaphore(%run_scoped3A_128 : memref<!tpu.dma_semaphore, #tpu.memory_space<semaphore_mem>>)
      %dma_wait3A_141 = arith.constant 0 : i32
      %dma_wait3A_142 = arith.constant 0 : i32
      %dma_wait3A_143 = tpu.memref_slice %arg13[%run_scoped3A, %dma_wait3A_141, %dma_wait3A_142] : memref<3x256x16xf32, #tpu.memory_space<vmem>> -> memref<1x256x16xf32, #tpu.memory_space<vmem>>
      %dma_wait3A_144 = tpu.memref_squeeze %dma_wait3A_143 : memref<1x256x16xf32, #tpu.memory_space<vmem>> -> memref<256x16xf32, #tpu.memory_space<vmem>>
      %dma_wait3A_145 = arith.constant 0 : i32
      %dma_wait3A_146 = tpu.memref_slice %arg17[%add3A_28, %dma_wait3A_145] : memref<10240x16xf32, #tpu.memory_space<vmem_shared>> -> memref<256x16xf32, #tpu.memory_space<vmem_shared>>
      %dma_wait3A_147 = arith.constant 0 : i32
      %dma_wait3A_148 = tpu.memref_slice %arg17[%add3A_28, %dma_wait3A_147] : memref<10240x16xf32, #tpu.memory_space<vmem_shared>> -> memref<256x16xf32, #tpu.memory_space<vmem_shared>>
      %dma_wait3A_149 = arith.constant 0 : i32
      %dma_wait3A_150 = arith.constant 0 : i32
      %dma_wait3A_151 = tpu.memref_slice %arg13[%run_scoped3A, %dma_wait3A_149, %dma_wait3A_150] : memref<3x256x16xf32, #tpu.memory_space<vmem>> -> memref<1x256x16xf32, #tpu.memory_space<vmem>>
      %dma_wait3A_152 = tpu.memref_squeeze %dma_wait3A_151 : memref<1x256x16xf32, #tpu.memory_space<vmem>> -> memref<256x16xf32, #tpu.memory_space<vmem>>
      tpu.wait_dma2 semaphore(%run_scoped3A_128 : memref<!tpu.dma_semaphore, #tpu.memory_space<semaphore_mem>>) src(%dma_wait3A_152 : memref<256x16xf32, #tpu.memory_space<vmem>>) dst(%dma_wait3A_148 : memref<256x16xf32, #tpu.memory_space<vmem_shared>>)
      tpu.yield
    }) : () -> ()
    %add3A_29 = arith.constant 256 : i32
    %add3A_30 = arith.addi %mul3A_26, %add3A_29 : i32
    %run_scoped3A_31 = arith.constant 0 : i32
    "tpu.region"() ({
      %run_scoped3A_128 = tpu.sem_alloc : memref<!tpu.dma_semaphore, #tpu.memory_space<semaphore_mem>>
      %dma_start3A_129 = arith.constant 0 : i32
      %dma_start3A_130 = arith.constant 0 : i32
      %dma_start3A_131 = tpu.memref_slice %arg13[%run_scoped3A_31, %dma_start3A_129, %dma_start3A_130] : memref<3x256x16xf32, #tpu.memory_space<vmem>> -> memref<1x256x16xf32, #tpu.memory_space<vmem>>
      %dma_start3A_132 = tpu.memref_squeeze %dma_start3A_131 : memref<1x256x16xf32, #tpu.memory_space<vmem>> -> memref<256x16xf32, #tpu.memory_space<vmem>>
      %dma_start3A_133 = arith.constant 0 : i32
      %dma_start3A_134 = tpu.memref_slice %arg17[%add3A_30, %dma_start3A_133] : memref<10240x16xf32, #tpu.memory_space<vmem_shared>> -> memref<256x16xf32, #tpu.memory_space<vmem_shared>>
      %dma_start3A_135 = arith.constant 0 : i32
      %dma_start3A_136 = tpu.memref_slice %arg17[%add3A_30, %dma_start3A_135] : memref<10240x16xf32, #tpu.memory_space<vmem_shared>> -> memref<256x16xf32, #tpu.memory_space<vmem_shared>>
      %dma_start3A_137 = arith.constant 0 : i32
      %dma_start3A_138 = arith.constant 0 : i32
      %dma_start3A_139 = tpu.memref_slice %arg13[%run_scoped3A_31, %dma_start3A_137, %dma_start3A_138] : memref<3x256x16xf32, #tpu.memory_space<vmem>> -> memref<1x256x16xf32, #tpu.memory_space<vmem>>
      %dma_start3A_140 = tpu.memref_squeeze %dma_start3A_139 : memref<1x256x16xf32, #tpu.memory_space<vmem>> -> memref<256x16xf32, #tpu.memory_space<vmem>>
      tpu.enqueue_dma source(%dma_start3A_140 : memref<256x16xf32, #tpu.memory_space<vmem>>) target(%dma_start3A_136 : memref<256x16xf32, #tpu.memory_space<vmem_shared>>) target_semaphore(%run_scoped3A_128 : memref<!tpu.dma_semaphore, #tpu.memory_space<semaphore_mem>>)
      %dma_wait3A_141 = arith.constant 0 : i32
      %dma_wait3A_142 = arith.constant 0 : i32
      %dma_wait3A_143 = tpu.memref_slice %arg13[%run_scoped3A_31, %dma_wait3A_141, %dma_wait3A_142] : memref<3x256x16xf32, #tpu.memory_space<vmem>> -> memref<1x256x16xf32, #tpu.memory_space<vmem>>
      %dma_wait3A_144 = tpu.memref_squeeze %dma_wait3A_143 : memref<1x256x16xf32, #tpu.memory_space<vmem>> -> memref<256x16xf32, #tpu.memory_space<vmem>>
      %dma_wait3A_145 = arith.constant 0 : i32
      %dma_wait3A_146 = tpu.memref_slice %arg17[%add3A_30, %dma_wait3A_145] : memref<10240x16xf32, #tpu.memory_space<vmem_shared>> -> memref<256x16xf32, #tpu.memory_space<vmem_shared>>
      %dma_wait3A_147 = arith.constant 0 : i32
      %dma_wait3A_148 = tpu.memref_slice %arg17[%add3A_30, %dma_wait3A_147] : memref<10240x16xf32, #tpu.memory_space<vmem_shared>> -> memref<256x16xf32, #tpu.memory_space<vmem_shared>>
      %dma_wait3A_149 = arith.constant 0 : i32
      %dma_wait3A_150 = arith.constant 0 : i32
      %dma_wait3A_151 = tpu.memref_slice %arg13[%run_scoped3A_31, %dma_wait3A_149, %dma_wait3A_150] : memref<3x256x16xf32, #tpu.memory_space<vmem>> -> memref<1x256x16xf32, #tpu.memory_space<vmem>>
      %dma_wait3A_152 = tpu.memref_squeeze %dma_wait3A_151 : memref<1x256x16xf32, #tpu.memory_space<vmem>> -> memref<256x16xf32, #tpu.memory_space<vmem>>
      tpu.wait_dma2 semaphore(%run_scoped3A_128 : memref<!tpu.dma_semaphore, #tpu.memory_space<semaphore_mem>>) src(%dma_wait3A_152 : memref<256x16xf32, #tpu.memory_space<vmem>>) dst(%dma_wait3A_148 : memref<256x16xf32, #tpu.memory_space<vmem_shared>>)
      tpu.yield
    }) : () -> ()
    %add3A_32 = arith.constant 640 : i32
    %add3A_33 = arith.addi %mul3A_26, %add3A_32 : i32
    %sub3A = arith.constant 128 : i32
    %sub3A_34 = arith.subi %add3A_33, %sub3A : i32
    %run_scoped3A_35 = arith.constant 0 : i32
    "tpu.region"() ({
      %run_scoped3A_128 = tpu.sem_alloc : memref<!tpu.dma_semaphore, #tpu.memory_space<semaphore_mem>>
      %dma_start3A_129 = arith.constant 0 : i32
      %dma_start3A_130 = arith.constant 0 : i32
      %dma_start3A_131 = tpu.memref_slice %arg13[%run_scoped3A_35, %dma_start3A_129, %dma_start3A_130] : memref<3x256x16xf32, #tpu.memory_space<vmem>> -> memref<1x256x16xf32, #tpu.memory_space<vmem>>
      %dma_start3A_132 = tpu.memref_squeeze %dma_start3A_131 : memref<1x256x16xf32, #tpu.memory_space<vmem>> -> memref<256x16xf32, #tpu.memory_space<vmem>>
      %dma_start3A_133 = arith.constant 0 : i32
      %dma_start3A_134 = arith.constant 0 : i32
      %dma_start3A_135 = tpu.memref_slice %dma_start3A_132[%dma_start3A_133, %dma_start3A_134] : memref<256x16xf32, #tpu.memory_space<vmem>> -> memref<128x16xf32, #tpu.memory_space<vmem>>
      %dma_start3A_136 = arith.constant 0 : i32
      %dma_start3A_137 = tpu.memref_slice %arg17[%sub3A_34, %dma_start3A_136] : memref<10240x16xf32, #tpu.memory_space<vmem_shared>> -> memref<128x16xf32, #tpu.memory_space<vmem_shared>>
      %dma_start3A_138 = arith.constant 0 : i32
      %dma_start3A_139 = tpu.memref_slice %arg17[%sub3A_34, %dma_start3A_138] : memref<10240x16xf32, #tpu.memory_space<vmem_shared>> -> memref<128x16xf32, #tpu.memory_space<vmem_shared>>
      %dma_start3A_140 = arith.constant 0 : i32
      %dma_start3A_141 = arith.constant 0 : i32
      %dma_start3A_142 = tpu.memref_slice %arg13[%run_scoped3A_35, %dma_start3A_140, %dma_start3A_141] : memref<3x256x16xf32, #tpu.memory_space<vmem>> -> memref<1x256x16xf32, #tpu.memory_space<vmem>>
      %dma_start3A_143 = tpu.memref_squeeze %dma_start3A_142 : memref<1x256x16xf32, #tpu.memory_space<vmem>> -> memref<256x16xf32, #tpu.memory_space<vmem>>
      %dma_start3A_144 = arith.constant 0 : i32
      %dma_start3A_145 = arith.constant 0 : i32
      %dma_start3A_146 = tpu.memref_slice %dma_start3A_143[%dma_start3A_144, %dma_start3A_145] : memref<256x16xf32, #tpu.memory_space<vmem>> -> memref<128x16xf32, #tpu.memory_space<vmem>>
      tpu.enqueue_dma source(%dma_start3A_146 : memref<128x16xf32, #tpu.memory_space<vmem>>) target(%dma_start3A_139 : memref<128x16xf32, #tpu.memory_space<vmem_shared>>) target_semaphore(%run_scoped3A_128 : memref<!tpu.dma_semaphore, #tpu.memory_space<semaphore_mem>>)
      %dma_wait3A_147 = arith.constant 0 : i32
      %dma_wait3A_148 = arith.constant 0 : i32
      %dma_wait3A_149 = tpu.memref_slice %arg13[%run_scoped3A_35, %dma_wait3A_147, %dma_wait3A_148] : memref<3x256x16xf32, #tpu.memory_space<vmem>> -> memref<1x256x16xf32, #tpu.memory_space<vmem>>
      %dma_wait3A_150 = tpu.memref_squeeze %dma_wait3A_149 : memref<1x256x16xf32, #tpu.memory_space<vmem>> -> memref<256x16xf32, #tpu.memory_space<vmem>>
      %dma_wait3A_151 = arith.constant 0 : i32
      %dma_wait3A_152 = arith.constant 0 : i32
      %dma_wait3A_153 = tpu.memref_slice %dma_wait3A_150[%dma_wait3A_151, %dma_wait3A_152] : memref<256x16xf32, #tpu.memory_space<vmem>> -> memref<128x16xf32, #tpu.memory_space<vmem>>
      %dma_wait3A_154 = arith.constant 0 : i32
      %dma_wait3A_155 = tpu.memref_slice %arg17[%sub3A_34, %dma_wait3A_154] : memref<10240x16xf32, #tpu.memory_space<vmem_shared>> -> memref<128x16xf32, #tpu.memory_space<vmem_shared>>
      %dma_wait3A_156 = arith.constant 0 : i32
      %dma_wait3A_157 = tpu.memref_slice %arg17[%sub3A_34, %dma_wait3A_156] : memref<10240x16xf32, #tpu.memory_space<vmem_shared>> -> memref<128x16xf32, #tpu.memory_space<vmem_shared>>
      %dma_wait3A_158 = arith.constant 0 : i32
      %dma_wait3A_159 = arith.constant 0 : i32
      %dma_wait3A_160 = tpu.memref_slice %arg13[%run_scoped3A_35, %dma_wait3A_158, %dma_wait3A_159] : memref<3x256x16xf32, #tpu.memory_space<vmem>> -> memref<1x256x16xf32, #tpu.memory_space<vmem>>
      %dma_wait3A_161 = tpu.memref_squeeze %dma_wait3A_160 : memref<1x256x16xf32, #tpu.memory_space<vmem>> -> memref<256x16xf32, #tpu.memory_space<vmem>>
      %dma_wait3A_162 = arith.constant 0 : i32
      %dma_wait3A_163 = arith.constant 0 : i32
      %dma_wait3A_164 = tpu.memref_slice %dma_wait3A_161[%dma_wait3A_162, %dma_wait3A_163] : memref<256x16xf32, #tpu.memory_space<vmem>> -> memref<128x16xf32, #tpu.memory_space<vmem>>
      tpu.wait_dma2 semaphore(%run_scoped3A_128 : memref<!tpu.dma_semaphore, #tpu.memory_space<semaphore_mem>>) src(%dma_wait3A_164 : memref<128x16xf32, #tpu.memory_space<vmem>>) dst(%dma_wait3A_157 : memref<128x16xf32, #tpu.memory_space<vmem_shared>>)
      tpu.yield
    }) : () -> ()
    %barrier3A = arith.constant 0 : index
    tpu.barrier barrier_id(%barrier3A)
    %dma_start3A_36 = arith.constant 0 : i32
    %dma_start3A_37 = arith.constant 0 : i32
    %dma_start3A_38 = arith.constant 0 : i32
    %dma_start3A_39 = arith.constant 0 : i32
    %dma_start3A_40 = tpu.memref_slice %arg13[%dma_start3A_37, %dma_start3A_38, %dma_start3A_39] : memref<3x256x16xf32, #tpu.memory_space<vmem>> -> memref<1x256x16xf32, #tpu.memory_space<vmem>>
    %dma_start3A_41 = tpu.memref_squeeze %dma_start3A_40 : memref<1x256x16xf32, #tpu.memory_space<vmem>> -> memref<256x16xf32, #tpu.memory_space<vmem>>
    %dma_start3A_42 = arith.constant 0 : i32
    %dma_start3A_43 = tpu.memref_slice %arg9[%dma_start3A_36, %dma_start3A_42] : memref<39x256xi32, #tpu.memory_space<vmem>> -> memref<1x256xi32, #tpu.memory_space<vmem>>
    %dma_start3A_44 = tpu.memref_squeeze %dma_start3A_43 : memref<1x256xi32, #tpu.memory_space<vmem>> -> memref<256xi32, #tpu.memory_space<vmem>>
    %dma_start3A_45 = arith.constant 0 : i32
    %dma_start3A_46 = arith.constant 0 : i32
    %dma_start3A_47 = tpu.memref_slice %arg2[%dma_start3A_45, %dma_start3A_46] : memref<10000x16xf32, #tpu.memory_space<hbm>> -> memref<10000x16xf32, #tpu.memory_space<hbm>>
    tpu.enqueue_indirect_dma source(%dma_start3A_47 : memref<10000x16xf32, #tpu.memory_space<hbm>>) target(%dma_start3A_41 : memref<256x16xf32, #tpu.memory_space<vmem>>) offsets(%dma_start3A_44 : memref<256xi32, #tpu.memory_space<vmem>>) semaphore(%arg18 : memref<!tpu.dma_semaphore, #tpu.memory_space<semaphore_mem>>)
    %dma_start3A_48 = arith.constant 1 : i32
    %dma_start3A_49 = arith.constant 1 : i32
    %dma_start3A_50 = arith.constant 0 : i32
    %dma_start3A_51 = arith.constant 0 : i32
    %dma_start3A_52 = tpu.memref_slice %arg13[%dma_start3A_49, %dma_start3A_50, %dma_start3A_51] : memref<3x256x16xf32, #tpu.memory_space<vmem>> -> memref<1x256x16xf32, #tpu.memory_space<vmem>>
    %dma_start3A_53 = tpu.memref_squeeze %dma_start3A_52 : memref<1x256x16xf32, #tpu.memory_space<vmem>> -> memref<256x16xf32, #tpu.memory_space<vmem>>
    %dma_start3A_54 = arith.constant 0 : i32
    %dma_start3A_55 = tpu.memref_slice %arg9[%dma_start3A_48, %dma_start3A_54] : memref<39x256xi32, #tpu.memory_space<vmem>> -> memref<1x256xi32, #tpu.memory_space<vmem>>
    %dma_start3A_56 = tpu.memref_squeeze %dma_start3A_55 : memref<1x256xi32, #tpu.memory_space<vmem>> -> memref<256xi32, #tpu.memory_space<vmem>>
    %dma_start3A_57 = arith.constant 0 : i32
    %dma_start3A_58 = arith.constant 0 : i32
    %dma_start3A_59 = tpu.memref_slice %arg2[%dma_start3A_57, %dma_start3A_58] : memref<10000x16xf32, #tpu.memory_space<hbm>> -> memref<10000x16xf32, #tpu.memory_space<hbm>>
    tpu.enqueue_indirect_dma source(%dma_start3A_59 : memref<10000x16xf32, #tpu.memory_space<hbm>>) target(%dma_start3A_53 : memref<256x16xf32, #tpu.memory_space<vmem>>) offsets(%dma_start3A_56 : memref<256xi32, #tpu.memory_space<vmem>>) semaphore(%arg19 : memref<!tpu.dma_semaphore, #tpu.memory_space<semaphore_mem>>)
    %scan3A_60 = arith.constant 0 : i32
    %scan3A_61 = arith.constant 0 : i32
    %scan3A_62 = arith.constant 13 : i32
    %scan3A_63 = arith.addi %scan3A_61, %scan3A_62 : i32
    %scan3A_64 = arith.constant 1 : i32
    scf.for %scan3A_128 = %scan3A_61 to %scan3A_63 step %scan3A_64  : i32 {
      %mul3A_129 = arith.constant 3 : i32
      %mul3A_130 = arith.muli %scan3A_128, %mul3A_129 : i32
      %add3A_131 = arith.constant 0 : i32
      %add3A_132 = arith.addi %mul3A_130, %add3A_131 : i32
      %dma_wait3A_133 = arith.constant 0 : i32
      %dma_wait3A_134 = arith.constant 0 : i32
      %dma_wait3A_135 = arith.constant 0 : i32
      %dma_wait3A_136 = tpu.memref_slice %arg13[%dma_wait3A_133, %dma_wait3A_134, %dma_wait3A_135] : memref<3x256x16xf32, #tpu.memory_space<vmem>> -> memref<1x256x16xf32, #tpu.memory_space<vmem>>
      %dma_wait3A_137 = tpu.memref_squeeze %dma_wait3A_136 : memref<1x256x16xf32, #tpu.memory_space<vmem>> -> memref<256x16xf32, #tpu.memory_space<vmem>>
      %dma_wait3A_138 = arith.constant 0 : i32
      %dma_wait3A_139 = tpu.memref_slice %arg9[%add3A_132, %dma_wait3A_138] : memref<39x256xi32, #tpu.memory_space<vmem>> -> memref<1x256xi32, #tpu.memory_space<vmem>>
      %dma_wait3A_140 = tpu.memref_squeeze %dma_wait3A_139 : memref<1x256xi32, #tpu.memory_space<vmem>> -> memref<256xi32, #tpu.memory_space<vmem>>
      %dma_wait3A_141 = arith.constant 0 : i32
      %dma_wait3A_142 = arith.constant 0 : i32
      %dma_wait3A_143 = tpu.memref_slice %arg2[%dma_wait3A_141, %dma_wait3A_142] : memref<10000x16xf32, #tpu.memory_space<hbm>> -> memref<10000x16xf32, #tpu.memory_space<hbm>>
      tpu.wait_indirect_dma semaphore(%arg18 : memref<!tpu.dma_semaphore, #tpu.memory_space<semaphore_mem>>) src(%dma_wait3A_143 : memref<10000x16xf32, #tpu.memory_space<hbm>>) dst(%dma_wait3A_137 : memref<256x16xf32, #tpu.memory_space<vmem>>)
      %dma_start3A_144 = arith.constant 0 : i32
      %dma_start3A_145 = arith.constant 0 : i32
      %dma_start3A_146 = arith.constant 0 : i32
      %dma_start3A_147 = tpu.memref_slice %arg13[%dma_start3A_144, %dma_start3A_145, %dma_start3A_146] : memref<3x256x16xf32, #tpu.memory_space<vmem>> -> memref<1x256x16xf32, #tpu.memory_space<vmem>>
      %dma_start3A_148 = tpu.memref_squeeze %dma_start3A_147 : memref<1x256x16xf32, #tpu.memory_space<vmem>> -> memref<256x16xf32, #tpu.memory_space<vmem>>
      %dma_start3A_149 = arith.constant 0 : i32
      %dma_start3A_150 = tpu.memref_slice %arg10[%add3A_132, %dma_start3A_149] : memref<39x256xi32, #tpu.memory_space<vmem>> -> memref<1x256xi32, #tpu.memory_space<vmem>>
      %dma_start3A_151 = tpu.memref_squeeze %dma_start3A_150 : memref<1x256xi32, #tpu.memory_space<vmem>> -> memref<256xi32, #tpu.memory_space<vmem>>
      %dma_start3A_152 = arith.constant 0 : i32
      %dma_start3A_153 = arith.constant 0 : i32
      %dma_start3A_154 = tpu.memref_slice %arg17[%dma_start3A_152, %dma_start3A_153] : memref<10240x16xf32, #tpu.memory_space<vmem_shared>> -> memref<10240x16xf32, #tpu.memory_space<vmem_shared>>
      tpu.enqueue_indirect_dma source(%dma_start3A_148 : memref<256x16xf32, #tpu.memory_space<vmem>>) target(%dma_start3A_154 : memref<10240x16xf32, #tpu.memory_space<vmem_shared>>) offsets(%dma_start3A_151 : memref<256xi32, #tpu.memory_space<vmem>>) semaphore(%arg21 : memref<!tpu.dma_semaphore, #tpu.memory_space<semaphore_mem>>) {add = true}
      %add3A_155 = arith.constant 2 : i32
      %add3A_156 = arith.addi %add3A_132, %add3A_155 : i32
      %gt3A = arith.constant 0 : i32
      %gt3A_157 = arith.cmpi sgt, %scan3A_128, %gt3A : i32
      %convert_element_type3A_158 = arith.extui %gt3A_157 : i1 to i32
      %cond3A_159 = arith.constant 0 : i32
      %cond3A_160 = arith.cmpi ne, %convert_element_type3A_158, %cond3A_159 : i32
      scf.if %cond3A_160 {
        %dma_wait3A_233 = arith.constant 2 : i32
        %dma_wait3A_234 = arith.constant 0 : i32
        %dma_wait3A_235 = arith.constant 0 : i32
        %dma_wait3A_236 = tpu.memref_slice %arg13[%dma_wait3A_233, %dma_wait3A_234, %dma_wait3A_235] : memref<3x256x16xf32, #tpu.memory_space<vmem>> -> memref<1x256x16xf32, #tpu.memory_space<vmem>>
        %dma_wait3A_237 = tpu.memref_squeeze %dma_wait3A_236 : memref<1x256x16xf32, #tpu.memory_space<vmem>> -> memref<256x16xf32, #tpu.memory_space<vmem>>
        %dma_wait3A_238 = arith.constant 0 : i32
        %dma_wait3A_239 = tpu.memref_slice %arg10[%add3A_132, %dma_wait3A_238] : memref<39x256xi32, #tpu.memory_space<vmem>> -> memref<1x256xi32, #tpu.memory_space<vmem>>
        %dma_wait3A_240 = tpu.memref_squeeze %dma_wait3A_239 : memref<1x256xi32, #tpu.memory_space<vmem>> -> memref<256xi32, #tpu.memory_space<vmem>>
        %dma_wait3A_241 = arith.constant 0 : i32
        %dma_wait3A_242 = arith.constant 0 : i32
        %dma_wait3A_243 = tpu.memref_slice %arg17[%dma_wait3A_241, %dma_wait3A_242] : memref<10240x16xf32, #tpu.memory_space<vmem_shared>> -> memref<10240x16xf32, #tpu.memory_space<vmem_shared>>
        tpu.wait_indirect_dma semaphore(%arg23 : memref<!tpu.dma_semaphore, #tpu.memory_space<semaphore_mem>>) src(%dma_wait3A_237 : memref<256x16xf32, #tpu.memory_space<vmem>>) dst(%dma_wait3A_243 : memref<10240x16xf32, #tpu.memory_space<vmem_shared>>)
        %dma_start3A_244 = arith.constant 2 : i32
        %dma_start3A_245 = arith.constant 0 : i32
        %dma_start3A_246 = arith.constant 0 : i32
        %dma_start3A_247 = tpu.memref_slice %arg13[%dma_start3A_244, %dma_start3A_245, %dma_start3A_246] : memref<3x256x16xf32, #tpu.memory_space<vmem>> -> memref<1x256x16xf32, #tpu.memory_space<vmem>>
        %dma_start3A_248 = tpu.memref_squeeze %dma_start3A_247 : memref<1x256x16xf32, #tpu.memory_space<vmem>> -> memref<256x16xf32, #tpu.memory_space<vmem>>
        %dma_start3A_249 = arith.constant 0 : i32
        %dma_start3A_250 = tpu.memref_slice %arg9[%add3A_156, %dma_start3A_249] : memref<39x256xi32, #tpu.memory_space<vmem>> -> memref<1x256xi32, #tpu.memory_space<vmem>>
        %dma_start3A_251 = tpu.memref_squeeze %dma_start3A_250 : memref<1x256xi32, #tpu.memory_space<vmem>> -> memref<256xi32, #tpu.memory_space<vmem>>
        %dma_start3A_252 = arith.constant 0 : i32
        %dma_start3A_253 = arith.constant 0 : i32
        %dma_start3A_254 = tpu.memref_slice %arg2[%dma_start3A_252, %dma_start3A_253] : memref<10000x16xf32, #tpu.memory_space<hbm>> -> memref<10000x16xf32, #tpu.memory_space<hbm>>
        tpu.enqueue_indirect_dma source(%dma_start3A_254 : memref<10000x16xf32, #tpu.memory_space<hbm>>) target(%dma_start3A_248 : memref<256x16xf32, #tpu.memory_space<vmem>>) offsets(%dma_start3A_251 : memref<256xi32, #tpu.memory_space<vmem>>) semaphore(%arg20 : memref<!tpu.dma_semaphore, #tpu.memory_space<semaphore_mem>>)
      } else {
      }
      %eq3A = arith.constant 0 : i32
      %eq3A_161 = arith.cmpi eq, %scan3A_128, %eq3A : i32
      %lt3A_162 = arith.constant 39 : i32
      %lt3A_163 = arith.cmpi slt, %add3A_156, %lt3A_162 : i32
      %and3A = arith.andi %eq3A_161, %lt3A_163 : i1
      %convert_element_type3A_164 = arith.extui %and3A : i1 to i32
      %cond3A_165 = arith.constant 0 : i32
      %cond3A_166 = arith.cmpi ne, %convert_element_type3A_164, %cond3A_165 : i32
      scf.if %cond3A_166 {
        %dma_start3A_233 = arith.constant 2 : i32
        %dma_start3A_234 = arith.constant 0 : i32
        %dma_start3A_235 = arith.constant 0 : i32
        %dma_start3A_236 = tpu.memref_slice %arg13[%dma_start3A_233, %dma_start3A_234, %dma_start3A_235] : memref<3x256x16xf32, #tpu.memory_space<vmem>> -> memref<1x256x16xf32, #tpu.memory_space<vmem>>
        %dma_start3A_237 = tpu.memref_squeeze %dma_start3A_236 : memref<1x256x16xf32, #tpu.memory_space<vmem>> -> memref<256x16xf32, #tpu.memory_space<vmem>>
        %dma_start3A_238 = arith.constant 0 : i32
        %dma_start3A_239 = tpu.memref_slice %arg9[%add3A_156, %dma_start3A_238] : memref<39x256xi32, #tpu.memory_space<vmem>> -> memref<1x256xi32, #tpu.memory_space<vmem>>
        %dma_start3A_240 = tpu.memref_squeeze %dma_start3A_239 : memref<1x256xi32, #tpu.memory_space<vmem>> -> memref<256xi32, #tpu.memory_space<vmem>>
        %dma_start3A_241 = arith.constant 0 : i32
        %dma_start3A_242 = arith.constant 0 : i32
        %dma_start3A_243 = tpu.memref_slice %arg2[%dma_start3A_241, %dma_start3A_242] : memref<10000x16xf32, #tpu.memory_space<hbm>> -> memref<10000x16xf32, #tpu.memory_space<hbm>>
        tpu.enqueue_indirect_dma source(%dma_start3A_243 : memref<10000x16xf32, #tpu.memory_space<hbm>>) target(%dma_start3A_237 : memref<256x16xf32, #tpu.memory_space<vmem>>) offsets(%dma_start3A_240 : memref<256xi32, #tpu.memory_space<vmem>>) semaphore(%arg20 : memref<!tpu.dma_semaphore, #tpu.memory_space<semaphore_mem>>)
      } else {
      }
      %mul3A_167 = arith.constant 3 : i32
      %mul3A_168 = arith.muli %scan3A_128, %mul3A_167 : i32
      %add3A_169 = arith.constant 1 : i32
      %add3A_170 = arith.addi %mul3A_168, %add3A_169 : i32
      %dma_wait3A_171 = arith.constant 1 : i32
      %dma_wait3A_172 = arith.constant 0 : i32
      %dma_wait3A_173 = arith.constant 0 : i32
      %dma_wait3A_174 = tpu.memref_slice %arg13[%dma_wait3A_171, %dma_wait3A_172, %dma_wait3A_173] : memref<3x256x16xf32, #tpu.memory_space<vmem>> -> memref<1x256x16xf32, #tpu.memory_space<vmem>>
      %dma_wait3A_175 = tpu.memref_squeeze %dma_wait3A_174 : memref<1x256x16xf32, #tpu.memory_space<vmem>> -> memref<256x16xf32, #tpu.memory_space<vmem>>
      %dma_wait3A_176 = arith.constant 0 : i32
      %dma_wait3A_177 = tpu.memref_slice %arg9[%add3A_170, %dma_wait3A_176] : memref<39x256xi32, #tpu.memory_space<vmem>> -> memref<1x256xi32, #tpu.memory_space<vmem>>
      %dma_wait3A_178 = tpu.memref_squeeze %dma_wait3A_177 : memref<1x256xi32, #tpu.memory_space<vmem>> -> memref<256xi32, #tpu.memory_space<vmem>>
      %dma_wait3A_179 = arith.constant 0 : i32
      %dma_wait3A_180 = arith.constant 0 : i32
      %dma_wait3A_181 = tpu.memref_slice %arg2[%dma_wait3A_179, %dma_wait3A_180] : memref<10000x16xf32, #tpu.memory_space<hbm>> -> memref<10000x16xf32, #tpu.memory_space<hbm>>
      tpu.wait_indirect_dma semaphore(%arg19 : memref<!tpu.dma_semaphore, #tpu.memory_space<semaphore_mem>>) src(%dma_wait3A_181 : memref<10000x16xf32, #tpu.memory_space<hbm>>) dst(%dma_wait3A_175 : memref<256x16xf32, #tpu.memory_space<vmem>>)
      %dma_start3A_182 = arith.constant 1 : i32
      %dma_start3A_183 = arith.constant 0 : i32
      %dma_start3A_184 = arith.constant 0 : i32
      %dma_start3A_185 = tpu.memref_slice %arg13[%dma_start3A_182, %dma_start3A_183, %dma_start3A_184] : memref<3x256x16xf32, #tpu.memory_space<vmem>> -> memref<1x256x16xf32, #tpu.memory_space<vmem>>
      %dma_start3A_186 = tpu.memref_squeeze %dma_start3A_185 : memref<1x256x16xf32, #tpu.memory_space<vmem>> -> memref<256x16xf32, #tpu.memory_space<vmem>>
      %dma_start3A_187 = arith.constant 0 : i32
      %dma_start3A_188 = tpu.memref_slice %arg10[%add3A_170, %dma_start3A_187] : memref<39x256xi32, #tpu.memory_space<vmem>> -> memref<1x256xi32, #tpu.memory_space<vmem>>
      %dma_start3A_189 = tpu.memref_squeeze %dma_start3A_188 : memref<1x256xi32, #tpu.memory_space<vmem>> -> memref<256xi32, #tpu.memory_space<vmem>>
      %dma_start3A_190 = arith.constant 0 : i32
      %dma_start3A_191 = arith.constant 0 : i32
      %dma_start3A_192 = tpu.memref_slice %arg17[%dma_start3A_190, %dma_start3A_191] : memref<10240x16xf32, #tpu.memory_space<vmem_shared>> -> memref<10240x16xf32, #tpu.memory_space<vmem_shared>>
      tpu.enqueue_indirect_dma source(%dma_start3A_186 : memref<256x16xf32, #tpu.memory_space<vmem>>) target(%dma_start3A_192 : memref<10240x16xf32, #tpu.memory_space<vmem_shared>>) offsets(%dma_start3A_189 : memref<256xi32, #tpu.memory_space<vmem>>) semaphore(%arg22 : memref<!tpu.dma_semaphore, #tpu.memory_space<semaphore_mem>>) {add = true}
      %add3A_193 = arith.constant 2 : i32
      %add3A_194 = arith.addi %add3A_170, %add3A_193 : i32
      %lt3A_195 = arith.constant 39 : i32
      %lt3A_196 = arith.cmpi slt, %add3A_194, %lt3A_195 : i32
      %convert_element_type3A_197 = arith.extui %lt3A_196 : i1 to i32
      %cond3A_198 = arith.constant 0 : i32
      %cond3A_199 = arith.cmpi ne, %convert_element_type3A_197, %cond3A_198 : i32
      scf.if %cond3A_199 {
        %dma_wait3A_233 = arith.constant 0 : i32
        %dma_wait3A_234 = arith.constant 0 : i32
        %dma_wait3A_235 = arith.constant 0 : i32
        %dma_wait3A_236 = tpu.memref_slice %arg13[%dma_wait3A_233, %dma_wait3A_234, %dma_wait3A_235] : memref<3x256x16xf32, #tpu.memory_space<vmem>> -> memref<1x256x16xf32, #tpu.memory_space<vmem>>
        %dma_wait3A_237 = tpu.memref_squeeze %dma_wait3A_236 : memref<1x256x16xf32, #tpu.memory_space<vmem>> -> memref<256x16xf32, #tpu.memory_space<vmem>>
        %dma_wait3A_238 = arith.constant 0 : i32
        %dma_wait3A_239 = tpu.memref_slice %arg10[%add3A_170, %dma_wait3A_238] : memref<39x256xi32, #tpu.memory_space<vmem>> -> memref<1x256xi32, #tpu.memory_space<vmem>>
        %dma_wait3A_240 = tpu.memref_squeeze %dma_wait3A_239 : memref<1x256xi32, #tpu.memory_space<vmem>> -> memref<256xi32, #tpu.memory_space<vmem>>
        %dma_wait3A_241 = arith.constant 0 : i32
        %dma_wait3A_242 = arith.constant 0 : i32
        %dma_wait3A_243 = tpu.memref_slice %arg17[%dma_wait3A_241, %dma_wait3A_242] : memref<10240x16xf32, #tpu.memory_space<vmem_shared>> -> memref<10240x16xf32, #tpu.memory_space<vmem_shared>>
        tpu.wait_indirect_dma semaphore(%arg21 : memref<!tpu.dma_semaphore, #tpu.memory_space<semaphore_mem>>) src(%dma_wait3A_237 : memref<256x16xf32, #tpu.memory_space<vmem>>) dst(%dma_wait3A_243 : memref<10240x16xf32, #tpu.memory_space<vmem_shared>>)
        %dma_start3A_244 = arith.constant 0 : i32
        %dma_start3A_245 = arith.constant 0 : i32
        %dma_start3A_246 = arith.constant 0 : i32
        %dma_start3A_247 = tpu.memref_slice %arg13[%dma_start3A_244, %dma_start3A_245, %dma_start3A_246] : memref<3x256x16xf32, #tpu.memory_space<vmem>> -> memref<1x256x16xf32, #tpu.memory_space<vmem>>
        %dma_start3A_248 = tpu.memref_squeeze %dma_start3A_247 : memref<1x256x16xf32, #tpu.memory_space<vmem>> -> memref<256x16xf32, #tpu.memory_space<vmem>>
        %dma_start3A_249 = arith.constant 0 : i32
        %dma_start3A_250 = tpu.memref_slice %arg9[%add3A_194, %dma_start3A_249] : memref<39x256xi32, #tpu.memory_space<vmem>> -> memref<1x256xi32, #tpu.memory_space<vmem>>
        %dma_start3A_251 = tpu.memref_squeeze %dma_start3A_250 : memref<1x256xi32, #tpu.memory_space<vmem>> -> memref<256xi32, #tpu.memory_space<vmem>>
        %dma_start3A_252 = arith.constant 0 : i32
        %dma_start3A_253 = arith.constant 0 : i32
        %dma_start3A_254 = tpu.memref_slice %arg2[%dma_start3A_252, %dma_start3A_253] : memref<10000x16xf32, #tpu.memory_space<hbm>> -> memref<10000x16xf32, #tpu.memory_space<hbm>>
        tpu.enqueue_indirect_dma source(%dma_start3A_254 : memref<10000x16xf32, #tpu.memory_space<hbm>>) target(%dma_start3A_248 : memref<256x16xf32, #tpu.memory_space<vmem>>) offsets(%dma_start3A_251 : memref<256xi32, #tpu.memory_space<vmem>>) semaphore(%arg18 : memref<!tpu.dma_semaphore, #tpu.memory_space<semaphore_mem>>)
      } else {
      }
      %mul3A_200 = arith.constant 3 : i32
      %mul3A_201 = arith.muli %scan3A_128, %mul3A_200 : i32
      %add3A_202 = arith.constant 2 : i32
      %add3A_203 = arith.addi %mul3A_201, %add3A_202 : i32
      %dma_wait3A_204 = arith.constant 2 : i32
      %dma_wait3A_205 = arith.constant 0 : i32
      %dma_wait3A_206 = arith.constant 0 : i32
      %dma_wait3A_207 = tpu.memref_slice %arg13[%dma_wait3A_204, %dma_wait3A_205, %dma_wait3A_206] : memref<3x256x16xf32, #tpu.memory_space<vmem>> -> memref<1x256x16xf32, #tpu.memory_space<vmem>>
      %dma_wait3A_208 = tpu.memref_squeeze %dma_wait3A_207 : memref<1x256x16xf32, #tpu.memory_space<vmem>> -> memref<256x16xf32, #tpu.memory_space<vmem>>
      %dma_wait3A_209 = arith.constant 0 : i32
      %dma_wait3A_210 = tpu.memref_slice %arg9[%add3A_203, %dma_wait3A_209] : memref<39x256xi32, #tpu.memory_space<vmem>> -> memref<1x256xi32, #tpu.memory_space<vmem>>
      %dma_wait3A_211 = tpu.memref_squeeze %dma_wait3A_210 : memref<1x256xi32, #tpu.memory_space<vmem>> -> memref<256xi32, #tpu.memory_space<vmem>>
      %dma_wait3A_212 = arith.constant 0 : i32
      %dma_wait3A_213 = arith.constant 0 : i32
      %dma_wait3A_214 = tpu.memref_slice %arg2[%dma_wait3A_212, %dma_wait3A_213] : memref<10000x16xf32, #tpu.memory_space<hbm>> -> memref<10000x16xf32, #tpu.memory_space<hbm>>
      tpu.wait_indirect_dma semaphore(%arg20 : memref<!tpu.dma_semaphore, #tpu.memory_space<semaphore_mem>>) src(%dma_wait3A_214 : memref<10000x16xf32, #tpu.memory_space<hbm>>) dst(%dma_wait3A_208 : memref<256x16xf32, #tpu.memory_space<vmem>>)
      %dma_start3A_215 = arith.constant 2 : i32
      %dma_start3A_216 = arith.constant 0 : i32
      %dma_start3A_217 = arith.constant 0 : i32
      %dma_start3A_218 = tpu.memref_slice %arg13[%dma_start3A_215, %dma_start3A_216, %dma_start3A_217] : memref<3x256x16xf32, #tpu.memory_space<vmem>> -> memref<1x256x16xf32, #tpu.memory_space<vmem>>
      %dma_start3A_219 = tpu.memref_squeeze %dma_start3A_218 : memref<1x256x16xf32, #tpu.memory_space<vmem>> -> memref<256x16xf32, #tpu.memory_space<vmem>>
      %dma_start3A_220 = arith.constant 0 : i32
      %dma_start3A_221 = tpu.memref_slice %arg10[%add3A_203, %dma_start3A_220] : memref<39x256xi32, #tpu.memory_space<vmem>> -> memref<1x256xi32, #tpu.memory_space<vmem>>
      %dma_start3A_222 = tpu.memref_squeeze %dma_start3A_221 : memref<1x256xi32, #tpu.memory_space<vmem>> -> memref<256xi32, #tpu.memory_space<vmem>>
      %dma_start3A_223 = arith.constant 0 : i32
      %dma_start3A_224 = arith.constant 0 : i32
      %dma_start3A_225 = tpu.memref_slice %arg17[%dma_start3A_223, %dma_start3A_224] : memref<10240x16xf32, #tpu.memory_space<vmem_shared>> -> memref<10240x16xf32, #tpu.memory_space<vmem_shared>>
      tpu.enqueue_indirect_dma source(%dma_start3A_219 : memref<256x16xf32, #tpu.memory_space<vmem>>) target(%dma_start3A_225 : memref<10240x16xf32, #tpu.memory_space<vmem_shared>>) offsets(%dma_start3A_222 : memref<256xi32, #tpu.memory_space<vmem>>) semaphore(%arg23 : memref<!tpu.dma_semaphore, #tpu.memory_space<semaphore_mem>>) {add = true}
      %add3A_226 = arith.constant 2 : i32
      %add3A_227 = arith.addi %add3A_203, %add3A_226 : i32
      %lt3A_228 = arith.constant 39 : i32
      %lt3A_229 = arith.cmpi slt, %add3A_227, %lt3A_228 : i32
      %convert_element_type3A_230 = arith.extui %lt3A_229 : i1 to i32
      %cond3A_231 = arith.constant 0 : i32
      %cond3A_232 = arith.cmpi ne, %convert_element_type3A_230, %cond3A_231 : i32
      scf.if %cond3A_232 {
        %dma_wait3A_233 = arith.constant 1 : i32
        %dma_wait3A_234 = arith.constant 0 : i32
        %dma_wait3A_235 = arith.constant 0 : i32
        %dma_wait3A_236 = tpu.memref_slice %arg13[%dma_wait3A_233, %dma_wait3A_234, %dma_wait3A_235] : memref<3x256x16xf32, #tpu.memory_space<vmem>> -> memref<1x256x16xf32, #tpu.memory_space<vmem>>
        %dma_wait3A_237 = tpu.memref_squeeze %dma_wait3A_236 : memref<1x256x16xf32, #tpu.memory_space<vmem>> -> memref<256x16xf32, #tpu.memory_space<vmem>>
        %dma_wait3A_238 = arith.constant 0 : i32
        %dma_wait3A_239 = tpu.memref_slice %arg10[%add3A_203, %dma_wait3A_238] : memref<39x256xi32, #tpu.memory_space<vmem>> -> memref<1x256xi32, #tpu.memory_space<vmem>>
        %dma_wait3A_240 = tpu.memref_squeeze %dma_wait3A_239 : memref<1x256xi32, #tpu.memory_space<vmem>> -> memref<256xi32, #tpu.memory_space<vmem>>
        %dma_wait3A_241 = arith.constant 0 : i32
        %dma_wait3A_242 = arith.constant 0 : i32
        %dma_wait3A_243 = tpu.memref_slice %arg17[%dma_wait3A_241, %dma_wait3A_242] : memref<10240x16xf32, #tpu.memory_space<vmem_shared>> -> memref<10240x16xf32, #tpu.memory_space<vmem_shared>>
        tpu.wait_indirect_dma semaphore(%arg22 : memref<!tpu.dma_semaphore, #tpu.memory_space<semaphore_mem>>) src(%dma_wait3A_237 : memref<256x16xf32, #tpu.memory_space<vmem>>) dst(%dma_wait3A_243 : memref<10240x16xf32, #tpu.memory_space<vmem_shared>>)
        %dma_start3A_244 = arith.constant 1 : i32
        %dma_start3A_245 = arith.constant 0 : i32
        %dma_start3A_246 = arith.constant 0 : i32
        %dma_start3A_247 = tpu.memref_slice %arg13[%dma_start3A_244, %dma_start3A_245, %dma_start3A_246] : memref<3x256x16xf32, #tpu.memory_space<vmem>> -> memref<1x256x16xf32, #tpu.memory_space<vmem>>
        %dma_start3A_248 = tpu.memref_squeeze %dma_start3A_247 : memref<1x256x16xf32, #tpu.memory_space<vmem>> -> memref<256x16xf32, #tpu.memory_space<vmem>>
        %dma_start3A_249 = arith.constant 0 : i32
        %dma_start3A_250 = tpu.memref_slice %arg9[%add3A_227, %dma_start3A_249] : memref<39x256xi32, #tpu.memory_space<vmem>> -> memref<1x256xi32, #tpu.memory_space<vmem>>
        %dma_start3A_251 = tpu.memref_squeeze %dma_start3A_250 : memref<1x256xi32, #tpu.memory_space<vmem>> -> memref<256xi32, #tpu.memory_space<vmem>>
        %dma_start3A_252 = arith.constant 0 : i32
        %dma_start3A_253 = arith.constant 0 : i32
        %dma_start3A_254 = tpu.memref_slice %arg2[%dma_start3A_252, %dma_start3A_253] : memref<10000x16xf32, #tpu.memory_space<hbm>> -> memref<10000x16xf32, #tpu.memory_space<hbm>>
        tpu.enqueue_indirect_dma source(%dma_start3A_254 : memref<10000x16xf32, #tpu.memory_space<hbm>>) target(%dma_start3A_248 : memref<256x16xf32, #tpu.memory_space<vmem>>) offsets(%dma_start3A_251 : memref<256xi32, #tpu.memory_space<vmem>>) semaphore(%arg19 : memref<!tpu.dma_semaphore, #tpu.memory_space<semaphore_mem>>)
      } else {
      }
    }
    %scan3A_65 = arith.constant 13 : i32
    %dma_wait3A_66 = arith.constant 0 : i32
    %dma_wait3A_67 = arith.constant 0 : i32
    %dma_wait3A_68 = arith.constant 0 : i32
    %dma_wait3A_69 = arith.constant 0 : i32
    %dma_wait3A_70 = tpu.memref_slice %arg13[%dma_wait3A_66, %dma_wait3A_68, %dma_wait3A_69] : memref<3x256x16xf32, #tpu.memory_space<vmem>> -> memref<1x256x16xf32, #tpu.memory_space<vmem>>
    %dma_wait3A_71 = tpu.memref_squeeze %dma_wait3A_70 : memref<1x256x16xf32, #tpu.memory_space<vmem>> -> memref<256x16xf32, #tpu.memory_space<vmem>>
    %dma_wait3A_72 = arith.constant 0 : i32
    %dma_wait3A_73 = tpu.memref_slice %arg10[%dma_wait3A_67, %dma_wait3A_72] : memref<39x256xi32, #tpu.memory_space<vmem>> -> memref<1x256xi32, #tpu.memory_space<vmem>>
    %dma_wait3A_74 = tpu.memref_squeeze %dma_wait3A_73 : memref<1x256xi32, #tpu.memory_space<vmem>> -> memref<256xi32, #tpu.memory_space<vmem>>
    %dma_wait3A_75 = arith.constant 0 : i32
    %dma_wait3A_76 = arith.constant 0 : i32
    %dma_wait3A_77 = tpu.memref_slice %arg17[%dma_wait3A_75, %dma_wait3A_76] : memref<10240x16xf32, #tpu.memory_space<vmem_shared>> -> memref<10240x16xf32, #tpu.memory_space<vmem_shared>>
    tpu.wait_indirect_dma semaphore(%arg21 : memref<!tpu.dma_semaphore, #tpu.memory_space<semaphore_mem>>) src(%dma_wait3A_71 : memref<256x16xf32, #tpu.memory_space<vmem>>) dst(%dma_wait3A_77 : memref<10240x16xf32, #tpu.memory_space<vmem_shared>>)
    %dma_wait3A_78 = arith.constant 1 : i32
    %dma_wait3A_79 = arith.constant 1 : i32
    %dma_wait3A_80 = arith.constant 0 : i32
    %dma_wait3A_81 = arith.constant 0 : i32
    %dma_wait3A_82 = tpu.memref_slice %arg13[%dma_wait3A_78, %dma_wait3A_80, %dma_wait3A_81] : memref<3x256x16xf32, #tpu.memory_space<vmem>> -> memref<1x256x16xf32, #tpu.memory_space<vmem>>
    %dma_wait3A_83 = tpu.memref_squeeze %dma_wait3A_82 : memref<1x256x16xf32, #tpu.memory_space<vmem>> -> memref<256x16xf32, #tpu.memory_space<vmem>>
    %dma_wait3A_84 = arith.constant 0 : i32
    %dma_wait3A_85 = tpu.memref_slice %arg10[%dma_wait3A_79, %dma_wait3A_84] : memref<39x256xi32, #tpu.memory_space<vmem>> -> memref<1x256xi32, #tpu.memory_space<vmem>>
    %dma_wait3A_86 = tpu.memref_squeeze %dma_wait3A_85 : memref<1x256xi32, #tpu.memory_space<vmem>> -> memref<256xi32, #tpu.memory_space<vmem>>
    %dma_wait3A_87 = arith.constant 0 : i32
    %dma_wait3A_88 = arith.constant 0 : i32
    %dma_wait3A_89 = tpu.memref_slice %arg17[%dma_wait3A_87, %dma_wait3A_88] : memref<10240x16xf32, #tpu.memory_space<vmem_shared>> -> memref<10240x16xf32, #tpu.memory_space<vmem_shared>>
    tpu.wait_indirect_dma semaphore(%arg22 : memref<!tpu.dma_semaphore, #tpu.memory_space<semaphore_mem>>) src(%dma_wait3A_83 : memref<256x16xf32, #tpu.memory_space<vmem>>) dst(%dma_wait3A_89 : memref<10240x16xf32, #tpu.memory_space<vmem_shared>>)
    %dma_wait3A_90 = arith.constant 2 : i32
    %dma_wait3A_91 = arith.constant 2 : i32
    %dma_wait3A_92 = arith.constant 0 : i32
    %dma_wait3A_93 = arith.constant 0 : i32
    %dma_wait3A_94 = tpu.memref_slice %arg13[%dma_wait3A_90, %dma_wait3A_92, %dma_wait3A_93] : memref<3x256x16xf32, #tpu.memory_space<vmem>> -> memref<1x256x16xf32, #tpu.memory_space<vmem>>
    %dma_wait3A_95 = tpu.memref_squeeze %dma_wait3A_94 : memref<1x256x16xf32, #tpu.memory_space<vmem>> -> memref<256x16xf32, #tpu.memory_space<vmem>>
    %dma_wait3A_96 = arith.constant 0 : i32
    %dma_wait3A_97 = tpu.memref_slice %arg10[%dma_wait3A_91, %dma_wait3A_96] : memref<39x256xi32, #tpu.memory_space<vmem>> -> memref<1x256xi32, #tpu.memory_space<vmem>>
    %dma_wait3A_98 = tpu.memref_squeeze %dma_wait3A_97 : memref<1x256xi32, #tpu.memory_space<vmem>> -> memref<256xi32, #tpu.memory_space<vmem>>
    %dma_wait3A_99 = arith.constant 0 : i32
    %dma_wait3A_100 = arith.constant 0 : i32
    %dma_wait3A_101 = tpu.memref_slice %arg17[%dma_wait3A_99, %dma_wait3A_100] : memref<10240x16xf32, #tpu.memory_space<vmem_shared>> -> memref<10240x16xf32, #tpu.memory_space<vmem_shared>>
    tpu.wait_indirect_dma semaphore(%arg23 : memref<!tpu.dma_semaphore, #tpu.memory_space<semaphore_mem>>) src(%dma_wait3A_95 : memref<256x16xf32, #tpu.memory_space<vmem>>) dst(%dma_wait3A_101 : memref<10240x16xf32, #tpu.memory_space<vmem_shared>>)
    %lt3A_102 = arith.constant 2 : i32
    %lt3A_103 = arith.cmpi slt, %add3A, %lt3A_102 : i32
    %convert_element_type3A_104 = arith.extui %lt3A_103 : i1 to i32
    %cond3A_105 = arith.constant 0 : i32
    %cond3A_106 = arith.cmpi ne, %convert_element_type3A_104, %cond3A_105 : i32
    scf.if %cond3A_106 {
      %dma_start3A_128 = arith.constant 0 : i32
      %dma_start3A_129 = arith.constant 0 : i32
      %dma_start3A_130 = arith.constant 0 : i32
      %dma_start3A_131 = tpu.memref_slice %arg13[%dma_start3A_128, %dma_start3A_129, %dma_start3A_130] : memref<3x256x16xf32, #tpu.memory_space<vmem>> -> memref<1x256x16xf32, #tpu.memory_space<vmem>>
      %dma_start3A_132 = tpu.memref_squeeze %dma_start3A_131 : memref<1x256x16xf32, #tpu.memory_space<vmem>> -> memref<256x16xf32, #tpu.memory_space<vmem>>
      %dma_start3A_133 = arith.constant 0 : i32
      %dma_start3A_134 = arith.constant 0 : i32
      %dma_start3A_135 = tpu.memref_slice %arg2[%dma_start3A_133, %dma_start3A_134] : memref<10000x16xf32, #tpu.memory_space<hbm>> -> memref<10000x16xf32, #tpu.memory_space<hbm>>
      tpu.enqueue_indirect_dma source(%dma_start3A_135 : memref<10000x16xf32, #tpu.memory_space<hbm>>) target(%dma_start3A_132 : memref<256x16xf32, #tpu.memory_space<vmem>>) offsets(%arg11 : memref<256xi32, #tpu.memory_space<vmem>>) semaphore(%arg18 : memref<!tpu.dma_semaphore, #tpu.memory_space<semaphore_mem>>)
      %dma_wait3A_136 = arith.constant 0 : i32
      %dma_wait3A_137 = arith.constant 0 : i32
      %dma_wait3A_138 = arith.constant 0 : i32
      %dma_wait3A_139 = tpu.memref_slice %arg13[%dma_wait3A_136, %dma_wait3A_137, %dma_wait3A_138] : memref<3x256x16xf32, #tpu.memory_space<vmem>> -> memref<1x256x16xf32, #tpu.memory_space<vmem>>
      %dma_wait3A_140 = tpu.memref_squeeze %dma_wait3A_139 : memref<1x256x16xf32, #tpu.memory_space<vmem>> -> memref<256x16xf32, #tpu.memory_space<vmem>>
      %dma_wait3A_141 = arith.constant 0 : i32
      %dma_wait3A_142 = arith.constant 0 : i32
      %dma_wait3A_143 = tpu.memref_slice %arg2[%dma_wait3A_141, %dma_wait3A_142] : memref<10000x16xf32, #tpu.memory_space<hbm>> -> memref<10000x16xf32, #tpu.memory_space<hbm>>
      tpu.wait_indirect_dma semaphore(%arg18 : memref<!tpu.dma_semaphore, #tpu.memory_space<semaphore_mem>>) src(%dma_wait3A_143 : memref<10000x16xf32, #tpu.memory_space<hbm>>) dst(%dma_wait3A_140 : memref<256x16xf32, #tpu.memory_space<vmem>>)
      %run_scoped3A_144 = arith.constant 0 : i32
      "tpu.region"() ({
        %run_scoped3A_145 = tpu.sem_alloc : memref<!tpu.dma_semaphore, #tpu.memory_space<semaphore_mem>>
        %dma_start3A_146 = arith.constant 0 : i32
        %dma_start3A_147 = arith.constant 0 : i32
        %dma_start3A_148 = tpu.memref_slice %arg13[%run_scoped3A_144, %dma_start3A_146, %dma_start3A_147] : memref<3x256x16xf32, #tpu.memory_space<vmem>> -> memref<1x256x16xf32, #tpu.memory_space<vmem>>
        %dma_start3A_149 = tpu.memref_squeeze %dma_start3A_148 : memref<1x256x16xf32, #tpu.memory_space<vmem>> -> memref<256x16xf32, #tpu.memory_space<vmem>>
        %dma_start3A_150 = arith.constant 0 : i32
        %dma_start3A_151 = arith.constant 0 : i32
        %dma_start3A_152 = tpu.memref_slice %arg17[%dma_start3A_150, %dma_start3A_151] : memref<10240x16xf32, #tpu.memory_space<vmem_shared>> -> memref<10240x16xf32, #tpu.memory_space<vmem_shared>>
        tpu.enqueue_indirect_dma source(%dma_start3A_149 : memref<256x16xf32, #tpu.memory_space<vmem>>) target(%dma_start3A_152 : memref<10240x16xf32, #tpu.memory_space<vmem_shared>>) offsets(%arg12 : memref<256xi32, #tpu.memory_space<vmem>>) semaphore(%run_scoped3A_145 : memref<!tpu.dma_semaphore, #tpu.memory_space<semaphore_mem>>) {add = true}
        %dma_wait3A_153 = arith.constant 0 : i32
        %dma_wait3A_154 = arith.constant 0 : i32
        %dma_wait3A_155 = tpu.memref_slice %arg13[%run_scoped3A_144, %dma_wait3A_153, %dma_wait3A_154] : memref<3x256x16xf32, #tpu.memory_space<vmem>> -> memref<1x256x16xf32, #tpu.memory_space<vmem>>
        %dma_wait3A_156 = tpu.memref_squeeze %dma_wait3A_155 : memref<1x256x16xf32, #tpu.memory_space<vmem>> -> memref<256x16xf32, #tpu.memory_space<vmem>>
        %dma_wait3A_157 = arith.constant 0 : i32
        %dma_wait3A_158 = arith.constant 0 : i32
        %dma_wait3A_159 = tpu.memref_slice %arg17[%dma_wait3A_157, %dma_wait3A_158] : memref<10240x16xf32, #tpu.memory_space<vmem_shared>> -> memref<10240x16xf32, #tpu.memory_space<vmem_shared>>
        tpu.wait_indirect_dma semaphore(%run_scoped3A_145 : memref<!tpu.dma_semaphore, #tpu.memory_space<semaphore_mem>>) src(%dma_wait3A_156 : memref<256x16xf32, #tpu.memory_space<vmem>>) dst(%dma_wait3A_159 : memref<10240x16xf32, #tpu.memory_space<vmem_shared>>)
        tpu.yield
      }) : () -> ()
    } else {
    }
    %barrier3A_107 = arith.constant 0 : index
    tpu.barrier barrier_id(%barrier3A_107)
    %mul3A_108 = arith.constant 64 : i32
    %mul3A_109 = arith.muli %arg1, %mul3A_108 : i32
    %dma_start3A_110 = tpu.memref_slice %arg14[%mul3A_109] : memref<1024xi32, #tpu.memory_space<vmem>> -> memref<64xi32, #tpu.memory_space<vmem>>
    %dma_start3A_111 = arith.constant 0 : i32
    %dma_start3A_112 = arith.constant 0 : i32
    %dma_start3A_113 = tpu.memref_slice %arg17[%dma_start3A_111, %dma_start3A_112] : memref<10240x16xf32, #tpu.memory_space<vmem_shared>> -> memref<10240x16xf32, #tpu.memory_space<vmem_shared>>
    tpu.enqueue_indirect_dma source(%dma_start3A_113 : memref<10240x16xf32, #tpu.memory_space<vmem_shared>>) target(%arg15 : memref<64x16xf32, #tpu.memory_space<vmem>>) offsets(%dma_start3A_110 : memref<64xi32, #tpu.memory_space<vmem>>) semaphore(%arg18 : memref<!tpu.dma_semaphore, #tpu.memory_space<semaphore_mem>>)
    %mul3A_114 = arith.constant 32 : i32
    %mul3A_115 = arith.muli %add3A, %mul3A_114 : i32
    %dma_start3A_116 = tpu.memref_slice %arg14[%mul3A_115] : memref<1024xi32, #tpu.memory_space<vmem>> -> memref<32xi32, #tpu.memory_space<vmem>>
    %dma_start3A_117 = arith.constant 0 : i32
    %dma_start3A_118 = arith.constant 0 : i32
    %dma_start3A_119 = tpu.memref_slice %arg5[%dma_start3A_117, %dma_start3A_118] : memref<10000x8xf32, #tpu.memory_space<hbm>> -> memref<10000x8xf32, #tpu.memory_space<hbm>>
    tpu.enqueue_indirect_dma source(%dma_start3A_119 : memref<10000x8xf32, #tpu.memory_space<hbm>>) target(%arg16 : memref<32x8xf32, #tpu.memory_space<vmem>>) offsets(%dma_start3A_116 : memref<32xi32, #tpu.memory_space<vmem>>) semaphore(%arg19 : memref<!tpu.dma_semaphore, #tpu.memory_space<semaphore_mem>>)
    %dma_wait3A_120 = tpu.memref_slice %arg14[%mul3A_109] : memref<1024xi32, #tpu.memory_space<vmem>> -> memref<64xi32, #tpu.memory_space<vmem>>
    %dma_wait3A_121 = arith.constant 0 : i32
    %dma_wait3A_122 = arith.constant 0 : i32
    %dma_wait3A_123 = tpu.memref_slice %arg17[%dma_wait3A_121, %dma_wait3A_122] : memref<10240x16xf32, #tpu.memory_space<vmem_shared>> -> memref<10240x16xf32, #tpu.memory_space<vmem_shared>>
    tpu.wait_indirect_dma semaphore(%arg18 : memref<!tpu.dma_semaphore, #tpu.memory_space<semaphore_mem>>) src(%dma_wait3A_123 : memref<10240x16xf32, #tpu.memory_space<vmem_shared>>) dst(%arg15 : memref<64x16xf32, #tpu.memory_space<vmem>>)
    %dma_wait3A_124 = tpu.memref_slice %arg14[%mul3A_115] : memref<1024xi32, #tpu.memory_space<vmem>> -> memref<32xi32, #tpu.memory_space<vmem>>
    %dma_wait3A_125 = arith.constant 0 : i32
    %dma_wait3A_126 = arith.constant 0 : i32
    %dma_wait3A_127 = tpu.memref_slice %arg5[%dma_wait3A_125, %dma_wait3A_126] : memref<10000x8xf32, #tpu.memory_space<hbm>> -> memref<10000x8xf32, #tpu.memory_space<hbm>>
    tpu.wait_indirect_dma semaphore(%arg19 : memref<!tpu.dma_semaphore, #tpu.memory_space<semaphore_mem>>) src(%dma_wait3A_127 : memref<10000x8xf32, #tpu.memory_space<hbm>>) dst(%arg16 : memref<32x8xf32, #tpu.memory_space<vmem>>)
    "tpu.region"() ({
      %run_scoped3A_128 = tpu.sem_alloc : memref<!tpu.dma_semaphore, #tpu.memory_space<semaphore_mem>>
      %dma_start3A_129 = arith.constant 0 : i32
      %dma_start3A_130 = tpu.memref_slice %arg7[%arg0, %mul3A_109, %dma_start3A_129] : memref<2x1024x16xf32, #tpu.memory_space<hbm>> -> memref<1x64x16xf32, #tpu.memory_space<hbm>>
      %dma_start3A_131 = tpu.memref_squeeze %dma_start3A_130 : memref<1x64x16xf32, #tpu.memory_space<hbm>> -> memref<64x16xf32, #tpu.memory_space<hbm>>
      %dma_start3A_132 = arith.constant 0 : i32
      %dma_start3A_133 = tpu.memref_slice %arg7[%arg0, %mul3A_109, %dma_start3A_132] : memref<2x1024x16xf32, #tpu.memory_space<hbm>> -> memref<1x64x16xf32, #tpu.memory_space<hbm>>
      %dma_start3A_134 = tpu.memref_squeeze %dma_start3A_133 : memref<1x64x16xf32, #tpu.memory_space<hbm>> -> memref<64x16xf32, #tpu.memory_space<hbm>>
      tpu.enqueue_dma source(%arg15 : memref<64x16xf32, #tpu.memory_space<vmem>>) target(%dma_start3A_134 : memref<64x16xf32, #tpu.memory_space<hbm>>) target_semaphore(%run_scoped3A_128 : memref<!tpu.dma_semaphore, #tpu.memory_space<semaphore_mem>>)
      %dma_wait3A_135 = arith.constant 0 : i32
      %dma_wait3A_136 = tpu.memref_slice %arg7[%arg0, %mul3A_109, %dma_wait3A_135] : memref<2x1024x16xf32, #tpu.memory_space<hbm>> -> memref<1x64x16xf32, #tpu.memory_space<hbm>>
      %dma_wait3A_137 = tpu.memref_squeeze %dma_wait3A_136 : memref<1x64x16xf32, #tpu.memory_space<hbm>> -> memref<64x16xf32, #tpu.memory_space<hbm>>
      %dma_wait3A_138 = arith.constant 0 : i32
      %dma_wait3A_139 = tpu.memref_slice %arg7[%arg0, %mul3A_109, %dma_wait3A_138] : memref<2x1024x16xf32, #tpu.memory_space<hbm>> -> memref<1x64x16xf32, #tpu.memory_space<hbm>>
      %dma_wait3A_140 = tpu.memref_squeeze %dma_wait3A_139 : memref<1x64x16xf32, #tpu.memory_space<hbm>> -> memref<64x16xf32, #tpu.memory_space<hbm>>
      tpu.wait_dma2 semaphore(%run_scoped3A_128 : memref<!tpu.dma_semaphore, #tpu.memory_space<semaphore_mem>>) src(%arg15 : memref<64x16xf32, #tpu.memory_space<vmem>>) dst(%dma_wait3A_140 : memref<64x16xf32, #tpu.memory_space<hbm>>)
      tpu.yield
    }) : () -> ()
    "tpu.region"() ({
      %run_scoped3A_128 = tpu.sem_alloc : memref<!tpu.dma_semaphore, #tpu.memory_space<semaphore_mem>>
      %dma_start3A_129 = arith.constant 0 : i32
      %dma_start3A_130 = tpu.memref_slice %arg8[%mul3A_115, %dma_start3A_129] : memref<1024x8xf32, #tpu.memory_space<hbm>> -> memref<32x8xf32, #tpu.memory_space<hbm>>
      %dma_start3A_131 = arith.constant 0 : i32
      %dma_start3A_132 = tpu.memref_slice %arg8[%mul3A_115, %dma_start3A_131] : memref<1024x8xf32, #tpu.memory_space<hbm>> -> memref<32x8xf32, #tpu.memory_space<hbm>>
      tpu.enqueue_dma source(%arg16 : memref<32x8xf32, #tpu.memory_space<vmem>>) target(%dma_start3A_132 : memref<32x8xf32, #tpu.memory_space<hbm>>) target_semaphore(%run_scoped3A_128 : memref<!tpu.dma_semaphore, #tpu.memory_space<semaphore_mem>>)
      %dma_wait3A_133 = arith.constant 0 : i32
      %dma_wait3A_134 = tpu.memref_slice %arg8[%mul3A_115, %dma_wait3A_133] : memref<1024x8xf32, #tpu.memory_space<hbm>> -> memref<32x8xf32, #tpu.memory_space<hbm>>
      %dma_wait3A_135 = arith.constant 0 : i32
      %dma_wait3A_136 = tpu.memref_slice %arg8[%mul3A_115, %dma_wait3A_135] : memref<1024x8xf32, #tpu.memory_space<hbm>> -> memref<32x8xf32, #tpu.memory_space<hbm>>
      tpu.wait_dma2 semaphore(%run_scoped3A_128 : memref<!tpu.dma_semaphore, #tpu.memory_space<semaphore_mem>>) src(%arg16 : memref<32x8xf32, #tpu.memory_space<vmem>>) dst(%dma_wait3A_136 : memref<32x8xf32, #tpu.memory_space<hbm>>)
      tpu.yield
    }) : () -> ()
    return
  }
}

#map = affine_map<(d0, d1) -> (0, 0)>
#map1 = affine_map<(d0, d1) -> (0, 0, 0)>
module attributes {stable_mosaic.version = 14 : i64} {
  func.func @body(%arg0: i32, %arg1: i32, %arg2: memref<10000x32xf32, #tpu.memory_space<hbm>>, %arg3: memref<1250x256xi32, #tpu.memory_space<hbm>>, %arg4: memref<1250x256xi32, #tpu.memory_space<hbm>>, %arg5: memref<2x10240x32xf32, #tpu.memory_space<hbm>>, %arg6: memref<39x256xi32, #tpu.memory_space<vmem>>, %arg7: memref<39x256xi32, #tpu.memory_space<vmem>>, %arg8: memref<256xi32, #tpu.memory_space<vmem>>, %arg9: memref<256xi32, #tpu.memory_space<vmem>>, %arg10: memref<3x256x32xf32, #tpu.memory_space<vmem>>, %arg11: memref<10240x32xf32, #tpu.memory_space<vmem_shared>>, %arg12: memref<!tpu.dma_semaphore, #tpu.memory_space<semaphore_mem>>, %arg13: memref<!tpu.dma_semaphore, #tpu.memory_space<semaphore_mem>>, %arg14: memref<!tpu.dma_semaphore, #tpu.memory_space<semaphore_mem>>, %arg15: memref<!tpu.dma_semaphore, #tpu.memory_space<semaphore_mem>>, %arg16: memref<!tpu.dma_semaphore, #tpu.memory_space<semaphore_mem>>, %arg17: memref<!tpu.dma_semaphore, #tpu.memory_space<semaphore_mem>>) attributes {dimension_semantics = [#tpu.dimension_semantics<core_parallel>, #tpu.dimension_semantics<subcore_parallel>], iteration_bounds = array<i64: 2, 16>, scalar_prefetch = 0 : i64, scratch_operands = 12 : i64, tpu.core_type = #tpu.core_type<sc_vector_subcore>, window_params = [{transform_indices = #map}, {transform_indices = #map}, {transform_indices = #map}, {transform_indices = #map1}]} {
    %mul3A = arith.constant 16 : i32
    %mul3A_0 = arith.muli %arg0, %mul3A : i32
    %add3A = arith.addi %mul3A_0, %arg1 : i32
    %mul3A_1 = arith.constant 39 : i32
    %mul3A_2 = arith.muli %add3A, %mul3A_1 : i32
    %dma_start3A = arith.constant 0 : i32
    %dma_start3A_3 = tpu.memref_slice %arg3[%mul3A_2, %dma_start3A] : memref<1250x256xi32, #tpu.memory_space<hbm>> -> memref<39x256xi32, #tpu.memory_space<hbm>>
    %dma_start3A_4 = arith.constant 0 : i32
    %dma_start3A_5 = tpu.memref_slice %arg3[%mul3A_2, %dma_start3A_4] : memref<1250x256xi32, #tpu.memory_space<hbm>> -> memref<39x256xi32, #tpu.memory_space<hbm>>
    tpu.enqueue_dma source(%dma_start3A_5 : memref<39x256xi32, #tpu.memory_space<hbm>>) target(%arg6 : memref<39x256xi32, #tpu.memory_space<vmem>>) target_semaphore(%arg12 : memref<!tpu.dma_semaphore, #tpu.memory_space<semaphore_mem>>)
    %dma_start3A_6 = arith.constant 0 : i32
    %dma_start3A_7 = tpu.memref_slice %arg4[%mul3A_2, %dma_start3A_6] : memref<1250x256xi32, #tpu.memory_space<hbm>> -> memref<39x256xi32, #tpu.memory_space<hbm>>
    %dma_start3A_8 = arith.constant 0 : i32
    %dma_start3A_9 = tpu.memref_slice %arg4[%mul3A_2, %dma_start3A_8] : memref<1250x256xi32, #tpu.memory_space<hbm>> -> memref<39x256xi32, #tpu.memory_space<hbm>>
    tpu.enqueue_dma source(%dma_start3A_9 : memref<39x256xi32, #tpu.memory_space<hbm>>) target(%arg7 : memref<39x256xi32, #tpu.memory_space<vmem>>) target_semaphore(%arg13 : memref<!tpu.dma_semaphore, #tpu.memory_space<semaphore_mem>>)
    %lt3A = arith.constant 2 : i32
    %lt3A_10 = arith.cmpi slt, %add3A, %lt3A : i32
    %convert_element_type3A = arith.extui %lt3A_10 : i1 to i32
    %cond3A = arith.constant 0 : i32
    %cond3A_11 = arith.cmpi ne, %convert_element_type3A, %cond3A : i32
    scf.if %cond3A_11 {
      %add3A_110 = arith.constant 1248 : i32
      %add3A_111 = arith.addi %add3A_110, %add3A : i32
      "tpu.region"() ({
        %run_scoped3A_112 = tpu.sem_alloc : memref<!tpu.dma_semaphore, #tpu.memory_space<semaphore_mem>>
        %dma_start3A_113 = arith.constant 0 : i32
        %dma_start3A_114 = tpu.memref_slice %arg3[%add3A_111, %dma_start3A_113] : memref<1250x256xi32, #tpu.memory_space<hbm>> -> memref<1x256xi32, #tpu.memory_space<hbm>>
        %dma_start3A_115 = tpu.memref_squeeze %dma_start3A_114 : memref<1x256xi32, #tpu.memory_space<hbm>> -> memref<256xi32, #tpu.memory_space<hbm>>
        %dma_start3A_116 = arith.constant 0 : i32
        %dma_start3A_117 = tpu.memref_slice %arg3[%add3A_111, %dma_start3A_116] : memref<1250x256xi32, #tpu.memory_space<hbm>> -> memref<1x256xi32, #tpu.memory_space<hbm>>
        %dma_start3A_118 = tpu.memref_squeeze %dma_start3A_117 : memref<1x256xi32, #tpu.memory_space<hbm>> -> memref<256xi32, #tpu.memory_space<hbm>>
        tpu.enqueue_dma source(%dma_start3A_118 : memref<256xi32, #tpu.memory_space<hbm>>) target(%arg8 : memref<256xi32, #tpu.memory_space<vmem>>) target_semaphore(%run_scoped3A_112 : memref<!tpu.dma_semaphore, #tpu.memory_space<semaphore_mem>>)
        %dma_wait3A_119 = arith.constant 0 : i32
        %dma_wait3A_120 = tpu.memref_slice %arg3[%add3A_111, %dma_wait3A_119] : memref<1250x256xi32, #tpu.memory_space<hbm>> -> memref<1x256xi32, #tpu.memory_space<hbm>>
        %dma_wait3A_121 = tpu.memref_squeeze %dma_wait3A_120 : memref<1x256xi32, #tpu.memory_space<hbm>> -> memref<256xi32, #tpu.memory_space<hbm>>
        %dma_wait3A_122 = arith.constant 0 : i32
        %dma_wait3A_123 = tpu.memref_slice %arg3[%add3A_111, %dma_wait3A_122] : memref<1250x256xi32, #tpu.memory_space<hbm>> -> memref<1x256xi32, #tpu.memory_space<hbm>>
        %dma_wait3A_124 = tpu.memref_squeeze %dma_wait3A_123 : memref<1x256xi32, #tpu.memory_space<hbm>> -> memref<256xi32, #tpu.memory_space<hbm>>
        tpu.wait_dma2 semaphore(%run_scoped3A_112 : memref<!tpu.dma_semaphore, #tpu.memory_space<semaphore_mem>>) src(%dma_wait3A_124 : memref<256xi32, #tpu.memory_space<hbm>>) dst(%arg8 : memref<256xi32, #tpu.memory_space<vmem>>)
        tpu.yield
      }) : () -> ()
      "tpu.region"() ({
        %run_scoped3A_112 = tpu.sem_alloc : memref<!tpu.dma_semaphore, #tpu.memory_space<semaphore_mem>>
        %dma_start3A_113 = arith.constant 0 : i32
        %dma_start3A_114 = tpu.memref_slice %arg4[%add3A_111, %dma_start3A_113] : memref<1250x256xi32, #tpu.memory_space<hbm>> -> memref<1x256xi32, #tpu.memory_space<hbm>>
        %dma_start3A_115 = tpu.memref_squeeze %dma_start3A_114 : memref<1x256xi32, #tpu.memory_space<hbm>> -> memref<256xi32, #tpu.memory_space<hbm>>
        %dma_start3A_116 = arith.constant 0 : i32
        %dma_start3A_117 = tpu.memref_slice %arg4[%add3A_111, %dma_start3A_116] : memref<1250x256xi32, #tpu.memory_space<hbm>> -> memref<1x256xi32, #tpu.memory_space<hbm>>
        %dma_start3A_118 = tpu.memref_squeeze %dma_start3A_117 : memref<1x256xi32, #tpu.memory_space<hbm>> -> memref<256xi32, #tpu.memory_space<hbm>>
        tpu.enqueue_dma source(%dma_start3A_118 : memref<256xi32, #tpu.memory_space<hbm>>) target(%arg9 : memref<256xi32, #tpu.memory_space<vmem>>) target_semaphore(%run_scoped3A_112 : memref<!tpu.dma_semaphore, #tpu.memory_space<semaphore_mem>>)
        %dma_wait3A_119 = arith.constant 0 : i32
        %dma_wait3A_120 = tpu.memref_slice %arg4[%add3A_111, %dma_wait3A_119] : memref<1250x256xi32, #tpu.memory_space<hbm>> -> memref<1x256xi32, #tpu.memory_space<hbm>>
        %dma_wait3A_121 = tpu.memref_squeeze %dma_wait3A_120 : memref<1x256xi32, #tpu.memory_space<hbm>> -> memref<256xi32, #tpu.memory_space<hbm>>
        %dma_wait3A_122 = arith.constant 0 : i32
        %dma_wait3A_123 = tpu.memref_slice %arg4[%add3A_111, %dma_wait3A_122] : memref<1250x256xi32, #tpu.memory_space<hbm>> -> memref<1x256xi32, #tpu.memory_space<hbm>>
        %dma_wait3A_124 = tpu.memref_squeeze %dma_wait3A_123 : memref<1x256xi32, #tpu.memory_space<hbm>> -> memref<256xi32, #tpu.memory_space<hbm>>
        tpu.wait_dma2 semaphore(%run_scoped3A_112 : memref<!tpu.dma_semaphore, #tpu.memory_space<semaphore_mem>>) src(%dma_wait3A_124 : memref<256xi32, #tpu.memory_space<hbm>>) dst(%arg9 : memref<256xi32, #tpu.memory_space<vmem>>)
        tpu.yield
      }) : () -> ()
    } else {
    }
    %dma_wait3A = arith.constant 0 : i32
    %dma_wait3A_12 = tpu.memref_slice %arg3[%mul3A_2, %dma_wait3A] : memref<1250x256xi32, #tpu.memory_space<hbm>> -> memref<39x256xi32, #tpu.memory_space<hbm>>
    %dma_wait3A_13 = arith.constant 0 : i32
    %dma_wait3A_14 = tpu.memref_slice %arg3[%mul3A_2, %dma_wait3A_13] : memref<1250x256xi32, #tpu.memory_space<hbm>> -> memref<39x256xi32, #tpu.memory_space<hbm>>
    tpu.wait_dma2 semaphore(%arg12 : memref<!tpu.dma_semaphore, #tpu.memory_space<semaphore_mem>>) src(%dma_wait3A_14 : memref<39x256xi32, #tpu.memory_space<hbm>>) dst(%arg6 : memref<39x256xi32, #tpu.memory_space<vmem>>)
    %dma_wait3A_15 = arith.constant 0 : i32
    %dma_wait3A_16 = tpu.memref_slice %arg4[%mul3A_2, %dma_wait3A_15] : memref<1250x256xi32, #tpu.memory_space<hbm>> -> memref<39x256xi32, #tpu.memory_space<hbm>>
    %dma_wait3A_17 = arith.constant 0 : i32
    %dma_wait3A_18 = tpu.memref_slice %arg4[%mul3A_2, %dma_wait3A_17] : memref<1250x256xi32, #tpu.memory_space<hbm>> -> memref<39x256xi32, #tpu.memory_space<hbm>>
    tpu.wait_dma2 semaphore(%arg13 : memref<!tpu.dma_semaphore, #tpu.memory_space<semaphore_mem>>) src(%dma_wait3A_18 : memref<39x256xi32, #tpu.memory_space<hbm>>) dst(%arg7 : memref<39x256xi32, #tpu.memory_space<vmem>>)
    %broadcast_in_dim3A = arith.constant 0.000000e+00 : f32
    %broadcast_in_dim3A_19 = vector.broadcast %broadcast_in_dim3A : f32 to vector<16xf32>
    %scan3A = arith.constant 0 : i32
    %scan3A_20 = arith.constant 0 : i32
    %scan3A_21 = arith.constant 256 : i32
    %scan3A_22 = arith.addi %scan3A_20, %scan3A_21 : i32
    %scan3A_23 = arith.constant 1 : i32
    scf.for %scan3A_110 = %scan3A_20 to %scan3A_22 step %scan3A_23  : i32 {
      %swap3A = arith.constant 0 : i32
      %swap3A_111 = arith.index_cast %swap3A : i32 to index
      %swap3A_112 = arith.index_cast %scan3A_110 : i32 to index
      %swap3A_113 = arith.constant 0 : index
      %swap3A_114 = tpu.vector_load %arg10[%swap3A_111, %swap3A_112, %swap3A_113] {strides = array<i32>} : memref<3x256x32xf32, #tpu.memory_space<vmem>>, vector<1x1x16xf32>,
      %swap3A_115 = vector.shape_cast %swap3A_114 : vector<1x1x16xf32> to vector<16xf32>
      %swap3A_116 = vector.shape_cast %broadcast_in_dim3A_19 : vector<16xf32> to vector<1x1x16xf32>
      tpu.vector_store %arg10[%swap3A_111, %swap3A_112, %swap3A_113], %swap3A_116 {strides = array<i32>} : memref<3x256x32xf32, #tpu.memory_space<vmem>>, vector<1x1x16xf32>,
      %swap3A_117 = arith.constant 0 : i32
      %swap3A_118 = arith.index_cast %swap3A_117 : i32 to index
      %swap3A_119 = arith.index_cast %scan3A_110 : i32 to index
      %swap3A_120 = arith.constant 16 : index
      %swap3A_121 = tpu.vector_load %arg10[%swap3A_118, %swap3A_119, %swap3A_120] {strides = array<i32>} : memref<3x256x32xf32, #tpu.memory_space<vmem>>, vector<1x1x16xf32>,
      %swap3A_122 = vector.shape_cast %swap3A_121 : vector<1x1x16xf32> to vector<16xf32>
      %swap3A_123 = vector.shape_cast %broadcast_in_dim3A_19 : vector<16xf32> to vector<1x1x16xf32>
      tpu.vector_store %arg10[%swap3A_118, %swap3A_119, %swap3A_120], %swap3A_123 {strides = array<i32>} : memref<3x256x32xf32, #tpu.memory_space<vmem>>, vector<1x1x16xf32>,
    }
    %scan3A_24 = arith.constant 256 : i32
    %mul3A_25 = arith.constant 640 : i32
    %mul3A_26 = arith.muli %arg1, %mul3A_25 : i32
    %add3A_27 = arith.constant 0 : i32
    %add3A_28 = arith.addi %mul3A_26, %add3A_27 : i32
    %run_scoped3A = arith.constant 0 : i32
    "tpu.region"() ({
      %run_scoped3A_110 = tpu.sem_alloc : memref<!tpu.dma_semaphore, #tpu.memory_space<semaphore_mem>>
      %dma_start3A_111 = arith.constant 0 : i32
      %dma_start3A_112 = arith.constant 0 : i32
      %dma_start3A_113 = tpu.memref_slice %arg10[%run_scoped3A, %dma_start3A_111, %dma_start3A_112] : memref<3x256x32xf32, #tpu.memory_space<vmem>> -> memref<1x256x32xf32, #tpu.memory_space<vmem>>
      %dma_start3A_114 = tpu.memref_squeeze %dma_start3A_113 : memref<1x256x32xf32, #tpu.memory_space<vmem>> -> memref<256x32xf32, #tpu.memory_space<vmem>>
      %dma_start3A_115 = arith.constant 0 : i32
      %dma_start3A_116 = tpu.memref_slice %arg11[%add3A_28, %dma_start3A_115] : memref<10240x32xf32, #tpu.memory_space<vmem_shared>> -> memref<256x32xf32, #tpu.memory_space<vmem_shared>>
      %dma_start3A_117 = arith.constant 0 : i32
      %dma_start3A_118 = tpu.memref_slice %arg11[%add3A_28, %dma_start3A_117] : memref<10240x32xf32, #tpu.memory_space<vmem_shared>> -> memref<256x32xf32, #tpu.memory_space<vmem_shared>>
      %dma_start3A_119 = arith.constant 0 : i32
      %dma_start3A_120 = arith.constant 0 : i32
      %dma_start3A_121 = tpu.memref_slice %arg10[%run_scoped3A, %dma_start3A_119, %dma_start3A_120] : memref<3x256x32xf32, #tpu.memory_space<vmem>> -> memref<1x256x32xf32, #tpu.memory_space<vmem>>
      %dma_start3A_122 = tpu.memref_squeeze %dma_start3A_121 : memref<1x256x32xf32, #tpu.memory_space<vmem>> -> memref<256x32xf32, #tpu.memory_space<vmem>>
      tpu.enqueue_dma source(%dma_start3A_122 : memref<256x32xf32, #tpu.memory_space<vmem>>) target(%dma_start3A_118 : memref<256x32xf32, #tpu.memory_space<vmem_shared>>) target_semaphore(%run_scoped3A_110 : memref<!tpu.dma_semaphore, #tpu.memory_space<semaphore_mem>>)
      %dma_wait3A_123 = arith.constant 0 : i32
      %dma_wait3A_124 = arith.constant 0 : i32
      %dma_wait3A_125 = tpu.memref_slice %arg10[%run_scoped3A, %dma_wait3A_123, %dma_wait3A_124] : memref<3x256x32xf32, #tpu.memory_space<vmem>> -> memref<1x256x32xf32, #tpu.memory_space<vmem>>
      %dma_wait3A_126 = tpu.memref_squeeze %dma_wait3A_125 : memref<1x256x32xf32, #tpu.memory_space<vmem>> -> memref<256x32xf32, #tpu.memory_space<vmem>>
      %dma_wait3A_127 = arith.constant 0 : i32
      %dma_wait3A_128 = tpu.memref_slice %arg11[%add3A_28, %dma_wait3A_127] : memref<10240x32xf32, #tpu.memory_space<vmem_shared>> -> memref<256x32xf32, #tpu.memory_space<vmem_shared>>
      %dma_wait3A_129 = arith.constant 0 : i32
      %dma_wait3A_130 = tpu.memref_slice %arg11[%add3A_28, %dma_wait3A_129] : memref<10240x32xf32, #tpu.memory_space<vmem_shared>> -> memref<256x32xf32, #tpu.memory_space<vmem_shared>>
      %dma_wait3A_131 = arith.constant 0 : i32
      %dma_wait3A_132 = arith.constant 0 : i32
      %dma_wait3A_133 = tpu.memref_slice %arg10[%run_scoped3A, %dma_wait3A_131, %dma_wait3A_132] : memref<3x256x32xf32, #tpu.memory_space<vmem>> -> memref<1x256x32xf32, #tpu.memory_space<vmem>>
      %dma_wait3A_134 = tpu.memref_squeeze %dma_wait3A_133 : memref<1x256x32xf32, #tpu.memory_space<vmem>> -> memref<256x32xf32, #tpu.memory_space<vmem>>
      tpu.wait_dma2 semaphore(%run_scoped3A_110 : memref<!tpu.dma_semaphore, #tpu.memory_space<semaphore_mem>>) src(%dma_wait3A_134 : memref<256x32xf32, #tpu.memory_space<vmem>>) dst(%dma_wait3A_130 : memref<256x32xf32, #tpu.memory_space<vmem_shared>>)
      tpu.yield
    }) : () -> ()
    %add3A_29 = arith.constant 256 : i32
    %add3A_30 = arith.addi %mul3A_26, %add3A_29 : i32
    %run_scoped3A_31 = arith.constant 0 : i32
    "tpu.region"() ({
      %run_scoped3A_110 = tpu.sem_alloc : memref<!tpu.dma_semaphore, #tpu.memory_space<semaphore_mem>>
      %dma_start3A_111 = arith.constant 0 : i32
      %dma_start3A_112 = arith.constant 0 : i32
      %dma_start3A_113 = tpu.memref_slice %arg10[%run_scoped3A_31, %dma_start3A_111, %dma_start3A_112] : memref<3x256x32xf32, #tpu.memory_space<vmem>> -> memref<1x256x32xf32, #tpu.memory_space<vmem>>
      %dma_start3A_114 = tpu.memref_squeeze %dma_start3A_113 : memref<1x256x32xf32, #tpu.memory_space<vmem>> -> memref<256x32xf32, #tpu.memory_space<vmem>>
      %dma_start3A_115 = arith.constant 0 : i32
      %dma_start3A_116 = tpu.memref_slice %arg11[%add3A_30, %dma_start3A_115] : memref<10240x32xf32, #tpu.memory_space<vmem_shared>> -> memref<256x32xf32, #tpu.memory_space<vmem_shared>>
      %dma_start3A_117 = arith.constant 0 : i32
      %dma_start3A_118 = tpu.memref_slice %arg11[%add3A_30, %dma_start3A_117] : memref<10240x32xf32, #tpu.memory_space<vmem_shared>> -> memref<256x32xf32, #tpu.memory_space<vmem_shared>>
      %dma_start3A_119 = arith.constant 0 : i32
      %dma_start3A_120 = arith.constant 0 : i32
      %dma_start3A_121 = tpu.memref_slice %arg10[%run_scoped3A_31, %dma_start3A_119, %dma_start3A_120] : memref<3x256x32xf32, #tpu.memory_space<vmem>> -> memref<1x256x32xf32, #tpu.memory_space<vmem>>
      %dma_start3A_122 = tpu.memref_squeeze %dma_start3A_121 : memref<1x256x32xf32, #tpu.memory_space<vmem>> -> memref<256x32xf32, #tpu.memory_space<vmem>>
      tpu.enqueue_dma source(%dma_start3A_122 : memref<256x32xf32, #tpu.memory_space<vmem>>) target(%dma_start3A_118 : memref<256x32xf32, #tpu.memory_space<vmem_shared>>) target_semaphore(%run_scoped3A_110 : memref<!tpu.dma_semaphore, #tpu.memory_space<semaphore_mem>>)
      %dma_wait3A_123 = arith.constant 0 : i32
      %dma_wait3A_124 = arith.constant 0 : i32
      %dma_wait3A_125 = tpu.memref_slice %arg10[%run_scoped3A_31, %dma_wait3A_123, %dma_wait3A_124] : memref<3x256x32xf32, #tpu.memory_space<vmem>> -> memref<1x256x32xf32, #tpu.memory_space<vmem>>
      %dma_wait3A_126 = tpu.memref_squeeze %dma_wait3A_125 : memref<1x256x32xf32, #tpu.memory_space<vmem>> -> memref<256x32xf32, #tpu.memory_space<vmem>>
      %dma_wait3A_127 = arith.constant 0 : i32
      %dma_wait3A_128 = tpu.memref_slice %arg11[%add3A_30, %dma_wait3A_127] : memref<10240x32xf32, #tpu.memory_space<vmem_shared>> -> memref<256x32xf32, #tpu.memory_space<vmem_shared>>
      %dma_wait3A_129 = arith.constant 0 : i32
      %dma_wait3A_130 = tpu.memref_slice %arg11[%add3A_30, %dma_wait3A_129] : memref<10240x32xf32, #tpu.memory_space<vmem_shared>> -> memref<256x32xf32, #tpu.memory_space<vmem_shared>>
      %dma_wait3A_131 = arith.constant 0 : i32
      %dma_wait3A_132 = arith.constant 0 : i32
      %dma_wait3A_133 = tpu.memref_slice %arg10[%run_scoped3A_31, %dma_wait3A_131, %dma_wait3A_132] : memref<3x256x32xf32, #tpu.memory_space<vmem>> -> memref<1x256x32xf32, #tpu.memory_space<vmem>>
      %dma_wait3A_134 = tpu.memref_squeeze %dma_wait3A_133 : memref<1x256x32xf32, #tpu.memory_space<vmem>> -> memref<256x32xf32, #tpu.memory_space<vmem>>
      tpu.wait_dma2 semaphore(%run_scoped3A_110 : memref<!tpu.dma_semaphore, #tpu.memory_space<semaphore_mem>>) src(%dma_wait3A_134 : memref<256x32xf32, #tpu.memory_space<vmem>>) dst(%dma_wait3A_130 : memref<256x32xf32, #tpu.memory_space<vmem_shared>>)
      tpu.yield
    }) : () -> ()
    %add3A_32 = arith.constant 640 : i32
    %add3A_33 = arith.addi %mul3A_26, %add3A_32 : i32
    %sub3A = arith.constant 128 : i32
    %sub3A_34 = arith.subi %add3A_33, %sub3A : i32
    %run_scoped3A_35 = arith.constant 0 : i32
    "tpu.region"() ({
      %run_scoped3A_110 = tpu.sem_alloc : memref<!tpu.dma_semaphore, #tpu.memory_space<semaphore_mem>>
      %dma_start3A_111 = arith.constant 0 : i32
      %dma_start3A_112 = arith.constant 0 : i32
      %dma_start3A_113 = tpu.memref_slice %arg10[%run_scoped3A_35, %dma_start3A_111, %dma_start3A_112] : memref<3x256x32xf32, #tpu.memory_space<vmem>> -> memref<1x256x32xf32, #tpu.memory_space<vmem>>
      %dma_start3A_114 = tpu.memref_squeeze %dma_start3A_113 : memref<1x256x32xf32, #tpu.memory_space<vmem>> -> memref<256x32xf32, #tpu.memory_space<vmem>>
      %dma_start3A_115 = arith.constant 0 : i32
      %dma_start3A_116 = arith.constant 0 : i32
      %dma_start3A_117 = tpu.memref_slice %dma_start3A_114[%dma_start3A_115, %dma_start3A_116] : memref<256x32xf32, #tpu.memory_space<vmem>> -> memref<128x32xf32, #tpu.memory_space<vmem>>
      %dma_start3A_118 = arith.constant 0 : i32
      %dma_start3A_119 = tpu.memref_slice %arg11[%sub3A_34, %dma_start3A_118] : memref<10240x32xf32, #tpu.memory_space<vmem_shared>> -> memref<128x32xf32, #tpu.memory_space<vmem_shared>>
      %dma_start3A_120 = arith.constant 0 : i32
      %dma_start3A_121 = tpu.memref_slice %arg11[%sub3A_34, %dma_start3A_120] : memref<10240x32xf32, #tpu.memory_space<vmem_shared>> -> memref<128x32xf32, #tpu.memory_space<vmem_shared>>
      %dma_start3A_122 = arith.constant 0 : i32
      %dma_start3A_123 = arith.constant 0 : i32
      %dma_start3A_124 = tpu.memref_slice %arg10[%run_scoped3A_35, %dma_start3A_122, %dma_start3A_123] : memref<3x256x32xf32, #tpu.memory_space<vmem>> -> memref<1x256x32xf32, #tpu.memory_space<vmem>>
      %dma_start3A_125 = tpu.memref_squeeze %dma_start3A_124 : memref<1x256x32xf32, #tpu.memory_space<vmem>> -> memref<256x32xf32, #tpu.memory_space<vmem>>
      %dma_start3A_126 = arith.constant 0 : i32
      %dma_start3A_127 = arith.constant 0 : i32
      %dma_start3A_128 = tpu.memref_slice %dma_start3A_125[%dma_start3A_126, %dma_start3A_127] : memref<256x32xf32, #tpu.memory_space<vmem>> -> memref<128x32xf32, #tpu.memory_space<vmem>>
      tpu.enqueue_dma source(%dma_start3A_128 : memref<128x32xf32, #tpu.memory_space<vmem>>) target(%dma_start3A_121 : memref<128x32xf32, #tpu.memory_space<vmem_shared>>) target_semaphore(%run_scoped3A_110 : memref<!tpu.dma_semaphore, #tpu.memory_space<semaphore_mem>>)
      %dma_wait3A_129 = arith.constant 0 : i32
      %dma_wait3A_130 = arith.constant 0 : i32
      %dma_wait3A_131 = tpu.memref_slice %arg10[%run_scoped3A_35, %dma_wait3A_129, %dma_wait3A_130] : memref<3x256x32xf32, #tpu.memory_space<vmem>> -> memref<1x256x32xf32, #tpu.memory_space<vmem>>
      %dma_wait3A_132 = tpu.memref_squeeze %dma_wait3A_131 : memref<1x256x32xf32, #tpu.memory_space<vmem>> -> memref<256x32xf32, #tpu.memory_space<vmem>>
      %dma_wait3A_133 = arith.constant 0 : i32
      %dma_wait3A_134 = arith.constant 0 : i32
      %dma_wait3A_135 = tpu.memref_slice %dma_wait3A_132[%dma_wait3A_133, %dma_wait3A_134] : memref<256x32xf32, #tpu.memory_space<vmem>> -> memref<128x32xf32, #tpu.memory_space<vmem>>
      %dma_wait3A_136 = arith.constant 0 : i32
      %dma_wait3A_137 = tpu.memref_slice %arg11[%sub3A_34, %dma_wait3A_136] : memref<10240x32xf32, #tpu.memory_space<vmem_shared>> -> memref<128x32xf32, #tpu.memory_space<vmem_shared>>
      %dma_wait3A_138 = arith.constant 0 : i32
      %dma_wait3A_139 = tpu.memref_slice %arg11[%sub3A_34, %dma_wait3A_138] : memref<10240x32xf32, #tpu.memory_space<vmem_shared>> -> memref<128x32xf32, #tpu.memory_space<vmem_shared>>
      %dma_wait3A_140 = arith.constant 0 : i32
      %dma_wait3A_141 = arith.constant 0 : i32
      %dma_wait3A_142 = tpu.memref_slice %arg10[%run_scoped3A_35, %dma_wait3A_140, %dma_wait3A_141] : memref<3x256x32xf32, #tpu.memory_space<vmem>> -> memref<1x256x32xf32, #tpu.memory_space<vmem>>
      %dma_wait3A_143 = tpu.memref_squeeze %dma_wait3A_142 : memref<1x256x32xf32, #tpu.memory_space<vmem>> -> memref<256x32xf32, #tpu.memory_space<vmem>>
      %dma_wait3A_144 = arith.constant 0 : i32
      %dma_wait3A_145 = arith.constant 0 : i32
      %dma_wait3A_146 = tpu.memref_slice %dma_wait3A_143[%dma_wait3A_144, %dma_wait3A_145] : memref<256x32xf32, #tpu.memory_space<vmem>> -> memref<128x32xf32, #tpu.memory_space<vmem>>
      tpu.wait_dma2 semaphore(%run_scoped3A_110 : memref<!tpu.dma_semaphore, #tpu.memory_space<semaphore_mem>>) src(%dma_wait3A_146 : memref<128x32xf32, #tpu.memory_space<vmem>>) dst(%dma_wait3A_139 : memref<128x32xf32, #tpu.memory_space<vmem_shared>>)
      tpu.yield
    }) : () -> ()
    %barrier3A = arith.constant 0 : index
    tpu.barrier barrier_id(%barrier3A)
    %dma_start3A_36 = arith.constant 0 : i32
    %dma_start3A_37 = arith.constant 0 : i32
    %dma_start3A_38 = arith.constant 0 : i32
    %dma_start3A_39 = arith.constant 0 : i32
    %dma_start3A_40 = tpu.memref_slice %arg10[%dma_start3A_37, %dma_start3A_38, %dma_start3A_39] : memref<3x256x32xf32, #tpu.memory_space<vmem>> -> memref<1x256x32xf32, #tpu.memory_space<vmem>>
    %dma_start3A_41 = tpu.memref_squeeze %dma_start3A_40 : memref<1x256x32xf32, #tpu.memory_space<vmem>> -> memref<256x32xf32, #tpu.memory_space<vmem>>
    %dma_start3A_42 = arith.constant 0 : i32
    %dma_start3A_43 = tpu.memref_slice %arg6[%dma_start3A_36, %dma_start3A_42] : memref<39x256xi32, #tpu.memory_space<vmem>> -> memref<1x256xi32, #tpu.memory_space<vmem>>
    %dma_start3A_44 = tpu.memref_squeeze %dma_start3A_43 : memref<1x256xi32, #tpu.memory_space<vmem>> -> memref<256xi32, #tpu.memory_space<vmem>>
    %dma_start3A_45 = arith.constant 0 : i32
    %dma_start3A_46 = arith.constant 0 : i32
    %dma_start3A_47 = tpu.memref_slice %arg2[%dma_start3A_45, %dma_start3A_46] : memref<10000x32xf32, #tpu.memory_space<hbm>> -> memref<10000x32xf32, #tpu.memory_space<hbm>>
    tpu.enqueue_indirect_dma source(%dma_start3A_47 : memref<10000x32xf32, #tpu.memory_space<hbm>>) target(%dma_start3A_41 : memref<256x32xf32, #tpu.memory_space<vmem>>) offsets(%dma_start3A_44 : memref<256xi32, #tpu.memory_space<vmem>>) semaphore(%arg12 : memref<!tpu.dma_semaphore, #tpu.memory_space<semaphore_mem>>)
    %dma_start3A_48 = arith.constant 1 : i32
    %dma_start3A_49 = arith.constant 1 : i32
    %dma_start3A_50 = arith.constant 0 : i32
    %dma_start3A_51 = arith.constant 0 : i32
    %dma_start3A_52 = tpu.memref_slice %arg10[%dma_start3A_49, %dma_start3A_50, %dma_start3A_51] : memref<3x256x32xf32, #tpu.memory_space<vmem>> -> memref<1x256x32xf32, #tpu.memory_space<vmem>>
    %dma_start3A_53 = tpu.memref_squeeze %dma_start3A_52 : memref<1x256x32xf32, #tpu.memory_space<vmem>> -> memref<256x32xf32, #tpu.memory_space<vmem>>
    %dma_start3A_54 = arith.constant 0 : i32
    %dma_start3A_55 = tpu.memref_slice %arg6[%dma_start3A_48, %dma_start3A_54] : memref<39x256xi32, #tpu.memory_space<vmem>> -> memref<1x256xi32, #tpu.memory_space<vmem>>
    %dma_start3A_56 = tpu.memref_squeeze %dma_start3A_55 : memref<1x256xi32, #tpu.memory_space<vmem>> -> memref<256xi32, #tpu.memory_space<vmem>>
    %dma_start3A_57 = arith.constant 0 : i32
    %dma_start3A_58 = arith.constant 0 : i32
    %dma_start3A_59 = tpu.memref_slice %arg2[%dma_start3A_57, %dma_start3A_58] : memref<10000x32xf32, #tpu.memory_space<hbm>> -> memref<10000x32xf32, #tpu.memory_space<hbm>>
    tpu.enqueue_indirect_dma source(%dma_start3A_59 : memref<10000x32xf32, #tpu.memory_space<hbm>>) target(%dma_start3A_53 : memref<256x32xf32, #tpu.memory_space<vmem>>) offsets(%dma_start3A_56 : memref<256xi32, #tpu.memory_space<vmem>>) semaphore(%arg13 : memref<!tpu.dma_semaphore, #tpu.memory_space<semaphore_mem>>)
    %scan3A_60 = arith.constant 0 : i32
    %scan3A_61 = arith.constant 0 : i32
    %scan3A_62 = arith.constant 13 : i32
    %scan3A_63 = arith.addi %scan3A_61, %scan3A_62 : i32
    %scan3A_64 = arith.constant 1 : i32
    scf.for %scan3A_110 = %scan3A_61 to %scan3A_63 step %scan3A_64  : i32 {
      %mul3A_111 = arith.constant 3 : i32
      %mul3A_112 = arith.muli %scan3A_110, %mul3A_111 : i32
      %add3A_113 = arith.constant 0 : i32
      %add3A_114 = arith.addi %mul3A_112, %add3A_113 : i32
      %dma_wait3A_115 = arith.constant 0 : i32
      %dma_wait3A_116 = arith.constant 0 : i32
      %dma_wait3A_117 = arith.constant 0 : i32
      %dma_wait3A_118 = tpu.memref_slice %arg10[%dma_wait3A_115, %dma_wait3A_116, %dma_wait3A_117] : memref<3x256x32xf32, #tpu.memory_space<vmem>> -> memref<1x256x32xf32, #tpu.memory_space<vmem>>
      %dma_wait3A_119 = tpu.memref_squeeze %dma_wait3A_118 : memref<1x256x32xf32, #tpu.memory_space<vmem>> -> memref<256x32xf32, #tpu.memory_space<vmem>>
      %dma_wait3A_120 = arith.constant 0 : i32
      %dma_wait3A_121 = tpu.memref_slice %arg6[%add3A_114, %dma_wait3A_120] : memref<39x256xi32, #tpu.memory_space<vmem>> -> memref<1x256xi32, #tpu.memory_space<vmem>>
      %dma_wait3A_122 = tpu.memref_squeeze %dma_wait3A_121 : memref<1x256xi32, #tpu.memory_space<vmem>> -> memref<256xi32, #tpu.memory_space<vmem>>
      %dma_wait3A_123 = arith.constant 0 : i32
      %dma_wait3A_124 = arith.constant 0 : i32
      %dma_wait3A_125 = tpu.memref_slice %arg2[%dma_wait3A_123, %dma_wait3A_124] : memref<10000x32xf32, #tpu.memory_space<hbm>> -> memref<10000x32xf32, #tpu.memory_space<hbm>>
      tpu.wait_indirect_dma semaphore(%arg12 : memref<!tpu.dma_semaphore, #tpu.memory_space<semaphore_mem>>) src(%dma_wait3A_125 : memref<10000x32xf32, #tpu.memory_space<hbm>>) dst(%dma_wait3A_119 : memref<256x32xf32, #tpu.memory_space<vmem>>)
      %dma_start3A_126 = arith.constant 0 : i32
      %dma_start3A_127 = arith.constant 0 : i32
      %dma_start3A_128 = arith.constant 0 : i32
      %dma_start3A_129 = tpu.memref_slice %arg10[%dma_start3A_126, %dma_start3A_127, %dma_start3A_128] : memref<3x256x32xf32, #tpu.memory_space<vmem>> -> memref<1x256x32xf32, #tpu.memory_space<vmem>>
      %dma_start3A_130 = tpu.memref_squeeze %dma_start3A_129 : memref<1x256x32xf32, #tpu.memory_space<vmem>> -> memref<256x32xf32, #tpu.memory_space<vmem>>
      %dma_start3A_131 = arith.constant 0 : i32
      %dma_start3A_132 = tpu.memref_slice %arg7[%add3A_114, %dma_start3A_131] : memref<39x256xi32, #tpu.memory_space<vmem>> -> memref<1x256xi32, #tpu.memory_space<vmem>>
      %dma_start3A_133 = tpu.memref_squeeze %dma_start3A_132 : memref<1x256xi32, #tpu.memory_space<vmem>> -> memref<256xi32, #tpu.memory_space<vmem>>
      %dma_start3A_134 = arith.constant 0 : i32
      %dma_start3A_135 = arith.constant 0 : i32
      %dma_start3A_136 = tpu.memref_slice %arg11[%dma_start3A_134, %dma_start3A_135] : memref<10240x32xf32, #tpu.memory_space<vmem_shared>> -> memref<10240x32xf32, #tpu.memory_space<vmem_shared>>
      tpu.enqueue_indirect_dma source(%dma_start3A_130 : memref<256x32xf32, #tpu.memory_space<vmem>>) target(%dma_start3A_136 : memref<10240x32xf32, #tpu.memory_space<vmem_shared>>) offsets(%dma_start3A_133 : memref<256xi32, #tpu.memory_space<vmem>>) semaphore(%arg15 : memref<!tpu.dma_semaphore, #tpu.memory_space<semaphore_mem>>) {add = true}
      %add3A_137 = arith.constant 2 : i32
      %add3A_138 = arith.addi %add3A_114, %add3A_137 : i32
      %gt3A = arith.constant 0 : i32
      %gt3A_139 = arith.cmpi sgt, %scan3A_110, %gt3A : i32
      %convert_element_type3A_140 = arith.extui %gt3A_139 : i1 to i32
      %cond3A_141 = arith.constant 0 : i32
      %cond3A_142 = arith.cmpi ne, %convert_element_type3A_140, %cond3A_141 : i32
      scf.if %cond3A_142 {
        %dma_wait3A_215 = arith.constant 2 : i32
        %dma_wait3A_216 = arith.constant 0 : i32
        %dma_wait3A_217 = arith.constant 0 : i32
        %dma_wait3A_218 = tpu.memref_slice %arg10[%dma_wait3A_215, %dma_wait3A_216, %dma_wait3A_217] : memref<3x256x32xf32, #tpu.memory_space<vmem>> -> memref<1x256x32xf32, #tpu.memory_space<vmem>>
        %dma_wait3A_219 = tpu.memref_squeeze %dma_wait3A_218 : memref<1x256x32xf32, #tpu.memory_space<vmem>> -> memref<256x32xf32, #tpu.memory_space<vmem>>
        %dma_wait3A_220 = arith.constant 0 : i32
        %dma_wait3A_221 = tpu.memref_slice %arg7[%add3A_114, %dma_wait3A_220] : memref<39x256xi32, #tpu.memory_space<vmem>> -> memref<1x256xi32, #tpu.memory_space<vmem>>
        %dma_wait3A_222 = tpu.memref_squeeze %dma_wait3A_221 : memref<1x256xi32, #tpu.memory_space<vmem>> -> memref<256xi32, #tpu.memory_space<vmem>>
        %dma_wait3A_223 = arith.constant 0 : i32
        %dma_wait3A_224 = arith.constant 0 : i32
        %dma_wait3A_225 = tpu.memref_slice %arg11[%dma_wait3A_223, %dma_wait3A_224] : memref<10240x32xf32, #tpu.memory_space<vmem_shared>> -> memref<10240x32xf32, #tpu.memory_space<vmem_shared>>
        tpu.wait_indirect_dma semaphore(%arg17 : memref<!tpu.dma_semaphore, #tpu.memory_space<semaphore_mem>>) src(%dma_wait3A_219 : memref<256x32xf32, #tpu.memory_space<vmem>>) dst(%dma_wait3A_225 : memref<10240x32xf32, #tpu.memory_space<vmem_shared>>)
        %dma_start3A_226 = arith.constant 2 : i32
        %dma_start3A_227 = arith.constant 0 : i32
        %dma_start3A_228 = arith.constant 0 : i32
        %dma_start3A_229 = tpu.memref_slice %arg10[%dma_start3A_226, %dma_start3A_227, %dma_start3A_228] : memref<3x256x32xf32, #tpu.memory_space<vmem>> -> memref<1x256x32xf32, #tpu.memory_space<vmem>>
        %dma_start3A_230 = tpu.memref_squeeze %dma_start3A_229 : memref<1x256x32xf32, #tpu.memory_space<vmem>> -> memref<256x32xf32, #tpu.memory_space<vmem>>
        %dma_start3A_231 = arith.constant 0 : i32
        %dma_start3A_232 = tpu.memref_slice %arg6[%add3A_138, %dma_start3A_231] : memref<39x256xi32, #tpu.memory_space<vmem>> -> memref<1x256xi32, #tpu.memory_space<vmem>>
        %dma_start3A_233 = tpu.memref_squeeze %dma_start3A_232 : memref<1x256xi32, #tpu.memory_space<vmem>> -> memref<256xi32, #tpu.memory_space<vmem>>
        %dma_start3A_234 = arith.constant 0 : i32
        %dma_start3A_235 = arith.constant 0 : i32
        %dma_start3A_236 = tpu.memref_slice %arg2[%dma_start3A_234, %dma_start3A_235] : memref<10000x32xf32, #tpu.memory_space<hbm>> -> memref<10000x32xf32, #tpu.memory_space<hbm>>
        tpu.enqueue_indirect_dma source(%dma_start3A_236 : memref<10000x32xf32, #tpu.memory_space<hbm>>) target(%dma_start3A_230 : memref<256x32xf32, #tpu.memory_space<vmem>>) offsets(%dma_start3A_233 : memref<256xi32, #tpu.memory_space<vmem>>) semaphore(%arg14 : memref<!tpu.dma_semaphore, #tpu.memory_space<semaphore_mem>>)
      } else {
      }
      %eq3A = arith.constant 0 : i32
      %eq3A_143 = arith.cmpi eq, %scan3A_110, %eq3A : i32
      %lt3A_144 = arith.constant 39 : i32
      %lt3A_145 = arith.cmpi slt, %add3A_138, %lt3A_144 : i32
      %and3A = arith.andi %eq3A_143, %lt3A_145 : i1
      %convert_element_type3A_146 = arith.extui %and3A : i1 to i32
      %cond3A_147 = arith.constant 0 : i32
      %cond3A_148 = arith.cmpi ne, %convert_element_type3A_146, %cond3A_147 : i32
      scf.if %cond3A_148 {
        %dma_start3A_215 = arith.constant 2 : i32
        %dma_start3A_216 = arith.constant 0 : i32
        %dma_start3A_217 = arith.constant 0 : i32
        %dma_start3A_218 = tpu.memref_slice %arg10[%dma_start3A_215, %dma_start3A_216, %dma_start3A_217] : memref<3x256x32xf32, #tpu.memory_space<vmem>> -> memref<1x256x32xf32, #tpu.memory_space<vmem>>
        %dma_start3A_219 = tpu.memref_squeeze %dma_start3A_218 : memref<1x256x32xf32, #tpu.memory_space<vmem>> -> memref<256x32xf32, #tpu.memory_space<vmem>>
        %dma_start3A_220 = arith.constant 0 : i32
        %dma_start3A_221 = tpu.memref_slice %arg6[%add3A_138, %dma_start3A_220] : memref<39x256xi32, #tpu.memory_space<vmem>> -> memref<1x256xi32, #tpu.memory_space<vmem>>
        %dma_start3A_222 = tpu.memref_squeeze %dma_start3A_221 : memref<1x256xi32, #tpu.memory_space<vmem>> -> memref<256xi32, #tpu.memory_space<vmem>>
        %dma_start3A_223 = arith.constant 0 : i32
        %dma_start3A_224 = arith.constant 0 : i32
        %dma_start3A_225 = tpu.memref_slice %arg2[%dma_start3A_223, %dma_start3A_224] : memref<10000x32xf32, #tpu.memory_space<hbm>> -> memref<10000x32xf32, #tpu.memory_space<hbm>>
        tpu.enqueue_indirect_dma source(%dma_start3A_225 : memref<10000x32xf32, #tpu.memory_space<hbm>>) target(%dma_start3A_219 : memref<256x32xf32, #tpu.memory_space<vmem>>) offsets(%dma_start3A_222 : memref<256xi32, #tpu.memory_space<vmem>>) semaphore(%arg14 : memref<!tpu.dma_semaphore, #tpu.memory_space<semaphore_mem>>)
      } else {
      }
      %mul3A_149 = arith.constant 3 : i32
      %mul3A_150 = arith.muli %scan3A_110, %mul3A_149 : i32
      %add3A_151 = arith.constant 1 : i32
      %add3A_152 = arith.addi %mul3A_150, %add3A_151 : i32
      %dma_wait3A_153 = arith.constant 1 : i32
      %dma_wait3A_154 = arith.constant 0 : i32
      %dma_wait3A_155 = arith.constant 0 : i32
      %dma_wait3A_156 = tpu.memref_slice %arg10[%dma_wait3A_153, %dma_wait3A_154, %dma_wait3A_155] : memref<3x256x32xf32, #tpu.memory_space<vmem>> -> memref<1x256x32xf32, #tpu.memory_space<vmem>>
      %dma_wait3A_157 = tpu.memref_squeeze %dma_wait3A_156 : memref<1x256x32xf32, #tpu.memory_space<vmem>> -> memref<256x32xf32, #tpu.memory_space<vmem>>
      %dma_wait3A_158 = arith.constant 0 : i32
      %dma_wait3A_159 = tpu.memref_slice %arg6[%add3A_152, %dma_wait3A_158] : memref<39x256xi32, #tpu.memory_space<vmem>> -> memref<1x256xi32, #tpu.memory_space<vmem>>
      %dma_wait3A_160 = tpu.memref_squeeze %dma_wait3A_159 : memref<1x256xi32, #tpu.memory_space<vmem>> -> memref<256xi32, #tpu.memory_space<vmem>>
      %dma_wait3A_161 = arith.constant 0 : i32
      %dma_wait3A_162 = arith.constant 0 : i32
      %dma_wait3A_163 = tpu.memref_slice %arg2[%dma_wait3A_161, %dma_wait3A_162] : memref<10000x32xf32, #tpu.memory_space<hbm>> -> memref<10000x32xf32, #tpu.memory_space<hbm>>
      tpu.wait_indirect_dma semaphore(%arg13 : memref<!tpu.dma_semaphore, #tpu.memory_space<semaphore_mem>>) src(%dma_wait3A_163 : memref<10000x32xf32, #tpu.memory_space<hbm>>) dst(%dma_wait3A_157 : memref<256x32xf32, #tpu.memory_space<vmem>>)
      %dma_start3A_164 = arith.constant 1 : i32
      %dma_start3A_165 = arith.constant 0 : i32
      %dma_start3A_166 = arith.constant 0 : i32
      %dma_start3A_167 = tpu.memref_slice %arg10[%dma_start3A_164, %dma_start3A_165, %dma_start3A_166] : memref<3x256x32xf32, #tpu.memory_space<vmem>> -> memref<1x256x32xf32, #tpu.memory_space<vmem>>
      %dma_start3A_168 = tpu.memref_squeeze %dma_start3A_167 : memref<1x256x32xf32, #tpu.memory_space<vmem>> -> memref<256x32xf32, #tpu.memory_space<vmem>>
      %dma_start3A_169 = arith.constant 0 : i32
      %dma_start3A_170 = tpu.memref_slice %arg7[%add3A_152, %dma_start3A_169] : memref<39x256xi32, #tpu.memory_space<vmem>> -> memref<1x256xi32, #tpu.memory_space<vmem>>
      %dma_start3A_171 = tpu.memref_squeeze %dma_start3A_170 : memref<1x256xi32, #tpu.memory_space<vmem>> -> memref<256xi32, #tpu.memory_space<vmem>>
      %dma_start3A_172 = arith.constant 0 : i32
      %dma_start3A_173 = arith.constant 0 : i32
      %dma_start3A_174 = tpu.memref_slice %arg11[%dma_start3A_172, %dma_start3A_173] : memref<10240x32xf32, #tpu.memory_space<vmem_shared>> -> memref<10240x32xf32, #tpu.memory_space<vmem_shared>>
      tpu.enqueue_indirect_dma source(%dma_start3A_168 : memref<256x32xf32, #tpu.memory_space<vmem>>) target(%dma_start3A_174 : memref<10240x32xf32, #tpu.memory_space<vmem_shared>>) offsets(%dma_start3A_171 : memref<256xi32, #tpu.memory_space<vmem>>) semaphore(%arg16 : memref<!tpu.dma_semaphore, #tpu.memory_space<semaphore_mem>>) {add = true}
      %add3A_175 = arith.constant 2 : i32
      %add3A_176 = arith.addi %add3A_152, %add3A_175 : i32
      %lt3A_177 = arith.constant 39 : i32
      %lt3A_178 = arith.cmpi slt, %add3A_176, %lt3A_177 : i32
      %convert_element_type3A_179 = arith.extui %lt3A_178 : i1 to i32
      %cond3A_180 = arith.constant 0 : i32
      %cond3A_181 = arith.cmpi ne, %convert_element_type3A_179, %cond3A_180 : i32
      scf.if %cond3A_181 {
        %dma_wait3A_215 = arith.constant 0 : i32
        %dma_wait3A_216 = arith.constant 0 : i32
        %dma_wait3A_217 = arith.constant 0 : i32
        %dma_wait3A_218 = tpu.memref_slice %arg10[%dma_wait3A_215, %dma_wait3A_216, %dma_wait3A_217] : memref<3x256x32xf32, #tpu.memory_space<vmem>> -> memref<1x256x32xf32, #tpu.memory_space<vmem>>
        %dma_wait3A_219 = tpu.memref_squeeze %dma_wait3A_218 : memref<1x256x32xf32, #tpu.memory_space<vmem>> -> memref<256x32xf32, #tpu.memory_space<vmem>>
        %dma_wait3A_220 = arith.constant 0 : i32
        %dma_wait3A_221 = tpu.memref_slice %arg7[%add3A_152, %dma_wait3A_220] : memref<39x256xi32, #tpu.memory_space<vmem>> -> memref<1x256xi32, #tpu.memory_space<vmem>>
        %dma_wait3A_222 = tpu.memref_squeeze %dma_wait3A_221 : memref<1x256xi32, #tpu.memory_space<vmem>> -> memref<256xi32, #tpu.memory_space<vmem>>
        %dma_wait3A_223 = arith.constant 0 : i32
        %dma_wait3A_224 = arith.constant 0 : i32
        %dma_wait3A_225 = tpu.memref_slice %arg11[%dma_wait3A_223, %dma_wait3A_224] : memref<10240x32xf32, #tpu.memory_space<vmem_shared>> -> memref<10240x32xf32, #tpu.memory_space<vmem_shared>>
        tpu.wait_indirect_dma semaphore(%arg15 : memref<!tpu.dma_semaphore, #tpu.memory_space<semaphore_mem>>) src(%dma_wait3A_219 : memref<256x32xf32, #tpu.memory_space<vmem>>) dst(%dma_wait3A_225 : memref<10240x32xf32, #tpu.memory_space<vmem_shared>>)
        %dma_start3A_226 = arith.constant 0 : i32
        %dma_start3A_227 = arith.constant 0 : i32
        %dma_start3A_228 = arith.constant 0 : i32
        %dma_start3A_229 = tpu.memref_slice %arg10[%dma_start3A_226, %dma_start3A_227, %dma_start3A_228] : memref<3x256x32xf32, #tpu.memory_space<vmem>> -> memref<1x256x32xf32, #tpu.memory_space<vmem>>
        %dma_start3A_230 = tpu.memref_squeeze %dma_start3A_229 : memref<1x256x32xf32, #tpu.memory_space<vmem>> -> memref<256x32xf32, #tpu.memory_space<vmem>>
        %dma_start3A_231 = arith.constant 0 : i32
        %dma_start3A_232 = tpu.memref_slice %arg6[%add3A_176, %dma_start3A_231] : memref<39x256xi32, #tpu.memory_space<vmem>> -> memref<1x256xi32, #tpu.memory_space<vmem>>
        %dma_start3A_233 = tpu.memref_squeeze %dma_start3A_232 : memref<1x256xi32, #tpu.memory_space<vmem>> -> memref<256xi32, #tpu.memory_space<vmem>>
        %dma_start3A_234 = arith.constant 0 : i32
        %dma_start3A_235 = arith.constant 0 : i32
        %dma_start3A_236 = tpu.memref_slice %arg2[%dma_start3A_234, %dma_start3A_235] : memref<10000x32xf32, #tpu.memory_space<hbm>> -> memref<10000x32xf32, #tpu.memory_space<hbm>>
        tpu.enqueue_indirect_dma source(%dma_start3A_236 : memref<10000x32xf32, #tpu.memory_space<hbm>>) target(%dma_start3A_230 : memref<256x32xf32, #tpu.memory_space<vmem>>) offsets(%dma_start3A_233 : memref<256xi32, #tpu.memory_space<vmem>>) semaphore(%arg12 : memref<!tpu.dma_semaphore, #tpu.memory_space<semaphore_mem>>)
      } else {
      }
      %mul3A_182 = arith.constant 3 : i32
      %mul3A_183 = arith.muli %scan3A_110, %mul3A_182 : i32
      %add3A_184 = arith.constant 2 : i32
      %add3A_185 = arith.addi %mul3A_183, %add3A_184 : i32
      %dma_wait3A_186 = arith.constant 2 : i32
      %dma_wait3A_187 = arith.constant 0 : i32
      %dma_wait3A_188 = arith.constant 0 : i32
      %dma_wait3A_189 = tpu.memref_slice %arg10[%dma_wait3A_186, %dma_wait3A_187, %dma_wait3A_188] : memref<3x256x32xf32, #tpu.memory_space<vmem>> -> memref<1x256x32xf32, #tpu.memory_space<vmem>>
      %dma_wait3A_190 = tpu.memref_squeeze %dma_wait3A_189 : memref<1x256x32xf32, #tpu.memory_space<vmem>> -> memref<256x32xf32, #tpu.memory_space<vmem>>
      %dma_wait3A_191 = arith.constant 0 : i32
      %dma_wait3A_192 = tpu.memref_slice %arg6[%add3A_185, %dma_wait3A_191] : memref<39x256xi32, #tpu.memory_space<vmem>> -> memref<1x256xi32, #tpu.memory_space<vmem>>
      %dma_wait3A_193 = tpu.memref_squeeze %dma_wait3A_192 : memref<1x256xi32, #tpu.memory_space<vmem>> -> memref<256xi32, #tpu.memory_space<vmem>>
      %dma_wait3A_194 = arith.constant 0 : i32
      %dma_wait3A_195 = arith.constant 0 : i32
      %dma_wait3A_196 = tpu.memref_slice %arg2[%dma_wait3A_194, %dma_wait3A_195] : memref<10000x32xf32, #tpu.memory_space<hbm>> -> memref<10000x32xf32, #tpu.memory_space<hbm>>
      tpu.wait_indirect_dma semaphore(%arg14 : memref<!tpu.dma_semaphore, #tpu.memory_space<semaphore_mem>>) src(%dma_wait3A_196 : memref<10000x32xf32, #tpu.memory_space<hbm>>) dst(%dma_wait3A_190 : memref<256x32xf32, #tpu.memory_space<vmem>>)
      %dma_start3A_197 = arith.constant 2 : i32
      %dma_start3A_198 = arith.constant 0 : i32
      %dma_start3A_199 = arith.constant 0 : i32
      %dma_start3A_200 = tpu.memref_slice %arg10[%dma_start3A_197, %dma_start3A_198, %dma_start3A_199] : memref<3x256x32xf32, #tpu.memory_space<vmem>> -> memref<1x256x32xf32, #tpu.memory_space<vmem>>
      %dma_start3A_201 = tpu.memref_squeeze %dma_start3A_200 : memref<1x256x32xf32, #tpu.memory_space<vmem>> -> memref<256x32xf32, #tpu.memory_space<vmem>>
      %dma_start3A_202 = arith.constant 0 : i32
      %dma_start3A_203 = tpu.memref_slice %arg7[%add3A_185, %dma_start3A_202] : memref<39x256xi32, #tpu.memory_space<vmem>> -> memref<1x256xi32, #tpu.memory_space<vmem>>
      %dma_start3A_204 = tpu.memref_squeeze %dma_start3A_203 : memref<1x256xi32, #tpu.memory_space<vmem>> -> memref<256xi32, #tpu.memory_space<vmem>>
      %dma_start3A_205 = arith.constant 0 : i32
      %dma_start3A_206 = arith.constant 0 : i32
      %dma_start3A_207 = tpu.memref_slice %arg11[%dma_start3A_205, %dma_start3A_206] : memref<10240x32xf32, #tpu.memory_space<vmem_shared>> -> memref<10240x32xf32, #tpu.memory_space<vmem_shared>>
      tpu.enqueue_indirect_dma source(%dma_start3A_201 : memref<256x32xf32, #tpu.memory_space<vmem>>) target(%dma_start3A_207 : memref<10240x32xf32, #tpu.memory_space<vmem_shared>>) offsets(%dma_start3A_204 : memref<256xi32, #tpu.memory_space<vmem>>) semaphore(%arg17 : memref<!tpu.dma_semaphore, #tpu.memory_space<semaphore_mem>>) {add = true}
      %add3A_208 = arith.constant 2 : i32
      %add3A_209 = arith.addi %add3A_185, %add3A_208 : i32
      %lt3A_210 = arith.constant 39 : i32
      %lt3A_211 = arith.cmpi slt, %add3A_209, %lt3A_210 : i32
      %convert_element_type3A_212 = arith.extui %lt3A_211 : i1 to i32
      %cond3A_213 = arith.constant 0 : i32
      %cond3A_214 = arith.cmpi ne, %convert_element_type3A_212, %cond3A_213 : i32
      scf.if %cond3A_214 {
        %dma_wait3A_215 = arith.constant 1 : i32
        %dma_wait3A_216 = arith.constant 0 : i32
        %dma_wait3A_217 = arith.constant 0 : i32
        %dma_wait3A_218 = tpu.memref_slice %arg10[%dma_wait3A_215, %dma_wait3A_216, %dma_wait3A_217] : memref<3x256x32xf32, #tpu.memory_space<vmem>> -> memref<1x256x32xf32, #tpu.memory_space<vmem>>
        %dma_wait3A_219 = tpu.memref_squeeze %dma_wait3A_218 : memref<1x256x32xf32, #tpu.memory_space<vmem>> -> memref<256x32xf32, #tpu.memory_space<vmem>>
        %dma_wait3A_220 = arith.constant 0 : i32
        %dma_wait3A_221 = tpu.memref_slice %arg7[%add3A_185, %dma_wait3A_220] : memref<39x256xi32, #tpu.memory_space<vmem>> -> memref<1x256xi32, #tpu.memory_space<vmem>>
        %dma_wait3A_222 = tpu.memref_squeeze %dma_wait3A_221 : memref<1x256xi32, #tpu.memory_space<vmem>> -> memref<256xi32, #tpu.memory_space<vmem>>
        %dma_wait3A_223 = arith.constant 0 : i32
        %dma_wait3A_224 = arith.constant 0 : i32
        %dma_wait3A_225 = tpu.memref_slice %arg11[%dma_wait3A_223, %dma_wait3A_224] : memref<10240x32xf32, #tpu.memory_space<vmem_shared>> -> memref<10240x32xf32, #tpu.memory_space<vmem_shared>>
        tpu.wait_indirect_dma semaphore(%arg16 : memref<!tpu.dma_semaphore, #tpu.memory_space<semaphore_mem>>) src(%dma_wait3A_219 : memref<256x32xf32, #tpu.memory_space<vmem>>) dst(%dma_wait3A_225 : memref<10240x32xf32, #tpu.memory_space<vmem_shared>>)
        %dma_start3A_226 = arith.constant 1 : i32
        %dma_start3A_227 = arith.constant 0 : i32
        %dma_start3A_228 = arith.constant 0 : i32
        %dma_start3A_229 = tpu.memref_slice %arg10[%dma_start3A_226, %dma_start3A_227, %dma_start3A_228] : memref<3x256x32xf32, #tpu.memory_space<vmem>> -> memref<1x256x32xf32, #tpu.memory_space<vmem>>
        %dma_start3A_230 = tpu.memref_squeeze %dma_start3A_229 : memref<1x256x32xf32, #tpu.memory_space<vmem>> -> memref<256x32xf32, #tpu.memory_space<vmem>>
        %dma_start3A_231 = arith.constant 0 : i32
        %dma_start3A_232 = tpu.memref_slice %arg6[%add3A_209, %dma_start3A_231] : memref<39x256xi32, #tpu.memory_space<vmem>> -> memref<1x256xi32, #tpu.memory_space<vmem>>
        %dma_start3A_233 = tpu.memref_squeeze %dma_start3A_232 : memref<1x256xi32, #tpu.memory_space<vmem>> -> memref<256xi32, #tpu.memory_space<vmem>>
        %dma_start3A_234 = arith.constant 0 : i32
        %dma_start3A_235 = arith.constant 0 : i32
        %dma_start3A_236 = tpu.memref_slice %arg2[%dma_start3A_234, %dma_start3A_235] : memref<10000x32xf32, #tpu.memory_space<hbm>> -> memref<10000x32xf32, #tpu.memory_space<hbm>>
        tpu.enqueue_indirect_dma source(%dma_start3A_236 : memref<10000x32xf32, #tpu.memory_space<hbm>>) target(%dma_start3A_230 : memref<256x32xf32, #tpu.memory_space<vmem>>) offsets(%dma_start3A_233 : memref<256xi32, #tpu.memory_space<vmem>>) semaphore(%arg13 : memref<!tpu.dma_semaphore, #tpu.memory_space<semaphore_mem>>)
      } else {
      }
    }
    %scan3A_65 = arith.constant 13 : i32
    %dma_wait3A_66 = arith.constant 0 : i32
    %dma_wait3A_67 = arith.constant 0 : i32
    %dma_wait3A_68 = arith.constant 0 : i32
    %dma_wait3A_69 = arith.constant 0 : i32
    %dma_wait3A_70 = tpu.memref_slice %arg10[%dma_wait3A_66, %dma_wait3A_68, %dma_wait3A_69] : memref<3x256x32xf32, #tpu.memory_space<vmem>> -> memref<1x256x32xf32, #tpu.memory_space<vmem>>
    %dma_wait3A_71 = tpu.memref_squeeze %dma_wait3A_70 : memref<1x256x32xf32, #tpu.memory_space<vmem>> -> memref<256x32xf32, #tpu.memory_space<vmem>>
    %dma_wait3A_72 = arith.constant 0 : i32
    %dma_wait3A_73 = tpu.memref_slice %arg7[%dma_wait3A_67, %dma_wait3A_72] : memref<39x256xi32, #tpu.memory_space<vmem>> -> memref<1x256xi32, #tpu.memory_space<vmem>>
    %dma_wait3A_74 = tpu.memref_squeeze %dma_wait3A_73 : memref<1x256xi32, #tpu.memory_space<vmem>> -> memref<256xi32, #tpu.memory_space<vmem>>
    %dma_wait3A_75 = arith.constant 0 : i32
    %dma_wait3A_76 = arith.constant 0 : i32
    %dma_wait3A_77 = tpu.memref_slice %arg11[%dma_wait3A_75, %dma_wait3A_76] : memref<10240x32xf32, #tpu.memory_space<vmem_shared>> -> memref<10240x32xf32, #tpu.memory_space<vmem_shared>>
    tpu.wait_indirect_dma semaphore(%arg15 : memref<!tpu.dma_semaphore, #tpu.memory_space<semaphore_mem>>) src(%dma_wait3A_71 : memref<256x32xf32, #tpu.memory_space<vmem>>) dst(%dma_wait3A_77 : memref<10240x32xf32, #tpu.memory_space<vmem_shared>>)
    %dma_wait3A_78 = arith.constant 1 : i32
    %dma_wait3A_79 = arith.constant 1 : i32
    %dma_wait3A_80 = arith.constant 0 : i32
    %dma_wait3A_81 = arith.constant 0 : i32
    %dma_wait3A_82 = tpu.memref_slice %arg10[%dma_wait3A_78, %dma_wait3A_80, %dma_wait3A_81] : memref<3x256x32xf32, #tpu.memory_space<vmem>> -> memref<1x256x32xf32, #tpu.memory_space<vmem>>
    %dma_wait3A_83 = tpu.memref_squeeze %dma_wait3A_82 : memref<1x256x32xf32, #tpu.memory_space<vmem>> -> memref<256x32xf32, #tpu.memory_space<vmem>>
    %dma_wait3A_84 = arith.constant 0 : i32
    %dma_wait3A_85 = tpu.memref_slice %arg7[%dma_wait3A_79, %dma_wait3A_84] : memref<39x256xi32, #tpu.memory_space<vmem>> -> memref<1x256xi32, #tpu.memory_space<vmem>>
    %dma_wait3A_86 = tpu.memref_squeeze %dma_wait3A_85 : memref<1x256xi32, #tpu.memory_space<vmem>> -> memref<256xi32, #tpu.memory_space<vmem>>
    %dma_wait3A_87 = arith.constant 0 : i32
    %dma_wait3A_88 = arith.constant 0 : i32
    %dma_wait3A_89 = tpu.memref_slice %arg11[%dma_wait3A_87, %dma_wait3A_88] : memref<10240x32xf32, #tpu.memory_space<vmem_shared>> -> memref<10240x32xf32, #tpu.memory_space<vmem_shared>>
    tpu.wait_indirect_dma semaphore(%arg16 : memref<!tpu.dma_semaphore, #tpu.memory_space<semaphore_mem>>) src(%dma_wait3A_83 : memref<256x32xf32, #tpu.memory_space<vmem>>) dst(%dma_wait3A_89 : memref<10240x32xf32, #tpu.memory_space<vmem_shared>>)
    %dma_wait3A_90 = arith.constant 2 : i32
    %dma_wait3A_91 = arith.constant 2 : i32
    %dma_wait3A_92 = arith.constant 0 : i32
    %dma_wait3A_93 = arith.constant 0 : i32
    %dma_wait3A_94 = tpu.memref_slice %arg10[%dma_wait3A_90, %dma_wait3A_92, %dma_wait3A_93] : memref<3x256x32xf32, #tpu.memory_space<vmem>> -> memref<1x256x32xf32, #tpu.memory_space<vmem>>
    %dma_wait3A_95 = tpu.memref_squeeze %dma_wait3A_94 : memref<1x256x32xf32, #tpu.memory_space<vmem>> -> memref<256x32xf32, #tpu.memory_space<vmem>>
    %dma_wait3A_96 = arith.constant 0 : i32
    %dma_wait3A_97 = tpu.memref_slice %arg7[%dma_wait3A_91, %dma_wait3A_96] : memref<39x256xi32, #tpu.memory_space<vmem>> -> memref<1x256xi32, #tpu.memory_space<vmem>>
    %dma_wait3A_98 = tpu.memref_squeeze %dma_wait3A_97 : memref<1x256xi32, #tpu.memory_space<vmem>> -> memref<256xi32, #tpu.memory_space<vmem>>
    %dma_wait3A_99 = arith.constant 0 : i32
    %dma_wait3A_100 = arith.constant 0 : i32
    %dma_wait3A_101 = tpu.memref_slice %arg11[%dma_wait3A_99, %dma_wait3A_100] : memref<10240x32xf32, #tpu.memory_space<vmem_shared>> -> memref<10240x32xf32, #tpu.memory_space<vmem_shared>>
    tpu.wait_indirect_dma semaphore(%arg17 : memref<!tpu.dma_semaphore, #tpu.memory_space<semaphore_mem>>) src(%dma_wait3A_95 : memref<256x32xf32, #tpu.memory_space<vmem>>) dst(%dma_wait3A_101 : memref<10240x32xf32, #tpu.memory_space<vmem_shared>>)
    %lt3A_102 = arith.constant 2 : i32
    %lt3A_103 = arith.cmpi slt, %add3A, %lt3A_102 : i32
    %convert_element_type3A_104 = arith.extui %lt3A_103 : i1 to i32
    %cond3A_105 = arith.constant 0 : i32
    %cond3A_106 = arith.cmpi ne, %convert_element_type3A_104, %cond3A_105 : i32
    scf.if %cond3A_106 {
      %dma_start3A_110 = arith.constant 0 : i32
      %dma_start3A_111 = arith.constant 0 : i32
      %dma_start3A_112 = arith.constant 0 : i32
      %dma_start3A_113 = tpu.memref_slice %arg10[%dma_start3A_110, %dma_start3A_111, %dma_start3A_112] : memref<3x256x32xf32, #tpu.memory_space<vmem>> -> memref<1x256x32xf32, #tpu.memory_space<vmem>>
      %dma_start3A_114 = tpu.memref_squeeze %dma_start3A_113 : memref<1x256x32xf32, #tpu.memory_space<vmem>> -> memref<256x32xf32, #tpu.memory_space<vmem>>
      %dma_start3A_115 = arith.constant 0 : i32
      %dma_start3A_116 = arith.constant 0 : i32
      %dma_start3A_117 = tpu.memref_slice %arg2[%dma_start3A_115, %dma_start3A_116] : memref<10000x32xf32, #tpu.memory_space<hbm>> -> memref<10000x32xf32, #tpu.memory_space<hbm>>
      tpu.enqueue_indirect_dma source(%dma_start3A_117 : memref<10000x32xf32, #tpu.memory_space<hbm>>) target(%dma_start3A_114 : memref<256x32xf32, #tpu.memory_space<vmem>>) offsets(%arg8 : memref<256xi32, #tpu.memory_space<vmem>>) semaphore(%arg12 : memref<!tpu.dma_semaphore, #tpu.memory_space<semaphore_mem>>)
      %dma_wait3A_118 = arith.constant 0 : i32
      %dma_wait3A_119 = arith.constant 0 : i32
      %dma_wait3A_120 = arith.constant 0 : i32
      %dma_wait3A_121 = tpu.memref_slice %arg10[%dma_wait3A_118, %dma_wait3A_119, %dma_wait3A_120] : memref<3x256x32xf32, #tpu.memory_space<vmem>> -> memref<1x256x32xf32, #tpu.memory_space<vmem>>
      %dma_wait3A_122 = tpu.memref_squeeze %dma_wait3A_121 : memref<1x256x32xf32, #tpu.memory_space<vmem>> -> memref<256x32xf32, #tpu.memory_space<vmem>>
      %dma_wait3A_123 = arith.constant 0 : i32
      %dma_wait3A_124 = arith.constant 0 : i32
      %dma_wait3A_125 = tpu.memref_slice %arg2[%dma_wait3A_123, %dma_wait3A_124] : memref<10000x32xf32, #tpu.memory_space<hbm>> -> memref<10000x32xf32, #tpu.memory_space<hbm>>
      tpu.wait_indirect_dma semaphore(%arg12 : memref<!tpu.dma_semaphore, #tpu.memory_space<semaphore_mem>>) src(%dma_wait3A_125 : memref<10000x32xf32, #tpu.memory_space<hbm>>) dst(%dma_wait3A_122 : memref<256x32xf32, #tpu.memory_space<vmem>>)
      %run_scoped3A_126 = arith.constant 0 : i32
      "tpu.region"() ({
        %run_scoped3A_127 = tpu.sem_alloc : memref<!tpu.dma_semaphore, #tpu.memory_space<semaphore_mem>>
        %dma_start3A_128 = arith.constant 0 : i32
        %dma_start3A_129 = arith.constant 0 : i32
        %dma_start3A_130 = tpu.memref_slice %arg10[%run_scoped3A_126, %dma_start3A_128, %dma_start3A_129] : memref<3x256x32xf32, #tpu.memory_space<vmem>> -> memref<1x256x32xf32, #tpu.memory_space<vmem>>
        %dma_start3A_131 = tpu.memref_squeeze %dma_start3A_130 : memref<1x256x32xf32, #tpu.memory_space<vmem>> -> memref<256x32xf32, #tpu.memory_space<vmem>>
        %dma_start3A_132 = arith.constant 0 : i32
        %dma_start3A_133 = arith.constant 0 : i32
        %dma_start3A_134 = tpu.memref_slice %arg11[%dma_start3A_132, %dma_start3A_133] : memref<10240x32xf32, #tpu.memory_space<vmem_shared>> -> memref<10240x32xf32, #tpu.memory_space<vmem_shared>>
        tpu.enqueue_indirect_dma source(%dma_start3A_131 : memref<256x32xf32, #tpu.memory_space<vmem>>) target(%dma_start3A_134 : memref<10240x32xf32, #tpu.memory_space<vmem_shared>>) offsets(%arg9 : memref<256xi32, #tpu.memory_space<vmem>>) semaphore(%run_scoped3A_127 : memref<!tpu.dma_semaphore, #tpu.memory_space<semaphore_mem>>) {add = true}
        %dma_wait3A_135 = arith.constant 0 : i32
        %dma_wait3A_136 = arith.constant 0 : i32
        %dma_wait3A_137 = tpu.memref_slice %arg10[%run_scoped3A_126, %dma_wait3A_135, %dma_wait3A_136] : memref<3x256x32xf32, #tpu.memory_space<vmem>> -> memref<1x256x32xf32, #tpu.memory_space<vmem>>
        %dma_wait3A_138 = tpu.memref_squeeze %dma_wait3A_137 : memref<1x256x32xf32, #tpu.memory_space<vmem>> -> memref<256x32xf32, #tpu.memory_space<vmem>>
        %dma_wait3A_139 = arith.constant 0 : i32
        %dma_wait3A_140 = arith.constant 0 : i32
        %dma_wait3A_141 = tpu.memref_slice %arg11[%dma_wait3A_139, %dma_wait3A_140] : memref<10240x32xf32, #tpu.memory_space<vmem_shared>> -> memref<10240x32xf32, #tpu.memory_space<vmem_shared>>
        tpu.wait_indirect_dma semaphore(%run_scoped3A_127 : memref<!tpu.dma_semaphore, #tpu.memory_space<semaphore_mem>>) src(%dma_wait3A_138 : memref<256x32xf32, #tpu.memory_space<vmem>>) dst(%dma_wait3A_141 : memref<10240x32xf32, #tpu.memory_space<vmem_shared>>)
        tpu.yield
      }) : () -> ()
    } else {
    }
    %barrier3A_107 = arith.constant 0 : index
    tpu.barrier barrier_id(%barrier3A_107)
    %mul3A_108 = arith.constant 640 : i32
    %mul3A_109 = arith.muli %arg1, %mul3A_108 : i32
    "tpu.region"() ({
      %run_scoped3A_110 = tpu.sem_alloc : memref<!tpu.dma_semaphore, #tpu.memory_space<semaphore_mem>>
      %dma_start3A_111 = arith.constant 0 : i32
      %dma_start3A_112 = tpu.memref_slice %arg5[%arg0, %mul3A_109, %dma_start3A_111] : memref<2x10240x32xf32, #tpu.memory_space<hbm>> -> memref<1x640x32xf32, #tpu.memory_space<hbm>>
      %dma_start3A_113 = tpu.memref_squeeze %dma_start3A_112 : memref<1x640x32xf32, #tpu.memory_space<hbm>> -> memref<640x32xf32, #tpu.memory_space<hbm>>
      %dma_start3A_114 = arith.constant 0 : i32
      %dma_start3A_115 = tpu.memref_slice %arg11[%mul3A_109, %dma_start3A_114] : memref<10240x32xf32, #tpu.memory_space<vmem_shared>> -> memref<640x32xf32, #tpu.memory_space<vmem_shared>>
      tpu.enqueue_dma source(%dma_start3A_115 : memref<640x32xf32, #tpu.memory_space<vmem_shared>>) target(%dma_start3A_113 : memref<640x32xf32, #tpu.memory_space<hbm>>) target_semaphore(%run_scoped3A_110 : memref<!tpu.dma_semaphore, #tpu.memory_space<semaphore_mem>>)
      %dma_wait3A_116 = arith.constant 0 : i32
      %dma_wait3A_117 = tpu.memref_slice %arg5[%arg0, %mul3A_109, %dma_wait3A_116] : memref<2x10240x32xf32, #tpu.memory_space<hbm>> -> memref<1x640x32xf32, #tpu.memory_space<hbm>>
      %dma_wait3A_118 = tpu.memref_squeeze %dma_wait3A_117 : memref<1x640x32xf32, #tpu.memory_space<hbm>> -> memref<640x32xf32, #tpu.memory_space<hbm>>
      %dma_wait3A_119 = arith.constant 0 : i32
      %dma_wait3A_120 = tpu.memref_slice %arg11[%mul3A_109, %dma_wait3A_119] : memref<10240x32xf32, #tpu.memory_space<vmem_shared>> -> memref<640x32xf32, #tpu.memory_space<vmem_shared>>
      tpu.wait_dma2 semaphore(%run_scoped3A_110 : memref<!tpu.dma_semaphore, #tpu.memory_space<semaphore_mem>>) src(%dma_wait3A_120 : memref<640x32xf32, #tpu.memory_space<vmem_shared>>) dst(%dma_wait3A_118 : memref<640x32xf32, #tpu.memory_space<hbm>>)
      tpu.yield
    }) : () -> ()
    return
  }
}

module attributes {stable_mosaic.version = 14 : i64} {
  func.func @body(%arg0: i32, %arg1: memref<5000x128xf32, #tpu.memory_space<vmem>>, %arg2: memref<128x32xf32, #tpu.memory_space<vmem>>, %arg3: memref<5000x32xf32, #tpu.memory_space<vmem>>) attributes {dimension_semantics = [#tpu.dimension_semantics<arbitrary>], iteration_bounds = array<i64: 2>, scalar_prefetch = 0 : i64, scratch_operands = 0 : i64, tpu.core_type = #tpu.core_type<tc>, window_params = [{transform_indices = @transform_0, window_bounds = array<i64: 5000, 128>}, {pipeline_mode = #tpu.pipeline_mode<synchronous>, transform_indices = @transform_1, window_bounds = array<i64: 128, 32>}, {transform_indices = @transform_2, window_bounds = array<i64: 5000, 32>}]} {
    %get3A = arith.constant 0 : index
    %get3A_0 = arith.constant 0 : index
    %get3A_1 = vector.load %arg1[%get3A, %get3A_0] : memref<5000x128xf32, #tpu.memory_space<vmem>>, vector<5000x128xf32>
    %get3A_2 = arith.constant 0 : index
    %get3A_3 = arith.constant 0 : index
    %get3A_4 = vector.load %arg2[%get3A_2, %get3A_3] : memref<128x32xf32, #tpu.memory_space<vmem>>, vector<128x32xf32>
    %dot_general3A = arith.constant dense<0.000000e+00> : vector<5000x32xf32>
    %dot_general3A_5 = tpu.matmul %get3A_1, %get3A_4, %dot_general3A {dimension_numbers = #tpu.dot_dimension_numbers<[1], [0], [0], [1], [0, 0, 1, 1], [], []>, transpose_lhs_hint = false} : vector<5000x128xf32>, vector<128x32xf32>, vector<5000x32xf32> -> vector<5000x32xf32>
    %swap3A = arith.constant 0 : index
    %swap3A_6 = arith.constant 0 : index
    %swap3A_7 = vector.load %arg3[%swap3A, %swap3A_6] : memref<5000x32xf32, #tpu.memory_space<vmem>>, vector<5000x32xf32>
    tpu.vector_store %arg3[%swap3A, %swap3A_6], %dot_general3A_5 {strides = array<i32>} : memref<5000x32xf32, #tpu.memory_space<vmem>>, vector<5000x32xf32>,
    return
  }
  func.func @transform_0(%arg0: i32) -> (i32, i32) {
    %c0_i32 = arith.constant 0 : i32
    %c0_i32_0 = arith.constant 0 : i32
    return %arg0, %c0_i32 : i32, i32
  }
  func.func @transform_1(%arg0: i32) -> (i32, i32) {
    %c0_i32 = arith.constant 0 : i32
    %c0_i32_0 = arith.constant 0 : i32
    %c0_i32_1 = arith.constant 0 : i32
    return %c0_i32, %c0_i32_0 : i32, i32
  }
  func.func @transform_2(%arg0: i32) -> (i32, i32) {
    %c0_i32 = arith.constant 0 : i32
    %c0_i32_0 = arith.constant 0 : i32
    return %arg0, %c0_i32 : i32, i32
  }
}

module attributes {stable_mosaic.version = 14 : i64} {
  func.func @body(%arg0: i32, %arg1: memref<5000x32xf32, #tpu.memory_space<vmem>>, %arg2: memref<5000x4xf32, #tpu.memory_space<vmem>>, %arg3: memref<5000x32xf32, #tpu.memory_space<vmem>>, %arg4: memref<5000x8xf32, #tpu.memory_space<vmem>>) attributes {dimension_semantics = [#tpu.dimension_semantics<arbitrary>], iteration_bounds = array<i64: 2>, scalar_prefetch = 0 : i64, scratch_operands = 0 : i64, tpu.core_type = #tpu.core_type<tc>, window_params = [{transform_indices = @transform_0, window_bounds = array<i64: 5000, 32>}, {transform_indices = @transform_1, window_bounds = array<i64: 5000, 4>}, {transform_indices = @transform_2, window_bounds = array<i64: 5000, 32>}, {transform_indices = @transform_3, window_bounds = array<i64: 5000, 8>}]} {
    %get3A = arith.constant 0 : index
    %get3A_0 = arith.constant 0 : index
    %get3A_1 = vector.load %arg2[%get3A, %get3A_0] : memref<5000x4xf32, #tpu.memory_space<vmem>>, vector<5000x1xf32>
    %get3A_2 = arith.constant 0 : index
    %get3A_3 = arith.constant 1 : index
    %get3A_4 = vector.load %arg2[%get3A_2, %get3A_3] : memref<5000x4xf32, #tpu.memory_space<vmem>>, vector<5000x1xf32>
    %add3A = arith.addf %get3A_1, %get3A_4 : vector<5000x1xf32>
    %get3A_5 = arith.constant 0 : index
    %get3A_6 = arith.constant 2 : index
    %get3A_7 = vector.load %arg2[%get3A_5, %get3A_6] : memref<5000x4xf32, #tpu.memory_space<vmem>>, vector<5000x1xf32>
    %get3A_8 = arith.constant 0 : index
    %get3A_9 = arith.constant 3 : index
    %get3A_10 = vector.load %arg2[%get3A_8, %get3A_9] : memref<5000x4xf32, #tpu.memory_space<vmem>>, vector<5000x1xf32>
    %add3A_11 = arith.addf %get3A_7, %get3A_10 : vector<5000x1xf32>
    %max3A = arith.constant 1.000000e+00 : f32
    %max3A_12 = vector.broadcast %max3A : f32 to vector<5000x1xf32>
    %max3A_13 = arith.maximumf %add3A, %max3A_12 : vector<5000x1xf32>
    %rsqrt3A = math.rsqrt %max3A_13 : vector<5000x1xf32>
    %max3A_14 = arith.constant 1.000000e+00 : f32
    %max3A_15 = vector.broadcast %max3A_14 : f32 to vector<5000x1xf32>
    %max3A_16 = arith.maximumf %add3A_11, %max3A_15 : vector<5000x1xf32>
    %rsqrt3A_17 = math.rsqrt %max3A_16 : vector<5000x1xf32>
    %get3A_18 = arith.constant 0 : index
    %get3A_19 = arith.constant 0 : index
    %get3A_20 = vector.load %arg1[%get3A_18, %get3A_19] : memref<5000x32xf32, #tpu.memory_space<vmem>>, vector<5000x32xf32>
    %mul3A = vector.broadcast %rsqrt3A : vector<5000x1xf32> to vector<5000x32xf32>
    %mul3A_21 = arith.mulf %get3A_20, %mul3A : vector<5000x32xf32>
    %swap3A = arith.constant 0 : index
    %swap3A_22 = arith.constant 0 : index
    %swap3A_23 = vector.load %arg3[%swap3A, %swap3A_22] : memref<5000x32xf32, #tpu.memory_space<vmem>>, vector<5000x32xf32>
    tpu.vector_store %arg3[%swap3A, %swap3A_22], %mul3A_21 {strides = array<i32>} : memref<5000x32xf32, #tpu.memory_space<vmem>>, vector<5000x32xf32>,
    %broadcast_in_dim3A = arith.constant 0.000000e+00 : f32
    %broadcast_in_dim3A_24 = vector.broadcast %broadcast_in_dim3A : f32 to vector<5000x6xf32>
    %concatenate3A = tpu.concatenate %rsqrt3A, %rsqrt3A_17, %broadcast_in_dim3A_24 in 1 : vector<5000x1xf32>, vector<5000x1xf32>, vector<5000x6xf32> -> vector<5000x8xf32>
    %swap3A_25 = arith.constant 0 : index
    %swap3A_26 = arith.constant 0 : index
    %swap3A_27 = vector.load %arg4[%swap3A_25, %swap3A_26] : memref<5000x8xf32, #tpu.memory_space<vmem>>, vector<5000x8xf32>
    tpu.vector_store %arg4[%swap3A_25, %swap3A_26], %concatenate3A {strides = array<i32>} : memref<5000x8xf32, #tpu.memory_space<vmem>>, vector<5000x8xf32>,
    return
  }
  func.func @transform_0(%arg0: i32) -> (i32, i32) {
    %c0_i32 = arith.constant 0 : i32
    %c0_i32_0 = arith.constant 0 : i32
    return %arg0, %c0_i32 : i32, i32
  }
  func.func @transform_1(%arg0: i32) -> (i32, i32) {
    %c0_i32 = arith.constant 0 : i32
    %c0_i32_0 = arith.constant 0 : i32
    return %arg0, %c0_i32 : i32, i32
  }
  func.func @transform_2(%arg0: i32) -> (i32, i32) {
    %c0_i32 = arith.constant 0 : i32
    %c0_i32_0 = arith.constant 0 : i32
    return %arg0, %c0_i32 : i32, i32
  }
  func.func @transform_3(%arg0: i32) -> (i32, i32) {
    %c0_i32 = arith.constant 0 : i32
    %c0_i32_0 = arith.constant 0 : i32
    return %arg0, %c0_i32 : i32, i32
  }
}

module attributes {stable_mosaic.version = 14 : i64} {
  func.func @body(%arg0: i32, %arg1: memref<1x5000x32xf32, #tpu.memory_space<vmem>>, %arg2: memref<1x5000x32xf32, #tpu.memory_space<vmem>>, %arg3: memref<5000x8xf32, #tpu.memory_space<vmem>>, %arg4: memref<32x16xf32, #tpu.memory_space<vmem>>, %arg5: memref<5000x16xf32, #tpu.memory_space<vmem>>) attributes {dimension_semantics = [#tpu.dimension_semantics<arbitrary>], iteration_bounds = array<i64: 2>, scalar_prefetch = 0 : i64, scratch_operands = 0 : i64, tpu.core_type = #tpu.core_type<tc>, window_params = [{transform_indices = @transform_0, window_bounds = array<i64: 1, 5000, 32>}, {transform_indices = @transform_1, window_bounds = array<i64: 1, 5000, 32>}, {transform_indices = @transform_2, window_bounds = array<i64: 5000, 8>}, {pipeline_mode = #tpu.pipeline_mode<synchronous>, transform_indices = @transform_3, window_bounds = array<i64: 32, 16>}, {transform_indices = @transform_4, window_bounds = array<i64: 5000, 16>}]} {
    %get3A = arith.constant 0 : index
    %get3A_0 = arith.constant 1 : index
    %get3A_1 = vector.load %arg3[%get3A, %get3A_0] : memref<5000x8xf32, #tpu.memory_space<vmem>>, vector<5000x1xf32>
    %get3A_2 = arith.constant 0 : index
    %get3A_3 = arith.constant 0 : index
    %get3A_4 = vector.load %arg3[%get3A_2, %get3A_3] : memref<5000x8xf32, #tpu.memory_space<vmem>>, vector<5000x1xf32>
    %get3A_5 = arith.constant 0 : index
    %get3A_6 = arith.constant 0 : index
    %get3A_7 = arith.constant 0 : index
    %get3A_8 = vector.load %arg1[%get3A_5, %get3A_6, %get3A_7] : memref<1x5000x32xf32, #tpu.memory_space<vmem>>, vector<1x5000x32xf32>
    %get3A_9 = vector.shape_cast %get3A_8 : vector<1x5000x32xf32> to vector<5000x32xf32>
    %get3A_10 = arith.constant 0 : index
    %get3A_11 = arith.constant 0 : index
    %get3A_12 = arith.constant 0 : index
    %get3A_13 = vector.load %arg2[%get3A_10, %get3A_11, %get3A_12] : memref<1x5000x32xf32, #tpu.memory_space<vmem>>, vector<1x5000x32xf32>
    %get3A_14 = vector.shape_cast %get3A_13 : vector<1x5000x32xf32> to vector<5000x32xf32>
    %add3A = arith.addf %get3A_9, %get3A_14 : vector<5000x32xf32>
    %mul3A = vector.broadcast %get3A_1 : vector<5000x1xf32> to vector<5000x32xf32>
    %mul3A_15 = arith.mulf %add3A, %mul3A : vector<5000x32xf32>
    %max3A = arith.constant 0.000000e+00 : f32
    %max3A_16 = vector.broadcast %max3A : f32 to vector<5000x32xf32>
    %max3A_17 = arith.maximumf %mul3A_15, %max3A_16 : vector<5000x32xf32>
    %get3A_18 = arith.constant 0 : index
    %get3A_19 = arith.constant 0 : index
    %get3A_20 = vector.load %arg4[%get3A_18, %get3A_19] : memref<32x16xf32, #tpu.memory_space<vmem>>, vector<32x16xf32>
    %dot_general3A = arith.constant dense<0.000000e+00> : vector<5000x16xf32>
    %dot_general3A_21 = tpu.matmul %max3A_17, %get3A_20, %dot_general3A {dimension_numbers = #tpu.dot_dimension_numbers<[1], [0], [0], [1], [0, 0, 1, 1], [], []>, transpose_lhs_hint = false} : vector<5000x32xf32>, vector<32x16xf32>, vector<5000x16xf32> -> vector<5000x16xf32>
    %mul3A_22 = vector.broadcast %get3A_4 : vector<5000x1xf32> to vector<5000x16xf32>
    %mul3A_23 = arith.mulf %dot_general3A_21, %mul3A_22 : vector<5000x16xf32>
    %swap3A = arith.constant 0 : index
    %swap3A_24 = arith.constant 0 : index
    %swap3A_25 = vector.load %arg5[%swap3A, %swap3A_24] : memref<5000x16xf32, #tpu.memory_space<vmem>>, vector<5000x16xf32>
    tpu.vector_store %arg5[%swap3A, %swap3A_24], %mul3A_23 {strides = array<i32>} : memref<5000x16xf32, #tpu.memory_space<vmem>>, vector<5000x16xf32>,
    return
  }
  func.func @transform_0(%arg0: i32) -> (i32, i32, i32) {
    %c0_i32 = arith.constant 0 : i32
    %c0_i32_0 = arith.constant 0 : i32
    %c0_i32_1 = arith.constant 0 : i32
    return %c0_i32, %arg0, %c0_i32_0 : i32, i32, i32
  }
  func.func @transform_1(%arg0: i32) -> (i32, i32, i32) {
    %c1_i32 = arith.constant 1 : i32
    %c0_i32 = arith.constant 0 : i32
    %c0_i32_0 = arith.constant 0 : i32
    return %c1_i32, %arg0, %c0_i32 : i32, i32, i32
  }
  func.func @transform_2(%arg0: i32) -> (i32, i32) {
    %c0_i32 = arith.constant 0 : i32
    %c0_i32_0 = arith.constant 0 : i32
    return %arg0, %c0_i32 : i32, i32
  }
  func.func @transform_3(%arg0: i32) -> (i32, i32) {
    %c0_i32 = arith.constant 0 : i32
    %c0_i32_0 = arith.constant 0 : i32
    %c0_i32_1 = arith.constant 0 : i32
    return %c0_i32, %c0_i32_0 : i32, i32
  }
  func.func @transform_4(%arg0: i32) -> (i32, i32) {
    %c0_i32 = arith.constant 0 : i32
    %c0_i32_0 = arith.constant 0 : i32
    return %arg0, %c0_i32 : i32, i32
  }
}

module attributes {stable_mosaic.version = 14 : i64} {
  func.func @body(%arg0: i32, %arg1: memref<2x1000x16xf32, #tpu.memory_space<vmem>>, %arg2: memref<1000x8xf32, #tpu.memory_space<vmem>>, %arg3: memref<2x200x1000xf32, #tpu.memory_space<vmem>>) attributes {dimension_semantics = [#tpu.dimension_semantics<arbitrary>], iteration_bounds = array<i64: 5>, scalar_prefetch = 0 : i64, scratch_operands = 0 : i64, tpu.core_type = #tpu.core_type<tc>, window_params = [{pipeline_mode = #tpu.pipeline_mode<synchronous>, transform_indices = @transform_0, window_bounds = array<i64: 2, 1000, 16>}, {pipeline_mode = #tpu.pipeline_mode<synchronous>, transform_indices = @transform_1, window_bounds = array<i64: 1000, 8>}, {transform_indices = @transform_2, window_bounds = array<i64: 2, 200, 1000>}]} {
    %get3A = arith.constant 0 : index
    %get3A_0 = arith.constant 1 : index
    %get3A_1 = vector.load %arg2[%get3A, %get3A_0] : memref<1000x8xf32, #tpu.memory_space<vmem>>, vector<1000x1xf32>
    %get3A_2 = arith.constant 0 : index
    %get3A_3 = arith.constant 0 : index
    %get3A_4 = arith.constant 0 : index
    %get3A_5 = vector.load %arg1[%get3A_2, %get3A_3, %get3A_4] : memref<2x1000x16xf32, #tpu.memory_space<vmem>>, vector<1x1000x16xf32>
    %get3A_6 = vector.shape_cast %get3A_5 : vector<1x1000x16xf32> to vector<1000x16xf32>
    %get3A_7 = arith.constant 1 : index
    %get3A_8 = arith.constant 0 : index
    %get3A_9 = arith.constant 0 : index
    %get3A_10 = vector.load %arg1[%get3A_7, %get3A_8, %get3A_9] : memref<2x1000x16xf32, #tpu.memory_space<vmem>>, vector<1x1000x16xf32>
    %get3A_11 = vector.shape_cast %get3A_10 : vector<1x1000x16xf32> to vector<1000x16xf32>
    %add3A = arith.addf %get3A_6, %get3A_11 : vector<1000x16xf32>
    %mul3A = vector.broadcast %get3A_1 : vector<1000x1xf32> to vector<1000x16xf32>
    %mul3A_12 = arith.mulf %add3A, %mul3A : vector<1000x16xf32>
    %mul3A_13 = arith.constant 200 : i32
    %mul3A_14 = arith.muli %arg0, %mul3A_13 : i32
    %get3A_15 = arith.constant 0 : index
    %get3A_16 = arith.index_cast %mul3A_14 : i32 to index
    %get3A_17 = arith.constant 0 : index
    %get3A_18 = vector.load %arg1[%get3A_15, %get3A_16, %get3A_17] : memref<2x1000x16xf32, #tpu.memory_space<vmem>>, vector<1x200x16xf32>
    %get3A_19 = vector.shape_cast %get3A_18 : vector<1x200x16xf32> to vector<200x16xf32>
    %mul3A_20 = arith.constant 200 : i32
    %mul3A_21 = arith.muli %arg0, %mul3A_20 : i32
    %get3A_22 = arith.constant 1 : index
    %get3A_23 = arith.index_cast %mul3A_21 : i32 to index
    %get3A_24 = arith.constant 0 : index
    %get3A_25 = vector.load %arg1[%get3A_22, %get3A_23, %get3A_24] : memref<2x1000x16xf32, #tpu.memory_space<vmem>>, vector<1x200x16xf32>
    %get3A_26 = vector.shape_cast %get3A_25 : vector<1x200x16xf32> to vector<200x16xf32>
    %add3A_27 = arith.addf %get3A_19, %get3A_26 : vector<200x16xf32>
    %mul3A_28 = arith.constant 200 : i32
    %mul3A_29 = arith.muli %arg0, %mul3A_28 : i32
    %get3A_30 = arith.index_cast %mul3A_29 : i32 to index
    %get3A_31 = arith.constant 1 : index
    %get3A_32 = vector.load %arg2[%get3A_30, %get3A_31] : memref<1000x8xf32, #tpu.memory_space<vmem>>, vector<200x1xf32>
    %mul3A_33 = vector.broadcast %get3A_32 : vector<200x1xf32> to vector<200x16xf32>
    %mul3A_34 = arith.mulf %add3A_27, %mul3A_33 : vector<200x16xf32>
    %dot_general3A = arith.constant dense<0.000000e+00> : vector<200x1000xf32>
    %dot_general3A_35 = tpu.matmul %mul3A_34, %mul3A_12, %dot_general3A {dimension_numbers = #tpu.dot_dimension_numbers<[1], [1], [0], [0], [0, 0, 1, 0], [], []>, transpose_lhs_hint = false} : vector<200x16xf32>, vector<1000x16xf32>, vector<200x1000xf32> -> vector<200x1000xf32>
    %mul3A_36 = arith.mulf %mul3A_12, %mul3A_12 : vector<1000x16xf32>
    %broadcast_in_dim3A = arith.constant 1.000000e+00 : f32
    %broadcast_in_dim3A_37 = vector.broadcast %broadcast_in_dim3A : f32 to vector<1x16xf32>
    %dot_general3A_38 = arith.constant dense<0.000000e+00> : vector<1x1000xf32>
    %dot_general3A_39 = tpu.matmul %broadcast_in_dim3A_37, %mul3A_36, %dot_general3A_38 {dimension_numbers = #tpu.dot_dimension_numbers<[1], [1], [0], [0], [0, 0, 1, 0], [], []>, transpose_lhs_hint = false} : vector<1x16xf32>, vector<1000x16xf32>, vector<1x1000xf32> -> vector<1x1000xf32>
    %mul3A_40 = arith.mulf %mul3A_34, %mul3A_34 : vector<200x16xf32>
    %reduce_sum3A = arith.constant dense<0.000000e+00> : vector<200xf32>
    %reduce_sum3A_41 = vector.multi_reduction <add>, %mul3A_40, %reduce_sum3A [1] : vector<200x16xf32> to vector<200xf32>
    %broadcast_in_dim3A_42 = vector.shape_cast %reduce_sum3A_41 : vector<200xf32> to vector<200x1xf32>
    %add3A_43 = vector.broadcast %broadcast_in_dim3A_42 : vector<200x1xf32> to vector<200x1000xf32>
    %add3A_44 = vector.broadcast %dot_general3A_39 : vector<1x1000xf32> to vector<200x1000xf32>
    %add3A_45 = arith.addf %add3A_43, %add3A_44 : vector<200x1000xf32>
    %mul3A_46 = arith.constant 2.000000e+00 : f32
    %mul3A_47 = vector.broadcast %mul3A_46 : f32 to vector<200x1000xf32>
    %mul3A_48 = arith.mulf %mul3A_47, %dot_general3A_35 : vector<200x1000xf32>
    %sub3A = arith.subf %add3A_45, %mul3A_48 : vector<200x1000xf32>
    %max3A = arith.constant 0.000000e+00 : f32
    %max3A_49 = vector.broadcast %max3A : f32 to vector<200x1000xf32>
    %max3A_50 = arith.maximumf %sub3A, %max3A_49 : vector<200x1000xf32>
    %swap3A = arith.constant 0 : index
    %swap3A_51 = arith.constant 0 : index
    %swap3A_52 = arith.constant 0 : index
    %swap3A_53 = vector.load %arg3[%swap3A, %swap3A_51, %swap3A_52] : memref<2x200x1000xf32, #tpu.memory_space<vmem>>, vector<1x200x1000xf32>
    %swap3A_54 = vector.shape_cast %swap3A_53 : vector<1x200x1000xf32> to vector<200x1000xf32>
    %swap3A_55 = vector.shape_cast %dot_general3A_35 : vector<200x1000xf32> to vector<1x200x1000xf32>
    tpu.vector_store %arg3[%swap3A, %swap3A_51, %swap3A_52], %swap3A_55 {strides = array<i32>} : memref<2x200x1000xf32, #tpu.memory_space<vmem>>, vector<1x200x1000xf32>,
    %add3A_56 = arith.constant 9.99999996E-13 : f32
    %add3A_57 = vector.broadcast %add3A_56 : f32 to vector<200x1000xf32>
    %add3A_58 = arith.addf %max3A_50, %add3A_57 : vector<200x1000xf32>
    %sqrt3A = math.sqrt %add3A_58 : vector<200x1000xf32>
    %swap3A_59 = arith.constant 1 : index
    %swap3A_60 = arith.constant 0 : index
    %swap3A_61 = arith.constant 0 : index
    %swap3A_62 = vector.load %arg3[%swap3A_59, %swap3A_60, %swap3A_61] : memref<2x200x1000xf32, #tpu.memory_space<vmem>>, vector<1x200x1000xf32>
    %swap3A_63 = vector.shape_cast %swap3A_62 : vector<1x200x1000xf32> to vector<200x1000xf32>
    %swap3A_64 = vector.shape_cast %sqrt3A : vector<200x1000xf32> to vector<1x200x1000xf32>
    tpu.vector_store %arg3[%swap3A_59, %swap3A_60, %swap3A_61], %swap3A_64 {strides = array<i32>} : memref<2x200x1000xf32, #tpu.memory_space<vmem>>, vector<1x200x1000xf32>,
    return
  }
  func.func @transform_0(%arg0: i32) -> (i32, i32, i32) {
    %c0_i32 = arith.constant 0 : i32
    %c0_i32_0 = arith.constant 0 : i32
    %c0_i32_1 = arith.constant 0 : i32
    %c0_i32_2 = arith.constant 0 : i32
    return %c0_i32, %c0_i32_0, %c0_i32_1 : i32, i32, i32
  }
  func.func @transform_1(%arg0: i32) -> (i32, i32) {
    %c0_i32 = arith.constant 0 : i32
    %c0_i32_0 = arith.constant 0 : i32
    %c0_i32_1 = arith.constant 0 : i32
    return %c0_i32, %c0_i32_0 : i32, i32
  }
  func.func @transform_2(%arg0: i32) -> (i32, i32, i32) {
    %c0_i32 = arith.constant 0 : i32
    %c0_i32_0 = arith.constant 0 : i32
    %c0_i32_1 = arith.constant 0 : i32
    return %c0_i32, %arg0, %c0_i32_0 : i32, i32, i32
  }
}

</mosaic_0001>

<sc_bundles>
// kernel: kernel.12.cloned.1.call-start
scs
__scs_entry_jumppad:
0x0: {  	(pc) =	sbr.rel $0x88, $3  }
0x1: {  	(tag) =	ssettag $0x0;
	lr =	simm.s32 $0x1  }
0x2: {  	[smem:$0x3F9C] =	sst lr;
	_ =	strace $0xD0000000  }
0x3: {  	_ = 	snop  }
0x4: {  	_ = 	snop  }
0x5: {  	_ = 	snop  }
0x6: {  	_ = 	snop  }
0x7: {  	_ = 	snop  }
__scs_overlays_trampoline_lowered:
0x8: {  	[smem:$0x3FAB] =	sst s0  }
0x9: {  	[smem:$0x3FAC] =	sst s1  }
0xa: {  	[smem:$0x3FAD] =	sst s2  }
0xb: {  	[smem:$0x3FAE] =	sst s3  }
0xc: {  	[smem:$0x3FAF] =	sst s4  }
0xd: {  	[smem:$0x3FB0] =	sst s5  }
0xe: {  	[smem:$0x3FB1] =	sst s6  }
0xf: {  	[smem:$0x3FB2] =	sst s7  }
0x10: {  	[smem:$0x3FB3] =	sst s8  }
0x11: {  	[smem:$0x3FB4] =	sst s9;
	s0 =	simm.s32 @!p0 $0x0  }
0x12: {  	s1 =	sld [smem:$0x3F9A];
	s0 =	simm.s32 @p0 $0x1  }
0x13: {  	[smem:$0x3FB5] =	sst s0;
	s0 =	simm.s32 @!p1 $0x0  }
0x14: {  	s2 =	sld [smem:$0x3F99];
	s0 =	simm.s32 @p1 $0x1  }
0x15: {  	[smem:$0x3FB6] =	sst s0;
	s0 =	simm.s32 @!p2 $0x0  }
0x16: {  	s3 =	sld [smem:$0x3FDB];
	s0 =	simm.s32 @p2 $0x1  }
0x17: {  	s4 =	simm.s32 $0x1BF5;
	[smem:$0x3FB8] =	sst s0  }
0x18: {  	s0 =	sld [smem:$0x3F9B];
	_ =	swait.ge [sflag:s4], $0x0  }
0x19: {  	s7 =	sld [smem:$0x3F9C]  }
0x1a: {  	s8 =	sadd.s32 $0xFFFFE003, lr  }
0x1b: {  	s9 =	sadd.s32 $0xFFFFFEF7, lr;
	s5 =	simm.s32 $0xFFFFFFFF;
	p2 =	slt.u32 s8, $0xFFFFF086  }
0x1c: {  	p1 =	slt.u32 s9, $0xF7A;
	s5 =	simm.s32 @!p2 $0x0  }
0x1d: {  	s5 =	simm.s32 @p1 $0x1;
	p0 =	seq.s32 s7, s2  }
0x1e: {  	s7 =	smul.u32 @!p0 $0xF7A, s2;
	p2 =	seq.s32 @!p0 s5, $0x0  }
0x1f: {  	s9 =	smul.u32 $0xF7A, s1;
	s8 =	simm.s32 @!p0 $0x1BF5;
	p2 =	por !p2, p0  }
0x20: {  	[sflag:s8] =	ssyncset.s32 @!p0 $0xFFFFF086;
	s6 =	sadd.s32 @!p0 s3, s7;
	s7 =	simm.s32 @!p0 $0x108  }
0x21: {  	s3 =	sadd.s32 s3, s9;
	s6 =	sadd.s32 @!p0 $0x88, s6;
	s7 =	simm.s32 @p2 $0x1082  }
0x22: {  	[simem:s7], [sflag:s8] =	dma.local @!p0 [hbm:s6], $0xF7A  }
0x23: {  	s9 =	sor.u32 $0xD0000000, s2;
	s6 =	simm.s32 $0x108;
	_ =	swait.ge @!p0 [sflag:s8], $0x0  }
0x24: {  	s3 =	sadd.s32 $0x88, s3;
	s6 =	simm.s32 @!p1 $0x1082;
	[sflag:s4] =	ssyncset.s32 $0xFFFFF086  }
0x25: {  	[simem:s6], [sflag:s4] =	dma.local [hbm:s3], $0xF7A  }
0x26: {  	[smem:$0x3F9C] =	sst s1;
	(tag) =	ssettag s2;
	_ =	strace s9  }
0x27: {  	s1 =	sld [smem:$0x3FAC]  }
0x28: {  	s2 =	sld [smem:$0x3FAD]  }
0x29: {  	s4 =	sld [smem:$0x3FAF]  }
0x2a: {  	p0 =	seq.s32 s5, $0x0;
	s5 =	sld [smem:$0x3FB0]  }
0x2b: {  	s6 =	sld [smem:$0x3FB1]  }
0x2c: {  	s7 =	sld [smem:$0x3FB2]  }
0x2d: {  	s3 =	simm.s32 $0x108;
	s8 =	sld [smem:$0x3FB3]  }
0x2e: {  	s3 =	simm.s32 @!p0 $0x1082;
	s9 =	sld [smem:$0x3FB4]  }
0x2f: {  	lr =	sadd.s32 s0, s3;
	s0 =	sld [smem:$0x3FAB]  }
0x30: {  	s3 =	sld [smem:$0x3FAE]  }
0x31: {  	[smem:$0x3FB7] =	sst s10  }
0x32: {  	s10 =	sld [smem:$0x3FB5];
	_ =	sdelay $0x3  }
0x33: {  	p0 =	seq.s32 s10, $0x1;
	s10 =	sld [smem:$0x3FB7];
	_ =	sdelay $0x3  }
0x34: {  	[smem:$0x3FB7] =	sst s10  }
0x35: {  	s10 =	sld [smem:$0x3FB6];
	_ =	sdelay $0x3  }
0x36: {  	p1 =	seq.s32 s10, $0x1;
	s10 =	sld [smem:$0x3FB7];
	_ =	sdelay $0x3  }
0x37: {  	[smem:$0x3FB7] =	sst s10  }
0x38: {  	s10 =	sld [smem:$0x3FB8]  }
0x39: {  	_ = 	snop;
	(pc) =	sbr.ind lr, $3  }
0x3a: {  	_ = 	snop  }
0x3b: {  	_ = 	snop  }
0x3c: {  	p2 =	seq.s32 s10, $0x1;
	s10 =	sld [smem:$0x3FB7]  }
0x3d: {  	_ =	shalt  }
0x3e: {  	_ =	shalt  }
0x3f: {  	_ =	shalt  }
0x40: {  	_ =	shalt  }
0x41: {  	_ =	shalt  }
0x42: {  	_ =	shalt  }
0x43: {  	_ =	shalt  }
0x44: {  	_ =	shalt  }
0x45: {  	_ =	shalt  }
0x46: {  	_ =	shalt  }
0x47: {  	_ =	shalt  }
0x48: {  	_ =	shalt  }
0x49: {  	_ =	shalt  }
0x4a: {  	_ =	shalt  }
0x4b: {  	_ =	shalt  }
0x4c: {  	_ =	shalt  }
0x4d: {  	_ =	shalt  }
0x4e: {  	_ =	shalt  }
0x4f: {  	_ =	shalt  }
0x50: {  	_ =	shalt  }
0x51: {  	_ =	shalt  }
0x52: {  	_ =	shalt  }
0x53: {  	_ =	shalt  }
0x54: {  	_ =	shalt  }
0x55: {  	_ =	shalt  }
0x56: {  	_ =	shalt  }
0x57: {  	_ =	shalt  }
0x58: {  	_ =	shalt  }
0x59: {  	_ =	shalt  }
0x5a: {  	_ =	shalt  }
0x5b: {  	_ =	shalt  }
0x5c: {  	_ =	shalt  }
0x5d: {  	_ =	shalt  }
0x5e: {  	_ =	shalt  }
0x5f: {  	_ =	shalt  }
0x60: {  	_ =	shalt  }
0x61: {  	_ =	shalt  }
0x62: {  	_ =	shalt  }
0x63: {  	_ =	shalt  }
0x64: {  	_ =	shalt  }
0x65: {  	_ =	shalt  }
0x66: {  	_ =	shalt  }
0x67: {  	_ =	shalt  }
0x68: {  	_ =	shalt  }
0x69: {  	_ =	shalt  }
0x6a: {  	_ =	shalt  }
0x6b: {  	_ =	shalt  }
0x6c: {  	_ =	shalt  }
0x6d: {  	_ =	shalt  }
0x6e: {  	_ =	shalt  }
0x6f: {  	_ =	shalt  }
0x70: {  	_ =	shalt  }
0x71: {  	_ =	shalt  }
0x72: {  	_ =	shalt  }
0x73: {  	_ =	shalt  }
0x74: {  	_ =	shalt  }
0x75: {  	_ =	shalt  }
0x76: {  	_ =	shalt  }
0x77: {  	_ =	shalt  }
0x78: {  	_ =	shalt  }
0x79: {  	_ =	shalt  }
0x7a: {  	_ =	shalt  }
0x7b: {  	_ =	shalt  }
0x7c: {  	_ =	shalt  }
0x7d: {  	_ =	shalt  }
0x7e: {  	_ =	shalt  }
0x7f: {  	_ =	shalt  }
0x80: {  	_ =	shalt  }
0x81: {  	_ =	shalt  }
0x82: {  	_ =	shalt  }
0x83: {  	_ =	shalt  }
0x84: {  	_ =	shalt  }
0x85: {  	_ =	shalt  }
0x86: {  	_ =	shalt  }
0x87: {  	_ =	shalt  }
.Lfunc_end0:
.L_simem_size_0:
called_computation.1_lowered:
.L_overlay_start_0:
0x88: {  	s2 =	sld [smem:$0x3FD9]  }
0x89: {  	s3 =	sld [smem:$0x3FFE];
	_ =	sdelay $0x1  }
0x8a: {  	s1 =	srdreg.scid  }
0x8b: {  	s0 =	sand.u32 $0x1, s1  }
0x8c: {  	s17 =	sshll.u32 s0, $0xA;
	s2 =	sadd.s32 s3, s2  }
0x8d: {  	s2 =	sadd.s32 s2, s17  }
0x8e: {  	[smem:$0x3FC3] =	sst s2  }
0x8f: {  	_ = 	snop  }
0x90: {  	s2 =	sld [smem:$0x3FD0];
	(tm) =	ssettm $0x1  }
0x91: {  	s18 =	sld [smem:$0x3FFB];
	_ =	sdelay $0x3  }
0x92: {  	_ =	strace s18  }
0x93: {  	s3 =	sld [smem:$0x3FFC];
	_ =	sdelay $0x3  }
0x94: {  	_ =	strace s3  }
0x95: {  	s3 =	sld [smem:$0x3FFD];
	_ =	sdelay $0x3  }
0x96: {  	_ =	strace s3  }
0x97: {  	_ =	strace $0x8FFFFFFF  }
0x98: {  	s19 =	sld [smem:$0x3FDB];
	_ =	sdelay $0x1  }
0x99: {  	s4 =	simm.s32 $_scs_section_size  }
0x9a: {  	s5 =	simm.s32 $_size__tile_overlayer_lowered;
	s6 =	simm.s32 $_tile_overlayer_lowered  }
0x9b: {  	s22 =	simm.s32 $0x1BFF;
	s21 =	sshll.u32 s6, $0x1;
	s3 =	sadd.s32 s4, s19  }
0x9c: {  	s7 =	simm.s32 $0x0;
	s20 =	sshll.u32 s5, $0x1;
	s5 =	sadd.s32 s21, s3  }
0x9d: {  	[timem:s7], [sflag:s22] =	dma.local [hbm:s5], s20  }
0x9e: {  	_ =	swait.ge [sflag:s22], s20  }
0x9f: {  	s4 =	ssub.s32 $0x0, s20;
	[sflag:s22] =	ssyncset.done $0x0  }
0xa0: {  	[sflag:s22] =	ssyncadd.s32 s4;
	_ =	sdelay $0x1  }
0xa1: {  	s23 =	simm.s32 $0x1B8B  }
0xa2: {  	_ =	swait.ge [sflag:s23], $0x1  }
0xa3: {  	[sflag:s23] =	ssyncset.done $0x0  }
0xa4: {  	s25 =	simm.s32 $0x1B8E;
	s24 =	sld [smem:$0x3FFE];
	[sflag:s23] =	ssyncadd.s32 $0xFFFFFFFF  }
0xa5: {  	s26 =	simm.s32 $execute0_lowered;
	[smem:$0x3FD2] =	sst s25  }
0xa6: {  	s5 =	sshll.u32 s26, $0x1;
	_ =	strace $0x80000049;
	[dreg:$0x1] =	wrdreg $0xFFFFFFFF  }
0xa7: {  	s28 =	simm.s32 $_size_execute0_lowered;
	s3 =	sadd.s32 s3, s5;
	[dreg:$0x0] =	wrdreg $0x0  }
0xa8: {  	s5 =	sshll.u32 s28, $0x1;
	[dreg:$0x2] =	wrdreg s3  }
0xa9: {  	[dreg:$0x3] =	wrdreg s5  }
0xaa: {  	[dreg:$0x4] =	wrdreg $0xC0  }
0xab: {  	_ =	task [dreg:s7], $0x5FFFF  }
0xac: {  	[dreg:$0x1] =	wrdreg $0xFFFFFFFF  }
0xad: {  	[dreg:$0x0] =	wrdreg $0x60  }
0xae: {  	[dreg:$0x2] =	wrdreg s24  }
0xaf: {  	[dreg:$0x3] =	wrdreg s2  }
0xb0: {  	[dreg:$0x4] =	wrdreg $0xB0000  }
0xb1: {  	[dreg:$0x5] =	wrdreg $0x9  }
0xb2: {  	_ =	task.clear_ibuf [dreg:s7], $0x6FFFF;
	_ =	strace $0x90000049  }
0xb3: {  	s29 =	simm.s32 $0x9;
	_ =	strace $0x8000004B  }
0xb4: {  	_ =	swait.ge [sflag:s29], $0x1  }
0xb5: {  	[sflag:s29] =	ssyncadd.s32 $0xFFFFFFFF  }
0xb6: {  	_ =	strace $0x9000004B  }
0xb7: {  	_ =	sfence  }
0xb8: {  	s30 =	sld [smem:$0x0];
	_ =	sdelay $0x2  }
0xb9: {  	s31 =	sshll.u32 s1, $0xD;
	s1 =	sshrl.u32 s1, $0x2  }
0xba: {  	s3 =	sand.u32 $0x4000, s31;
	s1 =	sadd.s32 s1, s30  }
0xbb: {  	s0 =	sor.u32 s3, s0;
	s1 =	sshll.u32 s1, $0x11  }
0xbc: {  	s0 =	sor.u32 s1, s0  }
0xbd: {  	s0 =	sadd.s32 $0x8F2B, s0  }
0xbe: {  	[sflag:s0] =	ssyncadd.remote.s32 $0x1  }
0xbf: {  	_ =	sfence.sel $0xFFFF  }
0xc0: {  	[dreg:$0x0] =	wrdreg $0xFFFFFFFF;
	(pc) =	sbr.abs _section_cstart, $3  }
0xc1: {  	[dreg:$0x1] =	wrdreg $0xFFFFFFFF  }
0xc2: {  	_ =	task.clear_ibuf [dreg:s7], $0x2FFFF;
	_ =	strace $0x9FFFFFFF  }
0xc3: {  	(tm) =	ssettm $0x7FFFFFFF  }
tec
execute0_lowered:
.L_overlay_start_1:
0x0: {  	(tag) =	ssettag $0x1  }
0x1: {  	s0 =	rddreg [dreg:$0x0]  }
0x2: {  	s2 =	rddreg [dreg:$0x1]  }
0x3: {  	s1 =	rddreg [dreg:$0x2]  }
0x4: {  	s4 =	srdreg.scid;
	s3 =	simm.s32 $0x0;
	s12 =	stileid.u32  }
0x5: {  	s15 =	simm.s32 $0x1;
	s16 =	simm.s32 $0x2;
	s17 =	simm.s32 $0x5000  }
0x6: {  	s18 =	simm.s32 $0x7;
	s19 =	simm.s32 $0x100;
	s20 =	simm.s32 $0x7000  }
0x7: {  	s22 =	simm.s32 $0x9000;
	s28 =	simm.s32 $0x2900;
	s29 =	simm.s32 $0x5  }
0x8: {  	s30 =	simm.s32 $0x400;
	s31 =	simm.s32 $0x6;
	s5 =	sand.u32 $0x1, s4  }
0x9: {  	[smem:$0x7FF] =	sst s3;
	s7 =	sadd.s32 $0xBC00, s0;
	s9 =	smul.u32 $0x5000, s12  }
0xa: {  	s11 =	sshll.u32 s12, $0x5;
	s4 =	sshll.u32 s5, $0x4;
	_ =	strace $0x8000004A  }
0xb: {  	s8 =	ssub.s32 $0x2, s5;
	s23 =	sor.u32 $0x9C00, s11;
	s24 =	smul.u32 $0x50000, s5  }
0xc: {  	s14 =	sor.u32 s12, s4;
	s4 =	sadd.s32 $0x15A00, s0;
	s12 =	smul.u32 $0x14000, s12  }
0xd: {  	s0 =	sadd.s32 $0x1E00, s0;
	s10 =	sshrl.u32 s8, $0x1;
	s6 =	smul.u32 $0x4E0, s14  }
0xe: {  	s13 =	ssub.s32 s8, s10;
	s8 =	sadd.s32 s0, s23;
	s10 =	sadd.s32 s9, s24  }
0xf: {  	s9 =	sadd.s32 s9, s1;
	p0 =	sgt.u32 s14, $0x1;
	s14 =	simm.s32 $0x2700  }
.Ltmp0:
0x10: {  	s24 =	simm.s32 $0x4;
	s25 =	sshrl.u32 s12, $0x2;
	(pc) =	sbr.rel .LBB2_1-.Ltmp0, $4  }
0x11: {  	s26 =	sshrl.u32 s10, $0x3;
	s13 =	smax.u32 s13, $0x1;
	s5 =	sadd.s32 s7, s6  }
0x12: {  	s6 =	sadd.s32 s0, s6;
	s7 =	sadd.s32 s7, s23;
	s0 =	sadd.s32 s25, s1  }
0x13: {  	s12 =	sadd.s32 s2, s26;
	s26 =	simm.s32 $0x3;
	s2 =	simm.s32 $0x0  }
0x14: {  	v0 =	vimm.f32 $0.0e+00;
	s10 =	sadd.s32 $0x2000, s0;
	s11 =	sadd.s32 $0x4000, s0;
	s0 =	simm.s32 $0x4D00  }
.LBB2_6:
0x15: {  	_ =	swait.ge [sflag:s26], $0x2000  }
0x16: {  	[sflag:s26] =	ssyncset.done $0x0  }
0x17: {  	[sflag:s26] =	ssyncadd.s32 $0xFFFFE000  }
0x18: {  	[spmem:s1] =	stream.indirect.scatter.add.f32 [tilespmem:s22], [sflag:$0x6], $0x20, s0, s19, $0xb8;
	[tilespmem:$0x10000] =	vst v63  }
0x19: {  	_ =	swait.ge [sflag:s24], $0x2000  }
0x1a: {  	[sflag:s24] =	ssyncset.done $0x0  }
0x1b: {  	[sflag:s24] =	ssyncadd.s32 $0xFFFFE000  }
0x1c: {  	_ =	swait.ge [sflag:s29], $0x2000  }
0x1d: {  	[sflag:s29] =	ssyncset.done $0x0  }
0x1e: {  	[sflag:s29] =	ssyncadd.s32 $0xFFFFE000  }
0x1f: {  	_ =	swait.ge [sflag:s31], $0x2000  }
0x20: {  	s21 =	simm.s32 @!p0 $0x100;
	[sflag:s31] =	ssyncset.done $0x0  }
0x21: {  	s23 =	simm.s32 @!p0 $0x4E00;
	s25 =	simm.s32 @!p0 $0x5000;
	[sflag:s31] =	ssyncadd.s32 $0xFFFFE000  }
0x22: {  	[tilespmem:s25], [sflag:$0x1] =	stream.indirect.gather @!p0 [hbm4b:s4+s21], $0x20, s23, s21, $0xb8;
	[tilespmem:$0x10000] =	vst v63  }
0x23: {  	s23 =	simm.s32 @!p0 $0x1  }
0x24: {  	_ =	swait.ge @!p0 [sflag:s23], $0x2000  }
0x25: {  	[sflag:s23] =	ssyncset.done @!p0 $0x0  }
0x26: {  	[sflag:s23] =	ssyncadd.s32 @!p0 $0xFFFFE000;
	s23 =	simm.s32 @!p0 $0x4F00  }
0x27: {  	[spmem:s1] =	stream.indirect.scatter.add.f32 @!p0 [tilespmem:s25], [sflag:$0x7], $0x20, s23, s21, $0xb8;
	[tilespmem:$0x10000] =	vst v63  }
0x28: {  	s21 =	simm.s32 @!p0 $0x7  }
0x29: {  	s2 =	sadd.s32 $0x1, s2;
	_ =	swait.ge @!p0 [sflag:s21], $0x2000  }
0x2a: {  	p1 =	sne.s32 s2, s13;
	s23 =	stileid.u32;
	[sflag:s21] =	ssyncset.done @!p0 $0x0  }
0x2b: {  	s25 =	sshrl.u32 s9, $0x3;
	[sflag:s21] =	ssyncadd.s32 @!p0 $0xFFFFE000;
	s21 =	sshll.u32 s23, $0x6  }
.Ltmp1:
0x2c: {  	[bflag:$0x0] =	sbarrier.arrive $0xFFFF;
	s21 =	sor.u32 $0x1C07, s21;
	(pc) =	sbr.rel @!p1 .LBB2_7-.Ltmp1, $4  }
0x2d: {  	[hbm:s12], [sflag:s21] =	dma.local [spmem:s25], $0xA00  }
0x2e: {  	_ =	swait.ge [sflag:s18], $0xA00  }
0x2f: {  	[sflag:s18] =	ssyncset.done $0x0  }
0x30: {  	[sflag:s18] =	ssyncadd.s32 $0xFFFFF600  }
.LBB2_1:
0x31: {  	[tilespmem:s3], [sflag:$0x1] =	stream.linear.gather [hbm4b:s5+s3], $0x2700, $0x38;
	[tilespmem:$0x10000] =	vst v63  }
0x32: {  	_ = 	snop  }
0x33: {  	[tilespmem:s14], [sflag:$0x2] =	stream.linear.gather [hbm4b:s6+s3], $0x2700, $0x38;
	[tilespmem:$0x10000] =	vst v63  }
0x34: {  	s21 =	simm.s32 @!p0 $0x0;
	s23 =	simm.s32 @!p0 $0x4E00  }
0x35: {  	[tilespmem:s23], [sflag:$0x7] =	stream.linear.gather @!p0 [hbm4b:s7+s21], $0x100, $0x38;
	[tilespmem:$0x10000] =	vst v63  }
0x36: {  	s23 =	simm.s32 @!p0 $0x7  }
0x37: {  	_ =	swait.ge @!p0 [sflag:s23], $0x100  }
0x38: {  	[sflag:s23] =	ssyncset.done @!p0 $0x0  }
0x39: {  	s25 =	simm.s32 @!p0 $0x4F00;
	[sflag:s23] =	ssyncadd.s32 @!p0 $0xFFFFFF00  }
0x3a: {  	[tilespmem:s25], [sflag:$0x7] =	stream.linear.gather @!p0 [hbm4b:s8+s21], $0x100, $0x38;
	[tilespmem:$0x10000] =	vst v63  }
0x3b: {  	_ =	swait.ge @!p0 [sflag:s23], $0x100  }
0x3c: {  	[sflag:s23] =	ssyncset.done @!p0 $0x0  }
0x3d: {  	[sflag:s23] =	ssyncadd.s32 @!p0 $0xFFFFFF00  }
0x3e: {  	_ =	swait.ge [sflag:s15], $0x2700  }
0x3f: {  	[sflag:s15] =	ssyncset.done $0x0  }
0x40: {  	[sflag:s15] =	ssyncadd.s32 $0xFFFFD900  }
0x41: {  	_ =	swait.ge [sflag:s16], $0x2700  }
0x42: {  	[sflag:s16] =	ssyncset.done $0x0  }
0x43: {  	s21 =	simm.s32 $0x80;
	s23 =	simm.s32 $0x0;
	[sflag:s16] =	ssyncadd.s32 $0xFFFFD900  }
.LBB2_2:
0x44: {  	p1 =	sne.s32 s21, $0x7F80;
	[tilespmem:s23+$0x5000] =	vst v0;
	s25 =	smov.u32 s21;
	s21 =	sadd.s32 $0x80, s21  }
.Ltmp2:
0x45: {  	[tilespmem:s23+$0x5010] =	vst v0;
	(pc) =	sbr.rel @p1 .LBB2_2-.Ltmp2, $2  }
0x46: {  	_ =	sdelay $0x2  }
0x47: {  	s23 =	sshra.s32 s25, $0x2  }
0x48: {  	[tilespmem:s23+$0x5000] =	vst v0  }
0x49: {  	[tilespmem:s23+$0x5010] =	vst v0  }
0x4a: {  	[spmem:s9] =	stream.linear.scatter [tilespmem:s17], [sflag:$0x7], $0x2000, $0x38;
	[tilespmem:$0x10000] =	vst v63  }
0x4b: {  	_ =	swait.ge [sflag:s18], $0x2000  }
0x4c: {  	[sflag:s18] =	ssyncset.done $0x0  }
0x4d: {  	[sflag:s18] =	ssyncadd.s32 $0xFFFFE000  }
0x4e: {  	[spmem:s10] =	stream.linear.scatter [tilespmem:s17], [sflag:$0x7], $0x2000, $0x38;
	[tilespmem:$0x10000] =	vst v63  }
0x4f: {  	_ =	swait.ge [sflag:s18], $0x2000  }
0x50: {  	[sflag:s18] =	ssyncset.done $0x0  }
0x51: {  	[sflag:s18] =	ssyncadd.s32 $0xFFFFE000  }
0x52: {  	[spmem:s11] =	stream.linear.scatter [tilespmem:s17], [sflag:$0x7], $0x1000, $0x38;
	[tilespmem:$0x10000] =	vst v63  }
0x53: {  	_ =	swait.ge [sflag:s18], $0x1000  }
0x54: {  	[sflag:s18] =	ssyncset.done $0x0  }
0x55: {  	[sflag:s18] =	ssyncadd.s32 $0xFFFFF000  }
0x56: {  	s21 =	simm.s32 $0x0;
	[bflag:$0x0] =	sbarrier.arrive $0xFFFF  }
0x57: {  	[tilespmem:s17], [sflag:$0x1] =	stream.indirect.gather [hbm4b:s4+s19], $0x20, s21, s19, $0xb8;
	[tilespmem:$0x10000] =	vst v63  }
0x58: {  	_ = 	snop  }
0x59: {  	[tilespmem:s20], [sflag:$0x2] =	stream.indirect.gather [hbm4b:s4+s19], $0x20, s19, s19, $0xb8;
	[tilespmem:$0x10000] =	vst v63  }
0x5a: {  	_ =	swait.ge [sflag:s15], $0x2000  }
0x5b: {  	[sflag:s15] =	ssyncset.done $0x0  }
0x5c: {  	[sflag:s15] =	ssyncadd.s32 $0xFFFFE000  }
0x5d: {  	[spmem:s1] =	stream.indirect.scatter.add.f32 [tilespmem:s17], [sflag:$0x4], $0x20, s14, s19, $0xb8;
	[tilespmem:$0x10000] =	vst v63  }
0x5e: {  	s25 =	simm.s32 $0x200  }
0x5f: {  	[tilespmem:s22], [sflag:$0x3] =	stream.indirect.gather [hbm4b:s4+s19], $0x20, s25, s19, $0xb8;
	[tilespmem:$0x10000] =	vst v63  }
0x60: {  	_ =	swait.ge [sflag:s16], $0x2000  }
0x61: {  	[sflag:s16] =	ssyncset.done $0x0  }
0x62: {  	s25 =	simm.s32 $0x2800;
	[sflag:s16] =	ssyncadd.s32 $0xFFFFE000  }
0x63: {  	[spmem:s1] =	stream.indirect.scatter.add.f32 [tilespmem:s20], [sflag:$0x5], $0x20, s25, s19, $0xb8;
	[tilespmem:$0x10000] =	vst v63  }
0x64: {  	_ =	swait.ge [sflag:s24], $0x2000  }
0x65: {  	[sflag:s24] =	ssyncset.done $0x0  }
0x66: {  	s25 =	simm.s32 $0x300;
	[sflag:s24] =	ssyncadd.s32 $0xFFFFE000  }
0x67: {  	[tilespmem:s17], [sflag:$0x1] =	stream.indirect.gather [hbm4b:s4+s19], $0x20, s25, s19, $0xb8;
	[tilespmem:$0x10000] =	vst v63  }
0x68: {  	_ =	swait.ge [sflag:s26], $0x2000  }
0x69: {  	[sflag:s26] =	ssyncset.done $0x0  }
0x6a: {  	[sflag:s26] =	ssyncadd.s32 $0xFFFFE000  }
0x6b: {  	[spmem:s1] =	stream.indirect.scatter.add.f32 [tilespmem:s22], [sflag:$0x6], $0x20, s28, s19, $0xb8;
	[tilespmem:$0x10000] =	vst v63  }
0x6c: {  	_ =	swait.ge [sflag:s29], $0x2000  }
0x6d: {  	[sflag:s29] =	ssyncset.done $0x0  }
0x6e: {  	[sflag:s29] =	ssyncadd.s32 $0xFFFFE000  }
0x6f: {  	[tilespmem:s20], [sflag:$0x2] =	stream.indirect.gather [hbm4b:s4+s19], $0x20, s30, s19, $0xb8;
	[tilespmem:$0x10000] =	vst v63  }
.LBB2_4:
0x70: {  	_ =	swait.ge [sflag:s15], $0x2000  }
0x71: {  	s23 =	sshra.s32 s21, $0x2;
	[sflag:s15] =	ssyncset.done $0x0  }
0x72: {  	s25 =	sadd.s32 $0x2A00, s23;
	[sflag:s15] =	ssyncadd.s32 $0xFFFFE000  }
0x73: {  	[spmem:s1] =	stream.indirect.scatter.add.f32 [tilespmem:s17], [sflag:$0x4], $0x20, s25, s19, $0xb8;
	[tilespmem:$0x10000] =	vst v63  }
0x74: {  	_ =	swait.ge [sflag:s31], $0x2000  }
0x75: {  	[sflag:s31] =	ssyncset.done $0x0  }
0x76: {  	p1 =	seq.s32 s21, $0x8400;
	s25 =	sadd.s32 $0x500, s23;
	[sflag:s31] =	ssyncadd.s32 $0xFFFFE000  }
0x77: {  	[tilespmem:s22], [sflag:$0x3] =	stream.indirect.gather [hbm4b:s4+s19], $0x20, s25, s19, $0xb8;
	[tilespmem:$0x10000] =	vst v63  }
.Ltmp3:
0x78: {  	_ = 	snop;
	(pc) =	sbr.rel @p1 .LBB2_6-.Ltmp3, $4  }
0x79: {  	_ =	swait.ge [sflag:s16], $0x2000  }
0x7a: {  	[sflag:s16] =	ssyncset.done $0x0  }
0x7b: {  	s25 =	sadd.s32 $0x2B00, s23;
	[sflag:s16] =	ssyncadd.s32 $0xFFFFE000  }
0x7c: {  	[spmem:s1] =	stream.indirect.scatter.add.f32 [tilespmem:s20], [sflag:$0x5], $0x20, s25, s19, $0xb8;
	[tilespmem:$0x10000] =	vst v63  }
0x7d: {  	_ =	swait.ge [sflag:s24], $0x2000  }
0x7e: {  	[sflag:s24] =	ssyncset.done $0x0  }
0x7f: {  	s25 =	sadd.s32 $0x600, s23;
	[sflag:s24] =	ssyncadd.s32 $0xFFFFE000  }
0x80: {  	[tilespmem:s17], [sflag:$0x1] =	stream.indirect.gather [hbm4b:s4+s19], $0x20, s25, s19, $0xb8;
	[tilespmem:$0x10000] =	vst v63  }
0x81: {  	_ =	swait.ge [sflag:s26], $0x2000  }
0x82: {  	[sflag:s26] =	ssyncset.done $0x0  }
0x83: {  	s25 =	sadd.s32 $0x2C00, s23;
	[sflag:s26] =	ssyncadd.s32 $0xFFFFE000  }
0x84: {  	[spmem:s1] =	stream.indirect.scatter.add.f32 [tilespmem:s22], [sflag:$0x6], $0x20, s25, s19, $0xb8;
	[tilespmem:$0x10000] =	vst v63  }
.Ltmp4:
0x85: {  	_ = 	snop;
	(pc) =	sbr.rel .LBB2_4-.Ltmp4, $4  }
0x86: {  	_ =	swait.ge [sflag:s29], $0x2000  }
0x87: {  	[sflag:s29] =	ssyncset.done $0x0  }
0x88: {  	s21 =	sadd.s32 $0xC00, s21;
	s25 =	sadd.s32 $0x700, s23;
	[sflag:s29] =	ssyncadd.s32 $0xFFFFE000  }
0x89: {  	[tilespmem:s20], [sflag:$0x2] =	stream.indirect.gather [hbm4b:s4+s19], $0x20, s25, s19, $0xb8;
	[tilespmem:$0x10000] =	vst v63  }
.LBB2_7:
0x8a: {  	_ =	sfence.sel $0x180000  }
0x8b: {  	[bflag:$0x0] =	sbarrier.arrive $0xFFFF  }
0x8c: {  	_ =	strace $0x9000004A  }
0x8d: {  	s0 =	stileid.u32;
	[bflag:$0x2] =	sbarrier.arrive $0xFFFF  }
0x8e: {  	p0 =	sne.s32 s0, $0x0;
	s0 =	rddreg [dreg:$0x3]  }
0x8f: {  	s0 =	sadd.s32 @!p0 $0x100000, s0  }
0x90: {  	[sflag:s0] =	ssyncadd.tile.s32 @!p0 $0x1;
	_ =	shalt  }
.Lfunc_end2:
_tile_overlayer_lowered:
.L_overlay_start_2:
0x91: {  	(tag) =	ssettag $0x2  }
0x92: {  	s0 =	rddreg [dreg:$0x0];
	s2 =	stileid.u32  }
0x93: {  	s1 =	rddreg [dreg:$0x1];
	p0 =	sne.s32 s2, $0x0  }
0x94: {  	s3 =	rddreg [dreg:$0x2];
	[bflag:$0x3] =	sbarrier.arrive $0xFFFF;
	s2 =	simm.s32 @!p0 $0x1C07  }
0x95: {  	[timem:s3], [sflag:s2] =	dma.local @!p0 [hbm:s0], s1  }
0x96: {  	s0 =	simm.s32 @!p0 $0x7  }
0x97: {  	_ =	swait.ge @!p0 [sflag:s0], s1  }
0x98: {  	s1 =	ssub.s32 @!p0 $0x0, s1;
	[sflag:s0] =	ssyncset.done @!p0 $0x0  }
0x99: {  	[sflag:s0] =	ssyncadd.s32 @!p0 s1  }
0x9a: {  	[bflag:$0x3] =	sbarrier.arrive $0xFFFF  }
0x9b: {  	_ =	shalt  }

// kernel: kernel.15.cloned.1.call-start
scs
__scs_entry_jumppad:
0x0: {  	(pc) =	sbr.rel $0x88, $3  }
0x1: {  	(tag) =	ssettag $0x0;
	lr =	simm.s32 $0x1  }
0x2: {  	[smem:$0x3F9C] =	sst lr;
	_ =	strace $0xD0000000  }
0x3: {  	_ = 	snop  }
0x4: {  	_ = 	snop  }
0x5: {  	_ = 	snop  }
0x6: {  	_ = 	snop  }
0x7: {  	_ = 	snop  }
__scs_overlays_trampoline_lowered:
0x8: {  	[smem:$0x3FAB] =	sst s0  }
0x9: {  	[smem:$0x3FAC] =	sst s1  }
0xa: {  	[smem:$0x3FAD] =	sst s2  }
0xb: {  	[smem:$0x3FAE] =	sst s3  }
0xc: {  	[smem:$0x3FAF] =	sst s4  }
0xd: {  	[smem:$0x3FB0] =	sst s5  }
0xe: {  	[smem:$0x3FB1] =	sst s6  }
0xf: {  	[smem:$0x3FB2] =	sst s7  }
0x10: {  	[smem:$0x3FB3] =	sst s8  }
0x11: {  	[smem:$0x3FB4] =	sst s9;
	s0 =	simm.s32 @!p0 $0x0  }
0x12: {  	s1 =	sld [smem:$0x3F9A];
	s0 =	simm.s32 @p0 $0x1  }
0x13: {  	[smem:$0x3FB5] =	sst s0;
	s0 =	simm.s32 @!p1 $0x0  }
0x14: {  	s2 =	sld [smem:$0x3F99];
	s0 =	simm.s32 @p1 $0x1  }
0x15: {  	[smem:$0x3FB6] =	sst s0;
	s0 =	simm.s32 @!p2 $0x0  }
0x16: {  	s3 =	sld [smem:$0x3FDB];
	s0 =	simm.s32 @p2 $0x1  }
0x17: {  	s4 =	simm.s32 $0x1BF5;
	[smem:$0x3FB8] =	sst s0  }
0x18: {  	s0 =	sld [smem:$0x3F9B];
	_ =	swait.ge [sflag:s4], $0x0  }
0x19: {  	s7 =	sld [smem:$0x3F9C]  }
0x1a: {  	s8 =	sadd.s32 $0xFFFFE003, lr  }
0x1b: {  	s9 =	sadd.s32 $0xFFFFFEF7, lr;
	s5 =	simm.s32 $0xFFFFFFFF;
	p2 =	slt.u32 s8, $0xFFFFF086  }
0x1c: {  	p1 =	slt.u32 s9, $0xF7A;
	s5 =	simm.s32 @!p2 $0x0  }
0x1d: {  	s5 =	simm.s32 @p1 $0x1;
	p0 =	seq.s32 s7, s2  }
0x1e: {  	s7 =	smul.u32 @!p0 $0xF7A, s2;
	p2 =	seq.s32 @!p0 s5, $0x0  }
0x1f: {  	s9 =	smul.u32 $0xF7A, s1;
	s8 =	simm.s32 @!p0 $0x1BF5;
	p2 =	por !p2, p0  }
0x20: {  	[sflag:s8] =	ssyncset.s32 @!p0 $0xFFFFF086;
	s6 =	sadd.s32 @!p0 s3, s7;
	s7 =	simm.s32 @!p0 $0x108  }
0x21: {  	s3 =	sadd.s32 s3, s9;
	s6 =	sadd.s32 @!p0 $0x88, s6;
	s7 =	simm.s32 @p2 $0x1082  }
0x22: {  	[simem:s7], [sflag:s8] =	dma.local @!p0 [hbm:s6], $0xF7A  }
0x23: {  	s9 =	sor.u32 $0xD0000000, s2;
	s6 =	simm.s32 $0x108;
	_ =	swait.ge @!p0 [sflag:s8], $0x0  }
0x24: {  	s3 =	sadd.s32 $0x88, s3;
	s6 =	simm.s32 @!p1 $0x1082;
	[sflag:s4] =	ssyncset.s32 $0xFFFFF086  }
0x25: {  	[simem:s6], [sflag:s4] =	dma.local [hbm:s3], $0xF7A  }
0x26: {  	[smem:$0x3F9C] =	sst s1;
	(tag) =	ssettag s2;
	_ =	strace s9  }
0x27: {  	s1 =	sld [smem:$0x3FAC]  }
0x28: {  	s2 =	sld [smem:$0x3FAD]  }
0x29: {  	s4 =	sld [smem:$0x3FAF]  }
0x2a: {  	p0 =	seq.s32 s5, $0x0;
	s5 =	sld [smem:$0x3FB0]  }
0x2b: {  	s6 =	sld [smem:$0x3FB1]  }
0x2c: {  	s7 =	sld [smem:$0x3FB2]  }
0x2d: {  	s3 =	simm.s32 $0x108;
	s8 =	sld [smem:$0x3FB3]  }
0x2e: {  	s3 =	simm.s32 @!p0 $0x1082;
	s9 =	sld [smem:$0x3FB4]  }
0x2f: {  	lr =	sadd.s32 s0, s3;
	s0 =	sld [smem:$0x3FAB]  }
0x30: {  	s3 =	sld [smem:$0x3FAE]  }
0x31: {  	[smem:$0x3FB7] =	sst s10  }
0x32: {  	s10 =	sld [smem:$0x3FB5];
	_ =	sdelay $0x3  }
0x33: {  	p0 =	seq.s32 s10, $0x1;
	s10 =	sld [smem:$0x3FB7];
	_ =	sdelay $0x3  }
0x34: {  	[smem:$0x3FB7] =	sst s10  }
0x35: {  	s10 =	sld [smem:$0x3FB6];
	_ =	sdelay $0x3  }
0x36: {  	p1 =	seq.s32 s10, $0x1;
	s10 =	sld [smem:$0x3FB7];
	_ =	sdelay $0x3  }
0x37: {  	[smem:$0x3FB7] =	sst s10  }
0x38: {  	s10 =	sld [smem:$0x3FB8]  }
0x39: {  	_ = 	snop;
	(pc) =	sbr.ind lr, $3  }
0x3a: {  	_ = 	snop  }
0x3b: {  	_ = 	snop  }
0x3c: {  	p2 =	seq.s32 s10, $0x1;
	s10 =	sld [smem:$0x3FB7]  }
0x3d: {  	_ =	shalt  }
0x3e: {  	_ =	shalt  }
0x3f: {  	_ =	shalt  }
0x40: {  	_ =	shalt  }
0x41: {  	_ =	shalt  }
0x42: {  	_ =	shalt  }
0x43: {  	_ =	shalt  }
0x44: {  	_ =	shalt  }
0x45: {  	_ =	shalt  }
0x46: {  	_ =	shalt  }
0x47: {  	_ =	shalt  }
0x48: {  	_ =	shalt  }
0x49: {  	_ =	shalt  }
0x4a: {  	_ =	shalt  }
0x4b: {  	_ =	shalt  }
0x4c: {  	_ =	shalt  }
0x4d: {  	_ =	shalt  }
0x4e: {  	_ =	shalt  }
0x4f: {  	_ =	shalt  }
0x50: {  	_ =	shalt  }
0x51: {  	_ =	shalt  }
0x52: {  	_ =	shalt  }
0x53: {  	_ =	shalt  }
0x54: {  	_ =	shalt  }
0x55: {  	_ =	shalt  }
0x56: {  	_ =	shalt  }
0x57: {  	_ =	shalt  }
0x58: {  	_ =	shalt  }
0x59: {  	_ =	shalt  }
0x5a: {  	_ =	shalt  }
0x5b: {  	_ =	shalt  }
0x5c: {  	_ =	shalt  }
0x5d: {  	_ =	shalt  }
0x5e: {  	_ =	shalt  }
0x5f: {  	_ =	shalt  }
0x60: {  	_ =	shalt  }
0x61: {  	_ =	shalt  }
0x62: {  	_ =	shalt  }
0x63: {  	_ =	shalt  }
0x64: {  	_ =	shalt  }
0x65: {  	_ =	shalt  }
0x66: {  	_ =	shalt  }
0x67: {  	_ =	shalt  }
0x68: {  	_ =	shalt  }
0x69: {  	_ =	shalt  }
0x6a: {  	_ =	shalt  }
0x6b: {  	_ =	shalt  }
0x6c: {  	_ =	shalt  }
0x6d: {  	_ =	shalt  }
0x6e: {  	_ =	shalt  }
0x6f: {  	_ =	shalt  }
0x70: {  	_ =	shalt  }
0x71: {  	_ =	shalt  }
0x72: {  	_ =	shalt  }
0x73: {  	_ =	shalt  }
0x74: {  	_ =	shalt  }
0x75: {  	_ =	shalt  }
0x76: {  	_ =	shalt  }
0x77: {  	_ =	shalt  }
0x78: {  	_ =	shalt  }
0x79: {  	_ =	shalt  }
0x7a: {  	_ =	shalt  }
0x7b: {  	_ =	shalt  }
0x7c: {  	_ =	shalt  }
0x7d: {  	_ =	shalt  }
0x7e: {  	_ =	shalt  }
0x7f: {  	_ =	shalt  }
0x80: {  	_ =	shalt  }
0x81: {  	_ =	shalt  }
0x82: {  	_ =	shalt  }
0x83: {  	_ =	shalt  }
0x84: {  	_ =	shalt  }
0x85: {  	_ =	shalt  }
0x86: {  	_ =	shalt  }
0x87: {  	_ =	shalt  }
.Lfunc_end0:
.L_simem_size_0:
called_computation.2_lowered:
.L_overlay_start_0:
0x88: {  	s2 =	sld [smem:$0x3FD9]  }
0x89: {  	s3 =	sld [smem:$0x3FFE];
	_ =	sdelay $0x1  }
0x8a: {  	s1 =	srdreg.scid  }
0x8b: {  	s0 =	sand.u32 $0x1, s1  }
0x8c: {  	s17 =	sshll.u32 s0, $0xA;
	s2 =	sadd.s32 s3, s2  }
0x8d: {  	s2 =	sadd.s32 s2, s17  }
0x8e: {  	[smem:$0x3FC3] =	sst s2  }
0x8f: {  	_ = 	snop  }
0x90: {  	s2 =	sld [smem:$0x3FD0];
	(tm) =	ssettm $0x1  }
0x91: {  	s18 =	sld [smem:$0x3FFB];
	_ =	sdelay $0x3  }
0x92: {  	_ =	strace s18  }
0x93: {  	s3 =	sld [smem:$0x3FFC];
	_ =	sdelay $0x3  }
0x94: {  	_ =	strace s3  }
0x95: {  	s3 =	sld [smem:$0x3FFD];
	_ =	sdelay $0x3  }
0x96: {  	_ =	strace s3  }
0x97: {  	_ =	strace $0x8FFFFFFF  }
0x98: {  	s19 =	sld [smem:$0x3FDB];
	_ =	sdelay $0x1  }
0x99: {  	s4 =	simm.s32 $_scs_section_size  }
0x9a: {  	s5 =	simm.s32 $_size__tile_overlayer_lowered;
	s6 =	simm.s32 $_tile_overlayer_lowered  }
0x9b: {  	s22 =	simm.s32 $0x1BFF;
	s21 =	sshll.u32 s6, $0x1;
	s3 =	sadd.s32 s4, s19  }
0x9c: {  	s7 =	simm.s32 $0x0;
	s20 =	sshll.u32 s5, $0x1;
	s5 =	sadd.s32 s21, s3  }
0x9d: {  	[timem:s7], [sflag:s22] =	dma.local [hbm:s5], s20  }
0x9e: {  	_ =	swait.ge [sflag:s22], s20  }
0x9f: {  	s4 =	ssub.s32 $0x0, s20;
	[sflag:s22] =	ssyncset.done $0x0  }
0xa0: {  	[sflag:s22] =	ssyncadd.s32 s4;
	_ =	sdelay $0x1  }
0xa1: {  	s23 =	simm.s32 $0x1B8B  }
0xa2: {  	_ =	swait.ge [sflag:s23], $0x1  }
0xa3: {  	[sflag:s23] =	ssyncset.done $0x0  }
0xa4: {  	s25 =	simm.s32 $0x1B8E;
	s24 =	sld [smem:$0x3FFE];
	[sflag:s23] =	ssyncadd.s32 $0xFFFFFFFF  }
0xa5: {  	s26 =	simm.s32 $execute0_lowered;
	[smem:$0x3FD2] =	sst s25  }
0xa6: {  	s5 =	sshll.u32 s26, $0x1;
	_ =	strace $0x8000004C;
	[dreg:$0x1] =	wrdreg $0xFFFFFFFF  }
0xa7: {  	s28 =	simm.s32 $_size_execute0_lowered;
	s3 =	sadd.s32 s3, s5;
	[dreg:$0x0] =	wrdreg $0x0  }
0xa8: {  	s5 =	sshll.u32 s28, $0x1;
	[dreg:$0x2] =	wrdreg s3  }
0xa9: {  	[dreg:$0x3] =	wrdreg s5  }
0xaa: {  	[dreg:$0x4] =	wrdreg $0xC0  }
0xab: {  	_ =	task [dreg:s7], $0x5FFFF  }
0xac: {  	[dreg:$0x1] =	wrdreg $0xFFFFFFFF  }
0xad: {  	[dreg:$0x0] =	wrdreg $0x60  }
0xae: {  	[dreg:$0x2] =	wrdreg s2  }
0xaf: {  	[dreg:$0x3] =	wrdreg s24  }
0xb0: {  	[dreg:$0x4] =	wrdreg $0x89000  }
0xb1: {  	[dreg:$0x5] =	wrdreg $0x9  }
0xb2: {  	_ =	task.clear_ibuf [dreg:s7], $0x6FFFF;
	_ =	strace $0x9000004C  }
0xb3: {  	s29 =	simm.s32 $0x9;
	_ =	strace $0x8000004E  }
0xb4: {  	_ =	swait.ge [sflag:s29], $0x1  }
0xb5: {  	[sflag:s29] =	ssyncadd.s32 $0xFFFFFFFF  }
0xb6: {  	_ =	strace $0x9000004E  }
0xb7: {  	_ =	sfence  }
0xb8: {  	s30 =	sld [smem:$0x0];
	_ =	sdelay $0x2  }
0xb9: {  	s31 =	sshll.u32 s1, $0xD;
	s1 =	sshrl.u32 s1, $0x2  }
0xba: {  	s3 =	sand.u32 $0x4000, s31;
	s1 =	sadd.s32 s1, s30  }
0xbb: {  	s0 =	sor.u32 s3, s0;
	s1 =	sshll.u32 s1, $0x11  }
0xbc: {  	s0 =	sor.u32 s1, s0  }
0xbd: {  	s0 =	sadd.s32 $0x8F2B, s0  }
0xbe: {  	[sflag:s0] =	ssyncadd.remote.s32 $0x1  }
0xbf: {  	_ =	sfence.sel $0xFFFF  }
0xc0: {  	[dreg:$0x0] =	wrdreg $0xFFFFFFFF;
	(pc) =	sbr.abs _section_cstart, $3  }
0xc1: {  	[dreg:$0x1] =	wrdreg $0xFFFFFFFF  }
0xc2: {  	_ =	task.clear_ibuf [dreg:s7], $0x2FFFF;
	_ =	strace $0x9FFFFFFF  }
0xc3: {  	(tm) =	ssettm $0x7FFFFFFF  }
tec
execute0_lowered:
.L_overlay_start_1:
0x0: {  	(tag) =	ssettag $0x1  }
0x1: {  	s1 =	rddreg [dreg:$0x0]  }
0x2: {  	s0 =	rddreg [dreg:$0x1]  }
0x3: {  	s2 =	rddreg [dreg:$0x2]  }
0x4: {  	s3 =	simm.s32 $0x0;
	s4 =	srdreg.scid;
	s16 =	stileid.u32  }
0x5: {  	s29 =	simm.s32 $0x7000;
	s31 =	simm.s32 $0x4;
	s28 =	simm.s32 $0x5  }
0x6: {  	s30 =	simm.s32 $0x8800;
	[smem:$0x7FF] =	sst s3;
	s5 =	sadd.s32 $0xBC00, s0  }
0x7: {  	s6 =	sadd.s32 $0x1E00, s0;
	s4 =	sand.u32 $0x1, s4;
	s7 =	sadd.s32 $0x1FA00, s0  }
0x8: {  	s8 =	sadd.s32 $0x1F800, s0;
	s20 =	sshll.u32 s16, $0x7;
	s11 =	smul.u32 $0xA000, s16  }
0x9: {  	s22 =	sshll.u32 s16, $0x5;
	_ =	strace $0x8000004D;
	[dreg:$0x4] =	wrdreg s7  }
0xa: {  	s26 =	sshll.u32 s16, $0x6;
	s19 =	sshll.u32 s4, $0x4;
	[dreg:$0x5] =	wrdreg s8  }
0xb: {  	s14 =	sadd.s32 s20, s0;
	s21 =	ssub.s32 $0x2, s4;
	s12 =	sor.u32 $0x9C00, s22  }
0xc: {  	s4 =	sshll.u32 s4, $0xB;
	s20 =	simm.s32 $0x7;
	s22 =	simm.s32 $0x1  }
0xd: {  	s7 =	sor.u32 s16, s19;
	s10 =	sshrl.u32 s21, $0x1;
	s24 =	sshrl.u32 s11, $0x2  }
0xe: {  	s11 =	sadd.s32 s6, s12;
	s4 =	sadd.s32 s4, s14;
	s14 =	sor.u32 $0x8000, s26  }
0xf: {  	s26 =	simm.s32 $0x6000;
	s19 =	simm.s32 $0x8400;
	s9 =	smul.u32 $0x4E0, s7  }
0x10: {  	s15 =	sshll.u32 s7, $0x5;
	s18 =	ssub.s32 s21, s10;
	s10 =	sadd.s32 s24, s2  }
0x11: {  	s16 =	sadd.s32 $0x15A00, s4;
	p0 =	sgt.u32 s7, $0x1;
	s21 =	simm.s32 $0x2700  }
0x12: {  	s24 =	simm.s32 $0x5000;
	s4 =	simm.s32 $0x3;
	s0 =	sadd.s32 s15, s0  }
.Ltmp0:
0x13: {  	s13 =	sadd.s32 $0x2000, s10;
	s15 =	sor.u32 $0x8000, s15;
	(pc) =	sbr.rel .LBB2_1-.Ltmp0, $4  }
0x14: {  	s18 =	smax.u32 s18, $0x1;
	s23 =	sadd.s32 s5, s9;
	s25 =	sadd.s32 s6, s9  }
0x15: {  	s9 =	sadd.s32 s5, s12;
	s12 =	sadd.s32 $0x1000, s10;
	s17 =	sadd.s32 $0x16A00, s0  }
0x16: {  	s0 =	simm.s32 $0x6;
	s5 =	simm.s32 $0x0;
	[dreg:$0x6] =	wrdreg s23  }
0x17: {  	v0 =	vimm.f32 $0.0e+00;
	[dreg:$0x7] =	wrdreg s25;
	s23 =	simm.s32 $0x2;
	s25 =	simm.s32 $0x100  }
.LBB2_6:
0x18: {  	_ =	swait.ge [sflag:s4], $0x1000  }
0x19: {  	[sflag:s4] =	ssyncset.done $0x0  }
0x1a: {  	s6 =	simm.s32 $0x4D00;
	[sflag:s4] =	ssyncadd.s32 $0xFFFFF000  }
0x1b: {  	[spmem:s2] =	stream.indirect.scatter.add.f32 [tilespmem:s29], [sflag:$0x6], $0x10, s6, s25, $0xb8;
	[tilespmem:$0xB100] =	vst v63  }
0x1c: {  	_ =	swait.ge [sflag:s31], $0x1000  }
0x1d: {  	[sflag:s31] =	ssyncset.done $0x0  }
0x1e: {  	[sflag:s31] =	ssyncadd.s32 $0xFFFFF000  }
0x1f: {  	_ =	swait.ge [sflag:s28], $0x1000  }
0x20: {  	[sflag:s28] =	ssyncset.done $0x0  }
0x21: {  	[sflag:s28] =	ssyncadd.s32 $0xFFFFF000  }
0x22: {  	_ =	swait.ge [sflag:s0], $0x1000  }
0x23: {  	s7 =	simm.s32 @!p0 $0x4E00;
	[sflag:s0] =	ssyncset.done $0x0  }
0x24: {  	s8 =	simm.s32 @!p0 $0x5000;
	s6 =	simm.s32 @!p0 $0x100;
	[sflag:s0] =	ssyncadd.s32 $0xFFFFF000  }
0x25: {  	[tilespmem:s8], [sflag:$0x1] =	stream.indirect.gather @!p0 [hbm4b:s1+s6], $0x10, s7, s6, $0xb8;
	[tilespmem:$0xB100] =	vst v63  }
0x26: {  	s7 =	simm.s32 @!p0 $0x1  }
0x27: {  	_ =	swait.ge @!p0 [sflag:s7], $0x1000  }
0x28: {  	[sflag:s7] =	ssyncset.done @!p0 $0x0  }
0x29: {  	[sflag:s7] =	ssyncadd.s32 @!p0 $0xFFFFF000;
	s7 =	simm.s32 @!p0 $0x4F00  }
0x2a: {  	[spmem:s2] =	stream.indirect.scatter.add.f32 @!p0 [tilespmem:s8], [sflag:$0x7], $0x10, s7, s6, $0xb8;
	[tilespmem:$0xB100] =	vst v63  }
0x2b: {  	s6 =	simm.s32 @!p0 $0x7  }
0x2c: {  	_ =	swait.ge @!p0 [sflag:s6], $0x1000  }
0x2d: {  	[sflag:s6] =	ssyncset.done @!p0 $0x0  }
0x2e: {  	[sflag:s6] =	ssyncadd.s32 @!p0 $0xFFFFF000  }
0x2f: {  	s8 =	simm.s32 $0x40;
	[bflag:$0x0] =	sbarrier.arrive $0xFFFF  }
0x30: {  	[tilespmem:s19], [sflag:$0x1] =	stream.indirect.gather [spmem:s2], $0x10, s14, s8, $0xb8;
	[tilespmem:$0xB100] =	vst v63  }
0x31: {  	s7 =	rddreg [dreg:$0x4];
	s8 =	simm.s32 $0x20  }
0x32: {  	[tilespmem:s30], [sflag:$0x2] =	stream.indirect.gather [hbm4b:s7+s8], $0x8, s15, s8, $0xb8;
	[tilespmem:$0xB100] =	vst v63  }
0x33: {  	_ =	swait.ge [sflag:s22], $0x400  }
0x34: {  	[sflag:s22] =	ssyncset.done $0x0  }
0x35: {  	[sflag:s22] =	ssyncadd.s32 $0xFFFFFC00  }
0x36: {  	_ =	swait.ge [sflag:s23], $0x100  }
0x37: {  	[sflag:s23] =	ssyncset.done $0x0  }
0x38: {  	[sflag:s23] =	ssyncadd.s32 $0xFFFFFF00  }
0x39: {  	[hbm4b:s16+s3] =	stream.linear.scatter [tilespmem:s19], [sflag:$0x7], $0x400, $0x38;
	[tilespmem:$0xB100] =	vst v63  }
0x3a: {  	s5 =	sadd.s32 $0x1, s5;
	_ =	swait.ge [sflag:s20], $0x400  }
0x3b: {  	p1 =	sne.s32 s5, s18;
	[sflag:s20] =	ssyncset.done $0x0  }
.Ltmp1:
0x3c: {  	[sflag:s20] =	ssyncadd.s32 $0xFFFFFC00;
	(pc) =	sbr.rel @!p1 .LBB2_7-.Ltmp1, $4  }
0x3d: {  	[hbm4b:s17+s3] =	stream.linear.scatter [tilespmem:s30], [sflag:$0x7], $0x100, $0x38;
	[tilespmem:$0xB100] =	vst v63  }
0x3e: {  	_ =	swait.ge [sflag:s20], $0x100  }
0x3f: {  	[sflag:s20] =	ssyncset.done $0x0  }
0x40: {  	[sflag:s20] =	ssyncadd.s32 $0xFFFFFF00  }
.LBB2_1:
0x41: {  	s6 =	rddreg [dreg:$0x5];
	s7 =	simm.s32 $0x8000  }
0x42: {  	[tilespmem:s7], [sflag:$0x7] =	stream.linear.gather [hbm4b:s6+s3], $0x400, $0x38;
	[tilespmem:$0xB100] =	vst v63  }
0x43: {  	_ =	swait.ge [sflag:s20], $0x400  }
0x44: {  	[sflag:s20] =	ssyncset.done $0x0  }
0x45: {  	s7 =	rddreg [dreg:$0x6];
	[sflag:s20] =	ssyncadd.s32 $0xFFFFFC00  }
0x46: {  	[tilespmem:s3], [sflag:$0x1] =	stream.linear.gather [hbm4b:s7+s3], $0x2700, $0x38;
	[tilespmem:$0xB100] =	vst v63  }
0x47: {  	s8 =	rddreg [dreg:$0x7]  }
0x48: {  	[tilespmem:s21], [sflag:$0x2] =	stream.linear.gather [hbm4b:s8+s3], $0x2700, $0x38;
	[tilespmem:$0xB100] =	vst v63  }
0x49: {  	s6 =	simm.s32 @!p0 $0x0;
	s7 =	simm.s32 @!p0 $0x4E00  }
0x4a: {  	[tilespmem:s7], [sflag:$0x7] =	stream.linear.gather @!p0 [hbm4b:s9+s6], $0x100, $0x38;
	[tilespmem:$0xB100] =	vst v63  }
0x4b: {  	s7 =	simm.s32 @!p0 $0x7  }
0x4c: {  	_ =	swait.ge @!p0 [sflag:s7], $0x100  }
0x4d: {  	[sflag:s7] =	ssyncset.done @!p0 $0x0  }
0x4e: {  	s8 =	simm.s32 @!p0 $0x4F00;
	[sflag:s7] =	ssyncadd.s32 @!p0 $0xFFFFFF00  }
0x4f: {  	[tilespmem:s8], [sflag:$0x7] =	stream.linear.gather @!p0 [hbm4b:s11+s6], $0x100, $0x38;
	[tilespmem:$0xB100] =	vst v63  }
0x50: {  	_ =	swait.ge @!p0 [sflag:s7], $0x100  }
0x51: {  	[sflag:s7] =	ssyncset.done @!p0 $0x0  }
0x52: {  	[sflag:s7] =	ssyncadd.s32 @!p0 $0xFFFFFF00  }
0x53: {  	_ =	swait.ge [sflag:s22], $0x2700  }
0x54: {  	[sflag:s22] =	ssyncset.done $0x0  }
0x55: {  	[sflag:s22] =	ssyncadd.s32 $0xFFFFD900  }
0x56: {  	_ =	swait.ge [sflag:s23], $0x2700  }
0x57: {  	[sflag:s23] =	ssyncset.done $0x0  }
0x58: {  	s6 =	simm.s32 $0x40;
	s7 =	simm.s32 $0x0;
	[sflag:s23] =	ssyncadd.s32 $0xFFFFD900  }
.LBB2_2:
0x59: {  	p1 =	sne.s32 s6, $0x3FC0;
	[tilespmem:s7+$0x5000] =	vst v0;
	s7 =	smov.u32 s6;
	s6 =	sadd.s32 $0x40, s6  }
.Ltmp2:
0x5a: {  	(pc) =	sbr.rel @p1 .LBB2_2-.Ltmp2, $2  }
0x5b: {  	_ =	sdelay $0x2  }
0x5c: {  	s7 =	sshra.s32 s7, $0x2  }
0x5d: {  	[tilespmem:s7+$0x5000] =	vst v0  }
0x5e: {  	[spmem:s10] =	stream.linear.scatter [tilespmem:s24], [sflag:$0x7], $0x1000, $0x38;
	[tilespmem:$0xB100] =	vst v63  }
0x5f: {  	_ =	swait.ge [sflag:s20], $0x1000  }
0x60: {  	[sflag:s20] =	ssyncset.done $0x0  }
0x61: {  	[sflag:s20] =	ssyncadd.s32 $0xFFFFF000  }
0x62: {  	[spmem:s12] =	stream.linear.scatter [tilespmem:s24], [sflag:$0x7], $0x1000, $0x38;
	[tilespmem:$0xB100] =	vst v63  }
0x63: {  	_ =	swait.ge [sflag:s20], $0x1000  }
0x64: {  	[sflag:s20] =	ssyncset.done $0x0  }
0x65: {  	[sflag:s20] =	ssyncadd.s32 $0xFFFFF000  }
0x66: {  	[spmem:s13] =	stream.linear.scatter [tilespmem:s24], [sflag:$0x7], $0x800, $0x38;
	[tilespmem:$0xB100] =	vst v63  }
0x67: {  	_ =	swait.ge [sflag:s20], $0x800  }
0x68: {  	[sflag:s20] =	ssyncset.done $0x0  }
0x69: {  	[sflag:s20] =	ssyncadd.s32 $0xFFFFF800  }
0x6a: {  	s6 =	simm.s32 $0x0;
	[bflag:$0x0] =	sbarrier.arrive $0xFFFF  }
0x6b: {  	[tilespmem:s24], [sflag:$0x1] =	stream.indirect.gather [hbm4b:s1+s25], $0x10, s6, s25, $0xb8;
	[tilespmem:$0xB100] =	vst v63  }
0x6c: {  	_ = 	snop  }
0x6d: {  	[tilespmem:s26], [sflag:$0x2] =	stream.indirect.gather [hbm4b:s1+s25], $0x10, s25, s25, $0xb8;
	[tilespmem:$0xB100] =	vst v63  }
0x6e: {  	_ =	swait.ge [sflag:s22], $0x1000  }
0x6f: {  	[sflag:s22] =	ssyncset.done $0x0  }
0x70: {  	[sflag:s22] =	ssyncadd.s32 $0xFFFFF000  }
0x71: {  	[spmem:s2] =	stream.indirect.scatter.add.f32 [tilespmem:s24], [sflag:$0x4], $0x10, s21, s25, $0xb8;
	[tilespmem:$0xB100] =	vst v63  }
0x72: {  	s8 =	simm.s32 $0x200  }
0x73: {  	[tilespmem:s29], [sflag:$0x3] =	stream.indirect.gather [hbm4b:s1+s25], $0x10, s8, s25, $0xb8;
	[tilespmem:$0xB100] =	vst v63  }
0x74: {  	_ =	swait.ge [sflag:s23], $0x1000  }
0x75: {  	[sflag:s23] =	ssyncset.done $0x0  }
0x76: {  	s8 =	simm.s32 $0x2800;
	[sflag:s23] =	ssyncadd.s32 $0xFFFFF000  }
0x77: {  	[spmem:s2] =	stream.indirect.scatter.add.f32 [tilespmem:s26], [sflag:$0x5], $0x10, s8, s25, $0xb8;
	[tilespmem:$0xB100] =	vst v63  }
0x78: {  	_ =	swait.ge [sflag:s31], $0x1000  }
0x79: {  	[sflag:s31] =	ssyncset.done $0x0  }
0x7a: {  	s8 =	simm.s32 $0x300;
	[sflag:s31] =	ssyncadd.s32 $0xFFFFF000  }
0x7b: {  	[tilespmem:s24], [sflag:$0x1] =	stream.indirect.gather [hbm4b:s1+s25], $0x10, s8, s25, $0xb8;
	[tilespmem:$0xB100] =	vst v63  }
0x7c: {  	_ =	swait.ge [sflag:s4], $0x1000  }
0x7d: {  	[sflag:s4] =	ssyncset.done $0x0  }
0x7e: {  	s8 =	simm.s32 $0x2900;
	[sflag:s4] =	ssyncadd.s32 $0xFFFFF000  }
0x7f: {  	[spmem:s2] =	stream.indirect.scatter.add.f32 [tilespmem:s29], [sflag:$0x6], $0x10, s8, s25, $0xb8;
	[tilespmem:$0xB100] =	vst v63  }
0x80: {  	_ =	swait.ge [sflag:s28], $0x1000  }
0x81: {  	[sflag:s28] =	ssyncset.done $0x0  }
0x82: {  	s8 =	simm.s32 $0x400;
	[sflag:s28] =	ssyncadd.s32 $0xFFFFF000  }
0x83: {  	[tilespmem:s26], [sflag:$0x2] =	stream.indirect.gather [hbm4b:s1+s25], $0x10, s8, s25, $0xb8;
	[tilespmem:$0xB100] =	vst v63  }
.LBB2_4:
0x84: {  	_ =	swait.ge [sflag:s22], $0x1000  }
0x85: {  	s7 =	sshra.s32 s6, $0x2;
	[sflag:s22] =	ssyncset.done $0x0  }
0x86: {  	s8 =	sadd.s32 $0x2A00, s7;
	[sflag:s22] =	ssyncadd.s32 $0xFFFFF000  }
0x87: {  	[spmem:s2] =	stream.indirect.scatter.add.f32 [tilespmem:s24], [sflag:$0x4], $0x10, s8, s25, $0xb8;
	[tilespmem:$0xB100] =	vst v63  }
0x88: {  	_ =	swait.ge [sflag:s0], $0x1000  }
0x89: {  	[sflag:s0] =	ssyncset.done $0x0  }
0x8a: {  	p1 =	seq.s32 s6, $0x8400;
	s8 =	sadd.s32 $0x500, s7;
	[sflag:s0] =	ssyncadd.s32 $0xFFFFF000  }
0x8b: {  	[tilespmem:s29], [sflag:$0x3] =	stream.indirect.gather [hbm4b:s1+s25], $0x10, s8, s25, $0xb8;
	[tilespmem:$0xB100] =	vst v63  }
.Ltmp3:
0x8c: {  	_ = 	snop;
	(pc) =	sbr.rel @p1 .LBB2_6-.Ltmp3, $4  }
0x8d: {  	_ =	swait.ge [sflag:s23], $0x1000  }
0x8e: {  	[sflag:s23] =	ssyncset.done $0x0  }
0x8f: {  	s8 =	sadd.s32 $0x2B00, s7;
	[sflag:s23] =	ssyncadd.s32 $0xFFFFF000  }
0x90: {  	[spmem:s2] =	stream.indirect.scatter.add.f32 [tilespmem:s26], [sflag:$0x5], $0x10, s8, s25, $0xb8;
	[tilespmem:$0xB100] =	vst v63  }
0x91: {  	_ =	swait.ge [sflag:s31], $0x1000  }
0x92: {  	[sflag:s31] =	ssyncset.done $0x0  }
0x93: {  	s8 =	sadd.s32 $0x600, s7;
	[sflag:s31] =	ssyncadd.s32 $0xFFFFF000  }
0x94: {  	[tilespmem:s24], [sflag:$0x1] =	stream.indirect.gather [hbm4b:s1+s25], $0x10, s8, s25, $0xb8;
	[tilespmem:$0xB100] =	vst v63  }
0x95: {  	_ =	swait.ge [sflag:s4], $0x1000  }
0x96: {  	[sflag:s4] =	ssyncset.done $0x0  }
0x97: {  	s8 =	sadd.s32 $0x2C00, s7;
	[sflag:s4] =	ssyncadd.s32 $0xFFFFF000  }
0x98: {  	[spmem:s2] =	stream.indirect.scatter.add.f32 [tilespmem:s29], [sflag:$0x6], $0x10, s8, s25, $0xb8;
	[tilespmem:$0xB100] =	vst v63  }
.Ltmp4:
0x99: {  	_ = 	snop;
	(pc) =	sbr.rel .LBB2_4-.Ltmp4, $4  }
0x9a: {  	_ =	swait.ge [sflag:s28], $0x1000  }
0x9b: {  	[sflag:s28] =	ssyncset.done $0x0  }
0x9c: {  	s6 =	sadd.s32 $0xC00, s6;
	s8 =	sadd.s32 $0x700, s7;
	[sflag:s28] =	ssyncadd.s32 $0xFFFFF000  }
0x9d: {  	[tilespmem:s26], [sflag:$0x2] =	stream.indirect.gather [hbm4b:s1+s25], $0x10, s8, s25, $0xb8;
	[tilespmem:$0xB100] =	vst v63  }
.LBB2_7:
0x9e: {  	_ =	sfence.sel $0x180000  }
0x9f: {  	[bflag:$0x0] =	sbarrier.arrive $0xFFFF  }
0xa0: {  	_ =	strace $0x9000004D  }
0xa1: {  	s0 =	stileid.u32;
	[bflag:$0x2] =	sbarrier.arrive $0xFFFF  }
0xa2: {  	p0 =	sne.s32 s0, $0x0;
	s0 =	rddreg [dreg:$0x3]  }
0xa3: {  	s0 =	sadd.s32 @!p0 $0x100000, s0  }
0xa4: {  	[sflag:s0] =	ssyncadd.tile.s32 @!p0 $0x1;
	_ =	shalt  }
.Lfunc_end2:
_tile_overlayer_lowered:
.L_overlay_start_2:
0xa5: {  	(tag) =	ssettag $0x2  }
0xa6: {  	s0 =	rddreg [dreg:$0x0];
	s2 =	stileid.u32  }
0xa7: {  	s1 =	rddreg [dreg:$0x1];
	p0 =	sne.s32 s2, $0x0  }
0xa8: {  	s3 =	rddreg [dreg:$0x2];
	[bflag:$0x3] =	sbarrier.arrive $0xFFFF;
	s2 =	simm.s32 @!p0 $0x1C07  }
0xa9: {  	[timem:s3], [sflag:s2] =	dma.local @!p0 [hbm:s0], s1  }
0xaa: {  	s0 =	simm.s32 @!p0 $0x7  }
0xab: {  	_ =	swait.ge @!p0 [sflag:s0], s1  }
0xac: {  	s1 =	ssub.s32 @!p0 $0x0, s1;
	[sflag:s0] =	ssyncset.done @!p0 $0x0  }
0xad: {  	[sflag:s0] =	ssyncadd.s32 @!p0 s1  }
0xae: {  	[bflag:$0x3] =	sbarrier.arrive $0xFFFF  }
0xaf: {  	_ =	shalt  }

// kernel: kernel.9.cloned.1.call-start
scs
__scs_entry_jumppad:
0x0: {  	(pc) =	sbr.rel $0x88, $3  }
0x1: {  	(tag) =	ssettag $0x0;
	lr =	simm.s32 $0x1  }
0x2: {  	[smem:$0x3F9C] =	sst lr;
	_ =	strace $0xD0000000  }
0x3: {  	_ = 	snop  }
0x4: {  	_ = 	snop  }
0x5: {  	_ = 	snop  }
0x6: {  	_ = 	snop  }
0x7: {  	_ = 	snop  }
__scs_overlays_trampoline_lowered:
0x8: {  	[smem:$0x3FAB] =	sst s0  }
0x9: {  	[smem:$0x3FAC] =	sst s1  }
0xa: {  	[smem:$0x3FAD] =	sst s2  }
0xb: {  	[smem:$0x3FAE] =	sst s3  }
0xc: {  	[smem:$0x3FAF] =	sst s4  }
0xd: {  	[smem:$0x3FB0] =	sst s5  }
0xe: {  	[smem:$0x3FB1] =	sst s6  }
0xf: {  	[smem:$0x3FB2] =	sst s7  }
0x10: {  	[smem:$0x3FB3] =	sst s8  }
0x11: {  	[smem:$0x3FB4] =	sst s9;
	s0 =	simm.s32 @!p0 $0x0  }
0x12: {  	s1 =	sld [smem:$0x3F9A];
	s0 =	simm.s32 @p0 $0x1  }
0x13: {  	[smem:$0x3FB5] =	sst s0;
	s0 =	simm.s32 @!p1 $0x0  }
0x14: {  	s2 =	sld [smem:$0x3F99];
	s0 =	simm.s32 @p1 $0x1  }
0x15: {  	[smem:$0x3FB6] =	sst s0;
	s0 =	simm.s32 @!p2 $0x0  }
0x16: {  	s3 =	sld [smem:$0x3FDB];
	s0 =	simm.s32 @p2 $0x1  }
0x17: {  	s4 =	simm.s32 $0x1BF5;
	[smem:$0x3FB8] =	sst s0  }
0x18: {  	s0 =	sld [smem:$0x3F9B];
	_ =	swait.ge [sflag:s4], $0x0  }
0x19: {  	s7 =	sld [smem:$0x3F9C]  }
0x1a: {  	s8 =	sadd.s32 $0xFFFFE003, lr  }
0x1b: {  	s9 =	sadd.s32 $0xFFFFFEF7, lr;
	s5 =	simm.s32 $0xFFFFFFFF;
	p2 =	slt.u32 s8, $0xFFFFF086  }
0x1c: {  	p1 =	slt.u32 s9, $0xF7A;
	s5 =	simm.s32 @!p2 $0x0  }
0x1d: {  	s5 =	simm.s32 @p1 $0x1;
	p0 =	seq.s32 s7, s2  }
0x1e: {  	s7 =	smul.u32 @!p0 $0xF7A, s2;
	p2 =	seq.s32 @!p0 s5, $0x0  }
0x1f: {  	s9 =	smul.u32 $0xF7A, s1;
	s8 =	simm.s32 @!p0 $0x1BF5;
	p2 =	por !p2, p0  }
0x20: {  	[sflag:s8] =	ssyncset.s32 @!p0 $0xFFFFF086;
	s6 =	sadd.s32 @!p0 s3, s7;
	s7 =	simm.s32 @!p0 $0x108  }
0x21: {  	s3 =	sadd.s32 s3, s9;
	s6 =	sadd.s32 @!p0 $0x88, s6;
	s7 =	simm.s32 @p2 $0x1082  }
0x22: {  	[simem:s7], [sflag:s8] =	dma.local @!p0 [hbm:s6], $0xF7A  }
0x23: {  	s9 =	sor.u32 $0xD0000000, s2;
	s6 =	simm.s32 $0x108;
	_ =	swait.ge @!p0 [sflag:s8], $0x0  }
0x24: {  	s3 =	sadd.s32 $0x88, s3;
	s6 =	simm.s32 @!p1 $0x1082;
	[sflag:s4] =	ssyncset.s32 $0xFFFFF086  }
0x25: {  	[simem:s6], [sflag:s4] =	dma.local [hbm:s3], $0xF7A  }
0x26: {  	[smem:$0x3F9C] =	sst s1;
	(tag) =	ssettag s2;
	_ =	strace s9  }
0x27: {  	s1 =	sld [smem:$0x3FAC]  }
0x28: {  	s2 =	sld [smem:$0x3FAD]  }
0x29: {  	s4 =	sld [smem:$0x3FAF]  }
0x2a: {  	p0 =	seq.s32 s5, $0x0;
	s5 =	sld [smem:$0x3FB0]  }
0x2b: {  	s6 =	sld [smem:$0x3FB1]  }
0x2c: {  	s7 =	sld [smem:$0x3FB2]  }
0x2d: {  	s3 =	simm.s32 $0x108;
	s8 =	sld [smem:$0x3FB3]  }
0x2e: {  	s3 =	simm.s32 @!p0 $0x1082;
	s9 =	sld [smem:$0x3FB4]  }
0x2f: {  	lr =	sadd.s32 s0, s3;
	s0 =	sld [smem:$0x3FAB]  }
0x30: {  	s3 =	sld [smem:$0x3FAE]  }
0x31: {  	[smem:$0x3FB7] =	sst s10  }
0x32: {  	s10 =	sld [smem:$0x3FB5];
	_ =	sdelay $0x3  }
0x33: {  	p0 =	seq.s32 s10, $0x1;
	s10 =	sld [smem:$0x3FB7];
	_ =	sdelay $0x3  }
0x34: {  	[smem:$0x3FB7] =	sst s10  }
0x35: {  	s10 =	sld [smem:$0x3FB6];
	_ =	sdelay $0x3  }
0x36: {  	p1 =	seq.s32 s10, $0x1;
	s10 =	sld [smem:$0x3FB7];
	_ =	sdelay $0x3  }
0x37: {  	[smem:$0x3FB7] =	sst s10  }
0x38: {  	s10 =	sld [smem:$0x3FB8]  }
0x39: {  	_ = 	snop;
	(pc) =	sbr.ind lr, $3  }
0x3a: {  	_ = 	snop  }
0x3b: {  	_ = 	snop  }
0x3c: {  	p2 =	seq.s32 s10, $0x1;
	s10 =	sld [smem:$0x3FB7]  }
0x3d: {  	_ =	shalt  }
0x3e: {  	_ =	shalt  }
0x3f: {  	_ =	shalt  }
0x40: {  	_ =	shalt  }
0x41: {  	_ =	shalt  }
0x42: {  	_ =	shalt  }
0x43: {  	_ =	shalt  }
0x44: {  	_ =	shalt  }
0x45: {  	_ =	shalt  }
0x46: {  	_ =	shalt  }
0x47: {  	_ =	shalt  }
0x48: {  	_ =	shalt  }
0x49: {  	_ =	shalt  }
0x4a: {  	_ =	shalt  }
0x4b: {  	_ =	shalt  }
0x4c: {  	_ =	shalt  }
0x4d: {  	_ =	shalt  }
0x4e: {  	_ =	shalt  }
0x4f: {  	_ =	shalt  }
0x50: {  	_ =	shalt  }
0x51: {  	_ =	shalt  }
0x52: {  	_ =	shalt  }
0x53: {  	_ =	shalt  }
0x54: {  	_ =	shalt  }
0x55: {  	_ =	shalt  }
0x56: {  	_ =	shalt  }
0x57: {  	_ =	shalt  }
0x58: {  	_ =	shalt  }
0x59: {  	_ =	shalt  }
0x5a: {  	_ =	shalt  }
0x5b: {  	_ =	shalt  }
0x5c: {  	_ =	shalt  }
0x5d: {  	_ =	shalt  }
0x5e: {  	_ =	shalt  }
0x5f: {  	_ =	shalt  }
0x60: {  	_ =	shalt  }
0x61: {  	_ =	shalt  }
0x62: {  	_ =	shalt  }
0x63: {  	_ =	shalt  }
0x64: {  	_ =	shalt  }
0x65: {  	_ =	shalt  }
0x66: {  	_ =	shalt  }
0x67: {  	_ =	shalt  }
0x68: {  	_ =	shalt  }
0x69: {  	_ =	shalt  }
0x6a: {  	_ =	shalt  }
0x6b: {  	_ =	shalt  }
0x6c: {  	_ =	shalt  }
0x6d: {  	_ =	shalt  }
0x6e: {  	_ =	shalt  }
0x6f: {  	_ =	shalt  }
0x70: {  	_ =	shalt  }
0x71: {  	_ =	shalt  }
0x72: {  	_ =	shalt  }
0x73: {  	_ =	shalt  }
0x74: {  	_ =	shalt  }
0x75: {  	_ =	shalt  }
0x76: {  	_ =	shalt  }
0x77: {  	_ =	shalt  }
0x78: {  	_ =	shalt  }
0x79: {  	_ =	shalt  }
0x7a: {  	_ =	shalt  }
0x7b: {  	_ =	shalt  }
0x7c: {  	_ =	shalt  }
0x7d: {  	_ =	shalt  }
0x7e: {  	_ =	shalt  }
0x7f: {  	_ =	shalt  }
0x80: {  	_ =	shalt  }
0x81: {  	_ =	shalt  }
0x82: {  	_ =	shalt  }
0x83: {  	_ =	shalt  }
0x84: {  	_ =	shalt  }
0x85: {  	_ =	shalt  }
0x86: {  	_ =	shalt  }
0x87: {  	_ =	shalt  }
.Lfunc_end0:
.L_simem_size_0:
called_computation_lowered:
.L_overlay_start_0:
0x88: {  	s2 =	sld [smem:$0x3FD9]  }
0x89: {  	s3 =	sld [smem:$0x3FFE];
	_ =	sdelay $0x1  }
0x8a: {  	s1 =	srdreg.scid  }
0x8b: {  	s0 =	sand.u32 $0x1, s1  }
0x8c: {  	s17 =	sshll.u32 s0, $0xA;
	s2 =	sadd.s32 s3, s2  }
0x8d: {  	s2 =	sadd.s32 s2, s17  }
0x8e: {  	[smem:$0x3FC3] =	sst s2  }
0x8f: {  	_ = 	snop  }
0x90: {  	s2 =	sld [smem:$0x3FD0];
	(tm) =	ssettm $0x1  }
0x91: {  	s18 =	sld [smem:$0x3FFB];
	_ =	sdelay $0x3  }
0x92: {  	_ =	strace s18  }
0x93: {  	s3 =	sld [smem:$0x3FFC];
	_ =	sdelay $0x3  }
0x94: {  	_ =	strace s3  }
0x95: {  	s3 =	sld [smem:$0x3FFD];
	_ =	sdelay $0x3  }
0x96: {  	_ =	strace s3  }
0x97: {  	_ =	strace $0x8FFFFFFF  }
0x98: {  	s19 =	sld [smem:$0x3FDB];
	_ =	sdelay $0x1  }
0x99: {  	s4 =	simm.s32 $_scs_section_size  }
0x9a: {  	s5 =	simm.s32 $_size__tile_overlayer_lowered;
	s6 =	simm.s32 $_tile_overlayer_lowered  }
0x9b: {  	s22 =	simm.s32 $0x1BFF;
	s21 =	sshll.u32 s6, $0x1;
	s3 =	sadd.s32 s4, s19  }
0x9c: {  	s7 =	simm.s32 $0x0;
	s20 =	sshll.u32 s5, $0x1;
	s5 =	sadd.s32 s21, s3  }
0x9d: {  	[timem:s7], [sflag:s22] =	dma.local [hbm:s5], s20  }
0x9e: {  	_ =	swait.ge [sflag:s22], s20  }
0x9f: {  	s4 =	ssub.s32 $0x0, s20;
	[sflag:s22] =	ssyncset.done $0x0  }
0xa0: {  	[sflag:s22] =	ssyncadd.s32 s4;
	_ =	sdelay $0x1  }
0xa1: {  	s23 =	simm.s32 $0x1B8B  }
0xa2: {  	_ =	swait.ge [sflag:s23], $0x1  }
0xa3: {  	[sflag:s23] =	ssyncset.done $0x0  }
0xa4: {  	s25 =	simm.s32 $0x1B8E;
	s24 =	sld [smem:$0x3FFE];
	[sflag:s23] =	ssyncadd.s32 $0xFFFFFFFF  }
0xa5: {  	s26 =	simm.s32 $execute0_lowered;
	[smem:$0x3FD2] =	sst s25  }
0xa6: {  	s5 =	sshll.u32 s26, $0x1;
	_ =	strace $0x80000046;
	[dreg:$0x1] =	wrdreg $0xFFFFFFFF  }
0xa7: {  	s28 =	simm.s32 $_size_execute0_lowered;
	s3 =	sadd.s32 s3, s5;
	[dreg:$0x0] =	wrdreg $0x0  }
0xa8: {  	s5 =	sshll.u32 s28, $0x1;
	[dreg:$0x2] =	wrdreg s3  }
0xa9: {  	[dreg:$0x3] =	wrdreg s5  }
0xaa: {  	[dreg:$0x4] =	wrdreg $0xC0  }
0xab: {  	_ =	task [dreg:s7], $0x5FFFF  }
0xac: {  	[dreg:$0x1] =	wrdreg $0xFFFFFFFF  }
0xad: {  	[dreg:$0x0] =	wrdreg $0x60  }
0xae: {  	[dreg:$0x2] =	wrdreg s24  }
0xaf: {  	[dreg:$0x3] =	wrdreg s2  }
0xb0: {  	[dreg:$0x4] =	wrdreg $0x53800  }
0xb1: {  	[dreg:$0x5] =	wrdreg $0x56000  }
0xb2: {  	[dreg:$0x6] =	wrdreg $0x9  }
0xb3: {  	_ =	task.clear_ibuf [dreg:s7], $0x7FFFF;
	_ =	strace $0x90000046  }
0xb4: {  	s29 =	simm.s32 $0x9;
	_ =	strace $0x80000048  }
0xb5: {  	_ =	swait.ge [sflag:s29], $0x1  }
0xb6: {  	[sflag:s29] =	ssyncadd.s32 $0xFFFFFFFF  }
0xb7: {  	_ =	strace $0x90000048  }
0xb8: {  	_ =	sfence  }
0xb9: {  	s30 =	sld [smem:$0x0];
	_ =	sdelay $0x2  }
0xba: {  	s31 =	sshll.u32 s1, $0xD;
	s1 =	sshrl.u32 s1, $0x2  }
0xbb: {  	s3 =	sand.u32 $0x4000, s31;
	s1 =	sadd.s32 s1, s30  }
0xbc: {  	s0 =	sor.u32 s3, s0;
	s1 =	sshll.u32 s1, $0x11  }
0xbd: {  	s0 =	sor.u32 s1, s0  }
0xbe: {  	s0 =	sadd.s32 $0x8F2B, s0  }
0xbf: {  	[sflag:s0] =	ssyncadd.remote.s32 $0x1  }
0xc0: {  	_ =	sfence.sel $0xFFFF  }
0xc1: {  	[dreg:$0x0] =	wrdreg $0xFFFFFFFF;
	(pc) =	sbr.abs _section_cstart, $3  }
0xc2: {  	[dreg:$0x1] =	wrdreg $0xFFFFFFFF  }
0xc3: {  	_ =	task.clear_ibuf [dreg:s7], $0x2FFFF;
	_ =	strace $0x9FFFFFFF  }
0xc4: {  	(tm) =	ssettm $0x7FFFFFFF  }
0xc5: {  	_ =	shalt  }
tec
execute0_lowered:
.L_overlay_start_1:
0x0: {  	(tag) =	ssettag $0x1  }
0x1: {  	s5 =	rddreg [dreg:$0x0]  }
0x2: {  	s11 =	rddreg [dreg:$0x1]  }
0x3: {  	s2 =	rddreg [dreg:$0x2]  }
0x4: {  	s3 =	rddreg [dreg:$0x3];
	s6 =	srdreg.scid  }
0x5: {  	s0 =	stileid.u32;
	s4 =	simm.s32 $0x0;
	s17 =	simm.s32 $0x100  }
0x6: {  	s18 =	simm.s32 $0x5000;
	s19 =	simm.s32 $0x2800;
	s20 =	simm.s32 $0x200  }
0x7: {  	s21 =	simm.s32 $0x2900;
	s22 =	simm.s32 $0x1;
	s23 =	simm.s32 $0x4  }
0x8: {  	s24 =	simm.s32 $0x2;
	s25 =	simm.s32 $0x5;
	s28 =	simm.s32 $0x6  }
0x9: {  	s29 =	simm.s32 $0x0;
	s6 =	sand.u32 $0x1, s6;
	s7 =	smul.u32 $0x280, s0  }
0xa: {  	[smem:$0x7FF] =	sst s4;
	s9 =	sadd.s32 $0xBC00, s5;
	s10 =	sadd.s32 $0x1E00, s5  }
0xb: {  	s31 =	sshll.u32 s0, $0x5;
	s8 =	smul.u32 $0x2800, s6;
	s12 =	ssub.s32 $0x2, s6  }
0xc: {  	_ =	strace $0x80000047;
	s6 =	sshll.u32 s6, $0x4;
	s26 =	sshrl.u32 s12, $0x1  }
0xd: {  	s14 =	sor.u32 s0, s6;
	s6 =	sadd.s32 s7, s3;
	s8 =	sadd.s32 s7, s8  }
0xe: {  	s16 =	ssub.s32 s12, s26;
	s30 =	smul.u32 $0x4E0, s14;
	s12 =	sor.u32 $0x9C00, s31  }
0xf: {  	p0 =	sgt.u32 s14, $0x1;
	s14 =	simm.s32 $0x5100;
	s13 =	sshrl.u32 s8, $0x3  }
0x10: {  	s26 =	simm.s32 $0x3;
	s15 =	sadd.s32 s13, s5;
	s5 =	sadd.s32 s7, s2  }
0x11: {  	s7 =	sadd.s32 s9, s30;
	s8 =	sadd.s32 s10, s30;
	s9 =	sadd.s32 s9, s12  }
0x12: {  	s10 =	sadd.s32 s10, s12;
	s11 =	sadd.s32 s11, s13;
	s13 =	smax.u32 s16, $0x1  }
0x13: {  	v0 =	vimm.f32 $1.000000000e+00;
	v1 =	vimm.f32 $0.0e+00;
	s16 =	simm.s32 $0x2700;
	s12 =	sadd.s32 $0x15A00, s15;
	s15 =	simm.s32 $0x7  }
.LBB2_1:
0x14: {  	[tilespmem:$0x5000] =	vst v0  }
0x15: {  	[tilespmem:$0x5010] =	vst v0  }
0x16: {  	[tilespmem:$0x5020] =	vst v0  }
0x17: {  	[tilespmem:$0x5030] =	vst v0  }
0x18: {  	[tilespmem:$0x5040] =	vst v0  }
0x19: {  	[tilespmem:$0x5050] =	vst v0  }
0x1a: {  	[tilespmem:$0x5060] =	vst v0  }
0x1b: {  	[tilespmem:$0x5070] =	vst v0  }
0x1c: {  	[tilespmem:$0x5080] =	vst v0  }
0x1d: {  	[tilespmem:$0x5090] =	vst v0  }
0x1e: {  	[tilespmem:$0x50A0] =	vst v0  }
0x1f: {  	[tilespmem:$0x50B0] =	vst v0  }
0x20: {  	[tilespmem:$0x50C0] =	vst v0  }
0x21: {  	[tilespmem:$0x50D0] =	vst v0  }
0x22: {  	[tilespmem:$0x50E0] =	vst v0  }
0x23: {  	[tilespmem:$0x50F0] =	vst v0  }
0x24: {  	[tilespmem:$0x5100] =	vst v1  }
0x25: {  	[tilespmem:$0x5110] =	vst v1  }
0x26: {  	[tilespmem:$0x5120] =	vst v1  }
0x27: {  	[tilespmem:$0x5130] =	vst v1  }
0x28: {  	[tilespmem:$0x5140] =	vst v1  }
0x29: {  	[tilespmem:$0x5150] =	vst v1  }
0x2a: {  	[tilespmem:$0x5160] =	vst v1  }
0x2b: {  	[tilespmem:$0x5170] =	vst v1  }
0x2c: {  	[tilespmem:$0x5180] =	vst v1  }
0x2d: {  	[tilespmem:$0x5190] =	vst v1  }
0x2e: {  	[tilespmem:$0x51A0] =	vst v1  }
0x2f: {  	[tilespmem:$0x51B0] =	vst v1  }
0x30: {  	[tilespmem:$0x51C0] =	vst v1  }
0x31: {  	[tilespmem:$0x51D0] =	vst v1  }
0x32: {  	[tilespmem:$0x51E0] =	vst v1  }
0x33: {  	[tilespmem:$0x51F0] =	vst v1  }
0x34: {  	[tilespmem:$0x5200] =	vst v1  }
0x35: {  	[tilespmem:$0x5210] =	vst v1  }
0x36: {  	[tilespmem:$0x5220] =	vst v1  }
0x37: {  	[tilespmem:$0x5230] =	vst v1  }
0x38: {  	[tilespmem:$0x5240] =	vst v1  }
0x39: {  	[tilespmem:$0x5250] =	vst v1  }
0x3a: {  	[tilespmem:$0x5260] =	vst v1  }
0x3b: {  	[tilespmem:$0x5270] =	vst v1  }
0x3c: {  	[tilespmem:$0x5280] =	vst v1  }
0x3d: {  	[tilespmem:$0x5290] =	vst v1  }
0x3e: {  	[tilespmem:$0x52A0] =	vst v1  }
0x3f: {  	[tilespmem:$0x52B0] =	vst v1  }
0x40: {  	[tilespmem:$0x52C0] =	vst v1  }
0x41: {  	[tilespmem:$0x52D0] =	vst v1  }
0x42: {  	[tilespmem:$0x52E0] =	vst v1  }
0x43: {  	[tilespmem:$0x52F0] =	vst v1  }
0x44: {  	[tilespmem:$0x5300] =	vst v1  }
0x45: {  	[tilespmem:$0x5310] =	vst v1  }
0x46: {  	[tilespmem:$0x5320] =	vst v1  }
0x47: {  	[tilespmem:$0x5330] =	vst v1  }
0x48: {  	[tilespmem:$0x5340] =	vst v1  }
0x49: {  	[tilespmem:$0x5350] =	vst v1  }
0x4a: {  	[tilespmem:$0x5360] =	vst v1  }
0x4b: {  	[tilespmem:$0x5370] =	vst v1  }
0x4c: {  	[spmem:s5] =	stream.linear.scatter [tilespmem:s14], [sflag:$0x7], $0x280, $0x38;
	[tilespmem:$0x5880] =	vst v63  }
0x4d: {  	_ =	swait.ge [sflag:s15], $0x280  }
0x4e: {  	[sflag:s15] =	ssyncset.done $0x0  }
0x4f: {  	[sflag:s15] =	ssyncadd.s32 $0xFFFFFD80  }
0x50: {  	[spmem:s6] =	stream.linear.scatter [tilespmem:s14], [sflag:$0x7], $0x280, $0x38;
	[tilespmem:$0x5880] =	vst v63  }
0x51: {  	_ =	swait.ge [sflag:s15], $0x280  }
0x52: {  	[sflag:s15] =	ssyncset.done $0x0  }
0x53: {  	[sflag:s15] =	ssyncadd.s32 $0xFFFFFD80  }
0x54: {  	[tilespmem:s4], [sflag:$0x7] =	stream.linear.gather [hbm4b:s7+s4], $0x2700, $0x38;
	[tilespmem:$0x5880] =	vst v63  }
0x55: {  	_ =	swait.ge [sflag:s15], $0x2700  }
0x56: {  	[sflag:s15] =	ssyncset.done $0x0  }
0x57: {  	[sflag:s15] =	ssyncadd.s32 $0xFFFFD900  }
0x58: {  	[tilespmem:s16], [sflag:$0x7] =	stream.linear.gather [hbm4b:s8+s4], $0x2700, $0x38;
	[tilespmem:$0x5880] =	vst v63  }
0x59: {  	_ =	swait.ge [sflag:s15], $0x2700  }
0x5a: {  	[sflag:s15] =	ssyncset.done $0x0  }
0x5b: {  	s30 =	simm.s32 @!p0 $0x0;
	s31 =	simm.s32 @!p0 $0x4E00;
	[sflag:s15] =	ssyncadd.s32 $0xFFFFD900  }
0x5c: {  	[tilespmem:s31], [sflag:$0x7] =	stream.linear.gather @!p0 [hbm4b:s9+s30], $0x100, $0x38;
	[tilespmem:$0x5880] =	vst v63  }
0x5d: {  	s31 =	simm.s32 @!p0 $0x7  }
0x5e: {  	_ =	swait.ge @!p0 [sflag:s31], $0x100  }
0x5f: {  	[sflag:s31] =	ssyncset.done @!p0 $0x0  }
0x60: {  	s0 =	simm.s32 @!p0 $0x4F00;
	[sflag:s31] =	ssyncadd.s32 @!p0 $0xFFFFFF00  }
0x61: {  	[tilespmem:s0], [sflag:$0x7] =	stream.linear.gather @!p0 [hbm4b:s10+s30], $0x100, $0x38;
	[tilespmem:$0x5880] =	vst v63  }
0x62: {  	_ =	swait.ge @!p0 [sflag:s31], $0x100  }
0x63: {  	[sflag:s31] =	ssyncset.done @!p0 $0x0  }
0x64: {  	[sflag:s31] =	ssyncadd.s32 @!p0 $0xFFFFFF00  }
0x65: {  	[bflag:$0x0] =	sbarrier.arrive $0xFFFF  }
0x66: {  	[spmem:s2] =	stream.indirect.scatter.add.f32 [tilespmem:s18], [sflag:$0x1], $0x1, s4, s17, $0xb8;
	[tilespmem:$0x5880] =	vst v63  }
0x67: {  	_ = 	snop  }
0x68: {  	[spmem:s3] =	stream.indirect.scatter.add.f32 [tilespmem:s18], [sflag:$0x4], $0x1, s16, s17, $0xb8;
	[tilespmem:$0x5880] =	vst v63  }
0x69: {  	_ = 	snop  }
0x6a: {  	[spmem:s2] =	stream.indirect.scatter.add.f32 [tilespmem:s18], [sflag:$0x2], $0x1, s17, s17, $0xb8;
	[tilespmem:$0x5880] =	vst v63  }
0x6b: {  	_ = 	snop  }
0x6c: {  	[spmem:s3] =	stream.indirect.scatter.add.f32 [tilespmem:s18], [sflag:$0x5], $0x1, s19, s17, $0xb8;
	[tilespmem:$0x5880] =	vst v63  }
0x6d: {  	_ = 	snop  }
0x6e: {  	[spmem:s2] =	stream.indirect.scatter.add.f32 [tilespmem:s18], [sflag:$0x3], $0x1, s20, s17, $0xb8;
	[tilespmem:$0x5880] =	vst v63  }
0x6f: {  	_ = 	snop  }
0x70: {  	[spmem:s3] =	stream.indirect.scatter.add.f32 [tilespmem:s18], [sflag:$0x6], $0x1, s21, s17, $0xb8;
	[tilespmem:$0x5880] =	vst v63  }
0x71: {  	_ =	swait.ge [sflag:s22], $0x100  }
0x72: {  	[sflag:s22] =	ssyncset.done $0x0  }
0x73: {  	[sflag:s22] =	ssyncadd.s32 $0xFFFFFF00  }
0x74: {  	_ =	swait.ge [sflag:s23], $0x100  }
0x75: {  	[sflag:s23] =	ssyncset.done $0x0  }
0x76: {  	s1 =	simm.s32 $0x300;
	[sflag:s23] =	ssyncadd.s32 $0xFFFFFF00  }
0x77: {  	[spmem:s2] =	stream.indirect.scatter.add.f32 [tilespmem:s18], [sflag:$0x1], $0x1, s1, s17, $0xb8;
	[tilespmem:$0x5880] =	vst v63  }
0x78: {  	s1 =	simm.s32 $0x2A00  }
0x79: {  	[spmem:s3] =	stream.indirect.scatter.add.f32 [tilespmem:s18], [sflag:$0x4], $0x1, s1, s17, $0xb8;
	[tilespmem:$0x5880] =	vst v63  }
0x7a: {  	_ =	swait.ge [sflag:s24], $0x100  }
0x7b: {  	[sflag:s24] =	ssyncset.done $0x0  }
0x7c: {  	[sflag:s24] =	ssyncadd.s32 $0xFFFFFF00  }
0x7d: {  	_ =	swait.ge [sflag:s25], $0x100  }
0x7e: {  	[sflag:s25] =	ssyncset.done $0x0  }
0x7f: {  	s1 =	simm.s32 $0x400;
	[sflag:s25] =	ssyncadd.s32 $0xFFFFFF00  }
0x80: {  	[spmem:s2] =	stream.indirect.scatter.add.f32 [tilespmem:s18], [sflag:$0x2], $0x1, s1, s17, $0xb8;
	[tilespmem:$0x5880] =	vst v63  }
0x81: {  	s1 =	simm.s32 $0x2B00  }
0x82: {  	[spmem:s3] =	stream.indirect.scatter.add.f32 [tilespmem:s18], [sflag:$0x5], $0x1, s1, s17, $0xb8;
	[tilespmem:$0x5880] =	vst v63  }
0x83: {  	_ =	swait.ge [sflag:s26], $0x100  }
0x84: {  	[sflag:s26] =	ssyncset.done $0x0  }
0x85: {  	[sflag:s26] =	ssyncadd.s32 $0xFFFFFF00  }
0x86: {  	_ =	swait.ge [sflag:s28], $0x100  }
0x87: {  	s30 =	simm.s32 $0xC00;
	[sflag:s28] =	ssyncset.done $0x0  }
0x88: {  	s31 =	simm.s32 $0x2C00;
	s1 =	simm.s32 $0x500;
	[sflag:s28] =	ssyncadd.s32 $0xFFFFFF00  }
0x89: {  	[spmem:s2] =	stream.indirect.scatter.add.f32 [tilespmem:s18], [sflag:$0x3], $0x1, s1, s17, $0xb8;
	[tilespmem:$0x5880] =	vst v63  }
.LBB2_2:
0x8a: {  	[spmem:s3] =	stream.indirect.scatter.add.f32 [tilespmem:s18], [sflag:$0x6], $0x1, s31, s17, $0xb8;
	[tilespmem:$0x5880] =	vst v63  }
0x8b: {  	s0 =	smov.u32 s30  }
0x8c: {  	p1 =	sne.s32 s30, $0x8400;
	s30 =	sadd.s32 $0xC00, s30;
	_ =	swait.ge [sflag:s22], $0x100  }
0x8d: {  	[sflag:s22] =	ssyncset.done $0x0  }
0x8e: {  	[sflag:s22] =	ssyncadd.s32 $0xFFFFFF00  }
0x8f: {  	_ =	swait.ge [sflag:s23], $0x100  }
0x90: {  	s0 =	sshra.s32 s0, $0x2;
	[sflag:s23] =	ssyncset.done $0x0  }
0x91: {  	s31 =	sadd.s32 $0x300, s0;
	[sflag:s23] =	ssyncadd.s32 $0xFFFFFF00  }
0x92: {  	[spmem:s2] =	stream.indirect.scatter.add.f32 [tilespmem:s18], [sflag:$0x1], $0x1, s31, s17, $0xb8;
	[tilespmem:$0x5880] =	vst v63  }
0x93: {  	s31 =	sadd.s32 $0x2A00, s0  }
0x94: {  	[spmem:s3] =	stream.indirect.scatter.add.f32 [tilespmem:s18], [sflag:$0x4], $0x1, s31, s17, $0xb8;
	[tilespmem:$0x5880] =	vst v63  }
0x95: {  	_ =	swait.ge [sflag:s24], $0x100  }
0x96: {  	[sflag:s24] =	ssyncset.done $0x0  }
0x97: {  	[sflag:s24] =	ssyncadd.s32 $0xFFFFFF00  }
0x98: {  	_ =	swait.ge [sflag:s25], $0x100  }
0x99: {  	[sflag:s25] =	ssyncset.done $0x0  }
0x9a: {  	s31 =	sadd.s32 $0x400, s0;
	[sflag:s25] =	ssyncadd.s32 $0xFFFFFF00  }
0x9b: {  	[spmem:s2] =	stream.indirect.scatter.add.f32 [tilespmem:s18], [sflag:$0x2], $0x1, s31, s17, $0xb8;
	[tilespmem:$0x5880] =	vst v63  }
0x9c: {  	s31 =	sadd.s32 $0x2B00, s0  }
0x9d: {  	[spmem:s3] =	stream.indirect.scatter.add.f32 [tilespmem:s18], [sflag:$0x5], $0x1, s31, s17, $0xb8;
	[tilespmem:$0x5880] =	vst v63  }
0x9e: {  	_ =	swait.ge [sflag:s26], $0x100  }
0x9f: {  	[sflag:s26] =	ssyncset.done $0x0  }
0xa0: {  	[sflag:s26] =	ssyncadd.s32 $0xFFFFFF00  }
.Ltmp0:
0xa1: {  	_ =	swait.ge [sflag:s28], $0x100;
	(pc) =	sbr.rel @p1 .LBB2_2-.Ltmp0, $4  }
0xa2: {  	[sflag:s28] =	ssyncset.done $0x0  }
0xa3: {  	s31 =	sadd.s32 $0x500, s0;
	[sflag:s28] =	ssyncadd.s32 $0xFFFFFF00  }
0xa4: {  	[spmem:s2] =	stream.indirect.scatter.add.f32 [tilespmem:s18], [sflag:$0x3], $0x1, s31, s17, $0xb8;
	[tilespmem:$0x5880] =	vst v63  }
0xa5: {  	s31 =	sadd.s32 $0x2C00, s0  }
0xa6: {  	[spmem:s3] =	stream.indirect.scatter.add.f32 [tilespmem:s18], [sflag:$0x6], $0x1, s31, s17, $0xb8;
	[tilespmem:$0x5880] =	vst v63  }
0xa7: {  	_ =	swait.ge [sflag:s22], $0x100  }
0xa8: {  	[sflag:s22] =	ssyncset.done $0x0  }
0xa9: {  	[sflag:s22] =	ssyncadd.s32 $0xFFFFFF00  }
0xaa: {  	_ =	swait.ge [sflag:s23], $0x100  }
0xab: {  	[sflag:s23] =	ssyncset.done $0x0  }
0xac: {  	[sflag:s23] =	ssyncadd.s32 $0xFFFFFF00  }
0xad: {  	_ =	swait.ge [sflag:s24], $0x100  }
0xae: {  	[sflag:s24] =	ssyncset.done $0x0  }
0xaf: {  	[sflag:s24] =	ssyncadd.s32 $0xFFFFFF00  }
0xb0: {  	_ =	swait.ge [sflag:s25], $0x100  }
0xb1: {  	[sflag:s25] =	ssyncset.done $0x0  }
0xb2: {  	[sflag:s25] =	ssyncadd.s32 $0xFFFFFF00  }
0xb3: {  	_ =	swait.ge [sflag:s26], $0x100  }
0xb4: {  	[sflag:s26] =	ssyncset.done $0x0  }
0xb5: {  	[sflag:s26] =	ssyncadd.s32 $0xFFFFFF00  }
0xb6: {  	_ =	swait.ge [sflag:s28], $0x100  }
0xb7: {  	s0 =	simm.s32 @!p0 $0x100;
	[sflag:s28] =	ssyncset.done $0x0  }
0xb8: {  	s30 =	simm.s32 @!p0 $0x4E00;
	s31 =	simm.s32 @!p0 $0x5000;
	[sflag:s28] =	ssyncadd.s32 $0xFFFFFF00  }
0xb9: {  	[spmem:s2] =	stream.indirect.scatter.add.f32 @!p0 [tilespmem:s31], [sflag:$0x7], $0x1, s30, s0, $0xb8;
	[tilespmem:$0x5880] =	vst v63  }
0xba: {  	s30 =	simm.s32 @!p0 $0x7  }
0xbb: {  	_ =	swait.ge @!p0 [sflag:s30], $0x100  }
0xbc: {  	[sflag:s30] =	ssyncset.done @!p0 $0x0  }
0xbd: {  	s1 =	simm.s32 @!p0 $0x4F00;
	[sflag:s30] =	ssyncadd.s32 @!p0 $0xFFFFFF00  }
0xbe: {  	[spmem:s3] =	stream.indirect.scatter.add.f32 @!p0 [tilespmem:s31], [sflag:$0x7], $0x1, s1, s0, $0xb8;
	[tilespmem:$0x5880] =	vst v63  }
0xbf: {  	_ =	swait.ge @!p0 [sflag:s30], $0x100  }
0xc0: {  	s1 =	stileid.u32;
	[sflag:s30] =	ssyncset.done @!p0 $0x0  }
0xc1: {  	s0 =	sshll.u32 s1, $0x6;
	[sflag:s30] =	ssyncadd.s32 @!p0 $0xFFFFFF00  }
0xc2: {  	s0 =	sor.u32 $0x1C07, s0;
	s30 =	sshrl.u32 s5, $0x3;
	[bflag:$0x0] =	sbarrier.arrive $0xFFFF  }
0xc3: {  	[hbm:s11], [sflag:s0] =	dma.local [spmem:s30], $0x50  }
0xc4: {  	s29 =	sadd.s32 $0x1, s29;
	_ =	swait.ge [sflag:s15], $0x50  }
0xc5: {  	p1 =	sne.s32 s29, s13;
	[sflag:s15] =	ssyncset.done $0x0  }
.Ltmp1:
0xc6: {  	s31 =	sshrl.u32 s6, $0x3;
	[sflag:s15] =	ssyncadd.s32 $0xFFFFFFB0;
	(pc) =	sbr.rel @p1 .LBB2_1-.Ltmp1, $4  }
0xc7: {  	[hbm:s12], [sflag:s0] =	dma.local [spmem:s31], $0x50  }
0xc8: {  	_ =	swait.ge [sflag:s15], $0x50  }
0xc9: {  	[sflag:s15] =	ssyncset.done $0x0  }
0xca: {  	[sflag:s15] =	ssyncadd.s32 $0xFFFFFFB0  }
0xcb: {  	_ =	sfence.sel $0x180000  }
0xcc: {  	[bflag:$0x0] =	sbarrier.arrive $0xFFFF  }
0xcd: {  	_ =	strace $0x90000047  }
0xce: {  	s0 =	stileid.u32;
	[bflag:$0x2] =	sbarrier.arrive $0xFFFF  }
0xcf: {  	p0 =	sne.s32 s0, $0x0;
	s0 =	rddreg [dreg:$0x4]  }
0xd0: {  	s0 =	sadd.s32 @!p0 $0x100000, s0  }
0xd1: {  	[sflag:s0] =	ssyncadd.tile.s32 @!p0 $0x1;
	_ =	shalt  }
.Lfunc_end2:
_tile_overlayer_lowered:
.L_overlay_start_2:
0xd2: {  	(tag) =	ssettag $0x2  }
0xd3: {  	s0 =	rddreg [dreg:$0x0];
	s2 =	stileid.u32  }
0xd4: {  	s1 =	rddreg [dreg:$0x1];
	p0 =	sne.s32 s2, $0x0  }
0xd5: {  	s3 =	rddreg [dreg:$0x2];
	[bflag:$0x3] =	sbarrier.arrive $0xFFFF;
	s2 =	simm.s32 @!p0 $0x1C07  }
0xd6: {  	[timem:s3], [sflag:s2] =	dma.local @!p0 [hbm:s0], s1  }
0xd7: {  	s0 =	simm.s32 @!p0 $0x7  }
0xd8: {  	_ =	swait.ge @!p0 [sflag:s0], s1  }
0xd9: {  	s1 =	ssub.s32 @!p0 $0x0, s1;
	[sflag:s0] =	ssyncset.done @!p0 $0x0  }
0xda: {  	[sflag:s0] =	ssyncadd.s32 @!p0 s1  }
0xdb: {  	[bflag:$0x3] =	sbarrier.arrive $0xFFFF  }
0xdc: {  	_ =	shalt  }

</sc_bundles>
